<compile_context>
chip_gen: v7x
topology: tpu7x:2x2x1
jax: 0.10.2.dev20260603
libtpu: 0.0.44.dev20260713+nightly
codegen_flags: <defaults>
</compile_context>

<pallas_src>
import functools

import jax
import jax.numpy as jnp
from jax import lax
from jax.experimental import pallas as pl
from jax.experimental.pallas import tpu as pltpu
from jax.experimental.pallas import tpu_sc as plsc

B = 8
N = 1000
C = 81
K = 100
MIN_CONF = 0.7
NMS_THR = 0.3
N1 = 1024
NCH = N1 // 16
NC = 96
BIG = 2**30


def _dense_body(rois_ref, probs_ref, flat_ref, osc_ref, oy1_ref, ox1_ref,
                oy2_ref, ox2_ref, ocl_ref):
    for b in range(B):
        _dense_one(rois_ref[b], probs_ref[:, b, :], flat_ref[b],
                   b, osc_ref, oy1_ref, ox1_ref, oy2_ref, ox2_ref, ocl_ref)


def _dense_one(rois, probs, flat4, b, osc_ref, oy1_ref, ox1_ref,
               oy2_ref, ox2_ref, ocl_ref):
    m = jnp.max(probs, axis=0, keepdims=True)
    iota_c = lax.broadcasted_iota(jnp.int32, (C, N), 0)
    cid = jnp.min(jnp.where(probs == m, iota_c, C), axis=0, keepdims=True)

    maskf = (iota_c == cid).astype(jnp.float32)
    s = flat4 * maskf[:, None, :]
    while s.shape[0] > 1:
        half = s.shape[0] // 2
        even = s[:half] + s[half:2 * half]
        if s.shape[0] % 2:
            even = jnp.concatenate(
                [even[:1] + s[2 * half:], even[1:]], axis=0)
        s = even
    dsel = s[0]
    dy = dsel[0:1] * 0.1
    dx = dsel[1:2] * 0.1
    dh = dsel[2:3] * 0.2
    dw = dsel[3:4] * 0.2

    ry1 = rois[0:1]
    rx1 = rois[1:2]
    ry2 = rois[2:3]
    rx2 = rois[3:4]
    h = ry2 - ry1
    w = rx2 - rx1
    cy = ry1 + 0.5 * h
    cx = rx1 + 0.5 * w
    cy = cy + dy * h
    cx = cx + dx * w
    h = h * jnp.exp(dh)
    w = w * jnp.exp(dw)
    y1 = jnp.clip(cy - 0.5 * h, 0.0, 1.0)
    x1 = jnp.clip(cx - 0.5 * w, 0.0, 1.0)
    y2 = jnp.clip(cy + 0.5 * h, 0.0, 1.0)
    x2 = jnp.clip(cx + 0.5 * w, 0.0, 1.0)

    valid = (cid > 0) & (m >= MIN_CONF)
    sc = jnp.where(valid, m, -1.0)
    clsf = cid.astype(jnp.float32)

    padn = jnp.full((N1 - N,), -1.0, jnp.float32)
    padz = jnp.zeros((N1 - N,), jnp.float32)
    o = b * N1
    osc_ref[pl.ds(o, N1)] = jnp.concatenate([jnp.reshape(sc, (N,)), padn])
    oy1_ref[pl.ds(o, N1)] = jnp.concatenate([jnp.reshape(y1, (N,)), padz])
    ox1_ref[pl.ds(o, N1)] = jnp.concatenate([jnp.reshape(x1, (N,)), padz])
    oy2_ref[pl.ds(o, N1)] = jnp.concatenate([jnp.reshape(y2, (N,)), padz])
    ox2_ref[pl.ds(o, N1)] = jnp.concatenate([jnp.reshape(x2, (N,)), padz])
    ocl_ref[pl.ds(o, N1)] = jnp.concatenate([jnp.reshape(clsf, (N,)), padz])


def _sc_nms_body(hsc, hy1, hx1, hy2, hx2, hcl, out_hbm,
                 dsc, dy1, dx1, dy2, dx2, dcl,
                 ccl, rnk, lst,
                 bsc, by1, bx1, by2, bx2, bcl, bidx,
                 counts, bases, wbase, cmax, ctie, obuf, dsem):
    wid = lax.axis_index("s") * 2 + lax.axis_index("c")

    @pl.when(wid < B)
    def _():
        base = wid * N1
        cps = [
            pltpu.make_async_copy(hsc.at[pl.ds(base, N1)], dsc, dsem),
            pltpu.make_async_copy(hy1.at[pl.ds(base, N1)], dy1, dsem),
            pltpu.make_async_copy(hx1.at[pl.ds(base, N1)], dx1, dsem),
            pltpu.make_async_copy(hy2.at[pl.ds(base, N1)], dy2, dsem),
            pltpu.make_async_copy(hx2.at[pl.ds(base, N1)], dx2, dsem),
            pltpu.make_async_copy(hcl.at[pl.ds(base, N1)], dcl, dsem),
        ]
        for cp in cps:
            cp.start()
        for cp in cps:
            cp.wait()

        iota = lax.iota(jnp.int32, 16)
        zeros16i = jnp.zeros((16,), jnp.int32)
        zeros16f = jnp.zeros((16,), jnp.float32)

        for t in range(NC // 16):
            counts[pl.ds(t * 16, 16)] = zeros16i

        def body1(q, c):
            b16 = q * 16
            cls = dcl[pl.ds(b16, 16)].astype(jnp.int32)
            cnt, is_last = plsc.scan_count(cls)
            rank = cnt - 1
            ccl[pl.ds(b16, 16)] = cls
            rnk[pl.ds(b16, 16)] = rank
            lst[pl.ds(b16, 16)] = jnp.where(is_last,
                                            jnp.full((16,), 1, jnp.int32),
                                            jnp.zeros((16,), jnp.int32))
            plsc.addupdate_scatter(counts, [cls], cnt, mask=is_last)
            return c

        lax.fori_loop(0, NCH, body1, 0)

        run = jnp.int32(0)
        for t in range(NC // 16):
            v = counts[pl.ds(t * 16, 16)]
            cs = plsc.cumsum(v)
            ex = cs - v + run
            bases[pl.ds(t * 16, 16)] = ex
            wbase[pl.ds(t * 16, 16)] = ex
            run = run + jnp.max(cs)

        def body3(q, c):
            b16 = q * 16
            cls = ccl[pl.ds(b16, 16)]
            rank = rnk[pl.ds(b16, 16)]
            is_last = lst[pl.ds(b16, 16)] == 1
            pos = plsc.load_gather(wbase, [cls]) + rank
            plsc.store_scatter(bsc, [pos], dsc[pl.ds(b16, 16)])
            plsc.store_scatter(by1, [pos], dy1[pl.ds(b16, 16)])
            plsc.store_scatter(bx1, [pos], dx1[pl.ds(b16, 16)])
            plsc.store_scatter(by2, [pos], dy2[pl.ds(b16, 16)])
            plsc.store_scatter(bx2, [pos], dx2[pl.ds(b16, 16)])
            plsc.store_scatter(bcl, [pos], dcl[pl.ds(b16, 16)])
            plsc.store_scatter(bidx, [pos], b16 + iota)
            plsc.addupdate_scatter(wbase, [cls], rank + 1, mask=is_last)
            return c

        lax.fori_loop(0, NCH, body3, 0)

        def body4(q, c):
            b16 = q * 16
            s = bsc[pl.ds(b16, 16)]
            mc = jnp.max(s)
            bi = bidx[pl.ds(b16, 16)]
            tc = jnp.min(jnp.where(s == mc, bi, BIG))
            lane0 = iota == 0
            qv = jnp.full((16,), q, jnp.int32)
            plsc.store_scatter(cmax, [qv], jnp.full((16,), mc, jnp.float32),
                               mask=lane0)
            plsc.store_scatter(ctie, [qv], jnp.full((16,), tc, jnp.int32),
                               mask=lane0)
            return c

        lax.fori_loop(0, NCH, body4, 0)

        def gmax(c0, c1, c2, c3):
            return jnp.max(jnp.maximum(jnp.maximum(c0, c1),
                                       jnp.maximum(c2, c3)))

        def wcond(st):
            return (st[0] < K) & (st[1] > 0.0)

        def wbody(st):
            k, m, c0, c1, c2, c3, t0, t1, t2, t3 = st
            big = jnp.full((16,), BIG, jnp.int32)
            a0 = jnp.where(c0 == m, t0, big)
            a1 = jnp.where(c1 == m, t1, big)
            a2 = jnp.where(c2 == m, t2, big)
            a3 = jnp.where(c3 == m, t3, big)
            tmin = jnp.min(jnp.minimum(jnp.minimum(a0, a1),
                                       jnp.minimum(a2, a3)))
            q0 = jnp.where((c0 == m) & (t0 == tmin), iota, big)
            q1 = jnp.where((c1 == m) & (t1 == tmin), iota + 16, big)
            q2 = jnp.where((c2 == m) & (t2 == tmin), iota + 32, big)
            q3 = jnp.where((c3 == m) & (t3 == tmin), iota + 48, big)
            qs = jnp.min(jnp.minimum(jnp.minimum(q0, q1),
                                     jnp.minimum(q2, q3)))
            qs = jnp.clip(qs, 0, NCH - 1)
            b16 = qs * 16
            s = bsc[pl.ds(b16, 16)]
            bi = bidx[pl.ds(b16, 16)]
            ps = jnp.min(jnp.where((s == m) & (bi == tmin), iota, 15))
            g = b16 + ps
            gv = jnp.full((16,), g, jnp.int32)
            lane0 = iota == 0
            vy1 = plsc.load_gather(by1, [gv])
            vx1 = plsc.load_gather(bx1, [gv])
            vy2 = plsc.load_gather(by2, [gv])
            vx2 = plsc.load_gather(bx2, [gv])
            vcl = plsc.load_gather(bcl, [gv])
            soff = vcl * 10.0
            sny1 = vy1 + soff
            snx1 = vx1 + soff
            sny2 = vy2 + soff
            snx2 = vx2 + soff
            sarea = (sny2 - sny1) * (snx2 - snx1)
            out16 = jnp.where(iota == 0, vy1, 0.0)
            out16 = jnp.where(iota == 1, vx1, out16)
            out16 = jnp.where(iota == 2, vy2, out16)
            out16 = jnp.where(iota == 3, vx2, out16)
            out16 = jnp.where(iota == 4, vcl, out16)
            out16 = jnp.where(iota == 5, jnp.full((16,), m), out16)
            obuf[pl.ds(k * 16, 16)] = out16
            civ = jnp.clip(vcl.astype(jnp.int32), 0, NC - 1)
            a = jnp.max(plsc.load_gather(bases, [civ]))
            bnd = a + jnp.max(plsc.load_gather(counts, [civ]))
            qa = jnp.clip(lax.div(a, 16), 0, NCH - 1)
            qb = jnp.clip(lax.div(bnd + 15, 16), 0, NCH)

            def sbody(qq, tabs):
                sc0, sc1, sc2, sc3, st0, st1, st2, st3 = tabs
                o = qq * 16
                gi = o + iota
                sv = bsc[pl.ds(o, 16)]
                voff = bcl[pl.ds(o, 16)] * 10.0
                vny1 = by1[pl.ds(o, 16)] + voff
                vnx1 = bx1[pl.ds(o, 16)] + voff
                vny2 = by2[pl.ds(o, 16)] + voff
                vnx2 = bx2[pl.ds(o, 16)] + voff
                varea = (vny2 - vny1) * (vnx2 - vnx1)
                yy1 = jnp.maximum(vny1, sny1)
                xx1 = jnp.maximum(vnx1, snx1)
                yy2 = jnp.minimum(vny2, sny2)
                xx2 = jnp.minimum(vnx2, snx2)
                inter = (jnp.maximum(yy2 - yy1, 0.0)
                         * jnp.maximum(xx2 - xx1, 0.0))
                union = sarea + varea - inter
                iou = inter / jnp.maximum(union, 1e-8)
                kill = ((gi >= a) & (gi < bnd)
                        & ((iou > NMS_THR) | (gi == g)))
                s2 = jnp.where(kill, -1.0, sv)
                bsc[pl.ds(o, 16)] = s2
                mc = jnp.max(s2)
                tc = jnp.min(jnp.where(s2 == mc, bidx[pl.ds(o, 16)], BIG))
                h0 = iota == qq
                h1 = iota + 16 == qq
                h2 = iota + 32 == qq
                h3 = iota + 48 == qq
                sc0 = jnp.where(h0, mc, sc0)
                sc1 = jnp.where(h1, mc, sc1)
                sc2 = jnp.where(h2, mc, sc2)
                sc3 = jnp.where(h3, mc, sc3)
                st0 = jnp.where(h0, tc, st0)
                st1 = jnp.where(h1, tc, st1)
                st2 = jnp.where(h2, tc, st2)
                st3 = jnp.where(h3, tc, st3)
                return (sc0, sc1, sc2, sc3, st0, st1, st2, st3)

            tabs = (c0, c1, c2, c3, t0, t1, t2, t3)
            tabs = sbody(qa, tabs)
            tabs = sbody(jnp.minimum(qa + 1, NCH - 1), tabs)
            tabs = lax.fori_loop(qa + 2, qb, sbody, tabs)
            c0, c1, c2, c3, t0, t1, t2, t3 = tabs
            return (k + 1, gmax(c0, c1, c2, c3),
                    c0, c1, c2, c3, t0, t1, t2, t3)

        i0 = cmax[pl.ds(0, 16)]
        i1 = cmax[pl.ds(16, 16)]
        i2 = cmax[pl.ds(32, 16)]
        i3 = cmax[pl.ds(48, 16)]
        j0 = ctie[pl.ds(0, 16)]
        j1 = ctie[pl.ds(16, 16)]
        j2 = ctie[pl.ds(32, 16)]
        j3 = ctie[pl.ds(48, 16)]
        st = lax.while_loop(
            wcond, wbody,
            (jnp.int32(0), gmax(i0, i1, i2, i3),
             i0, i1, i2, i3, j0, j1, j2, j3))
        kf = st[0]

        def bodyz(q, c):
            obuf[pl.ds(q * 16, 16)] = zeros16f
            return c

        lax.fori_loop(kf, K, bodyz, 0)
        pltpu.sync_copy(obuf, out_hbm.at[wid])


def _sc_nms(data):
    mesh = plsc.VectorSubcoreMesh(core_axis_name="c", subcore_axis_name="s")
    f32 = jnp.float32
    i32 = jnp.int32
    run = functools.partial(
        pl.kernel,
        mesh=mesh,
        compiler_params=pltpu.CompilerParams(needs_layout_passes=False),
        out_type=jax.ShapeDtypeStruct((B, K * 16), f32),
        scratch_types=[
            pltpu.VMEM((N1,), f32),
            pltpu.VMEM((N1,), f32),
            pltpu.VMEM((N1,), f32),
            pltpu.VMEM((N1,), f32),
            pltpu.VMEM((N1,), f32),
            pltpu.VMEM((N1,), f32),
            pltpu.VMEM((N1,), i32),
            pltpu.VMEM((N1,), i32),
            pltpu.VMEM((N1,), i32),
            pltpu.VMEM((N1,), f32),
            pltpu.VMEM((N1,), f32),
            pltpu.VMEM((N1,), f32),
            pltpu.VMEM((N1,), f32),
            pltpu.VMEM((N1,), f32),
            pltpu.VMEM((N1,), f32),
            pltpu.VMEM((N1,), i32),
            pltpu.VMEM((NC,), i32),
            pltpu.VMEM((NC,), i32),
            pltpu.VMEM((NC,), i32),
            pltpu.VMEM((NCH,), f32),
            pltpu.VMEM((NCH,), i32),
            pltpu.VMEM((K * 16,), f32),
            pltpu.SemaphoreType.DMA,
        ],
    )(_sc_nms_body)
    return run(*data)


def kernel(rois, mrcnn_class, mrcnn_bbox):
    rois_t = jnp.transpose(rois, (0, 2, 1))
    probs_t = jnp.transpose(mrcnn_class, (2, 0, 1))
    flat_t = jnp.transpose(mrcnn_bbox, (0, 2, 3, 1))
    data = pl.pallas_call(
        _dense_body,
        out_shape=[jax.ShapeDtypeStruct((B * N1,), jnp.float32)] * 6,
    )(rois_t, probs_t, flat_t)
    out = _sc_nms(data)
    det = out.reshape(B, K, 16)[:, :, :6]
    return det

# --- scband reference (transcript-rebuilt; emitter-appended) ---
"""Pipeline reference for scband-detection-layer-86517821216529 (READ-ONLY COPY).

The authoritative reference and input builder live on the scoring server;
editing this copy changes nothing except your own understanding.
"""

import jax, jax.numpy as jnp
import numpy as np

BATCH = 8
N = 1000
NUM_CLASSES = 81
MAX_INST = 100
WINDOW = jnp.array([0.0, 0.0, 1.0, 1.0], dtype=jnp.float32)
BBOX_STD = jnp.array([0.1, 0.1, 0.2, 0.2], dtype=jnp.float32)
MIN_CONF = 0.7
NMS_THR = 0.3


def setup_inputs(seed: int = 0) -> dict:
    key = jax.random.key(seed)
    k1, k2, k3 = jax.random.split(key, 3)
    # rois: valid normalized boxes (y1,x1,y2,x2) with y1<y2, x1<x2
    coords = jax.random.uniform(k1, (BATCH, N, 2, 2), dtype=jnp.float32)
    lo = coords.min(axis=2)
    hi = coords.max(axis=2)
    rois = jnp.concatenate([lo, hi], axis=-1)
    mrcnn_class = jax.random.uniform(k2, (BATCH, N, NUM_CLASSES), dtype=jnp.float32)
    mrcnn_bbox = jax.random.normal(k3, (BATCH, N, NUM_CLASSES, 4), dtype=jnp.float32) * 0.1
    return {"rois": rois, "mrcnn_class": mrcnn_class, "mrcnn_bbox": mrcnn_bbox}


def _apply_box_deltas(boxes, deltas):
    h = boxes[:, 2] - boxes[:, 0]
    w = boxes[:, 3] - boxes[:, 1]
    cy = boxes[:, 0] + 0.5 * h
    cx = boxes[:, 1] + 0.5 * w
    cy = cy + deltas[:, 0] * h
    cx = cx + deltas[:, 1] * w
    h = h * jnp.exp(deltas[:, 2])
    w = w * jnp.exp(deltas[:, 3])
    return jnp.stack([cy - 0.5 * h, cx - 0.5 * w, cy + 0.5 * h, cx + 0.5 * w], axis=1)


def _clip_boxes(boxes, window):
    wy1, wx1, wy2, wx2 = window[0], window[1], window[2], window[3]
    y1 = jnp.clip(boxes[:, 0], wy1, wy2)
    x1 = jnp.clip(boxes[:, 1], wx1, wx2)
    y2 = jnp.clip(boxes[:, 2], wy1, wy2)
    x2 = jnp.clip(boxes[:, 3], wx1, wx2)
    return jnp.stack([y1, x1, y2, x2], axis=1)


def _iou_matrix(boxes):
    y1, x1, y2, x2 = boxes[:, 0], boxes[:, 1], boxes[:, 2], boxes[:, 3]
    area = (y2 - y1) * (x2 - x1)
    yy1 = jnp.maximum(y1[:, None], y1[None, :])
    xx1 = jnp.maximum(x1[:, None], x1[None, :])
    yy2 = jnp.minimum(y2[:, None], y2[None, :])
    xx2 = jnp.minimum(x2[:, None], x2[None, :])
    inter = jnp.clip(yy2 - yy1, 0.0) * jnp.clip(xx2 - xx1, 0.0)
    union = area[:, None] + area[None, :] - inter
    return inter / jnp.maximum(union, 1e-8)


def _refine_detections(rois, probs, deltas):
    n = rois.shape[0]
    class_ids = jnp.argmax(probs, axis=1)
    ar = jnp.arange(n)
    class_scores = probs[ar, class_ids]
    deltas_specific = deltas[ar, class_ids]
    refined = _apply_box_deltas(rois, deltas_specific * BBOX_STD)
    refined = _clip_boxes(refined, WINDOW)
    # keep: non-background and above min confidence
    valid = (class_ids > 0) & (class_scores >= MIN_CONF)
    scores = jnp.where(valid, class_scores, -1.0)
    # sort by score descending
    order = jnp.argsort(-scores)
    boxes_s = refined[order]
    scores_s = scores[order]
    cls_s = class_ids[order]
    # class-aware NMS via per-class coordinate offset (equivalent to per-class NMS)
    nms_boxes = boxes_s + cls_s.astype(jnp.float32)[:, None] * 10.0
    iou = _iou_matrix(nms_boxes)
    keep0 = scores_s > 0.0
    idx = jnp.arange(n)

    def body(i, keep):
        sup = (iou[i] > NMS_THR) & keep[i] & (idx > i)
        return keep & (~sup)

    keep = jax.lax.fori_loop(0, n, body, keep0)
    final_scores = jnp.where(keep, scores_s, -1.0)
    top_vals, top_idx = jax.lax.top_k(final_scores, MAX_INST)
    det_boxes = boxes_s[top_idx]
    det_cls = cls_s[top_idx].astype(jnp.float32)
    det_sc = scores_s[top_idx]
    det = jnp.concatenate([det_boxes, det_cls[:, None], det_sc[:, None]], axis=1)
    # zero-pad invalid detections
    det = jnp.where((top_vals > 0.0)[:, None], det, 0.0)
    return det


def reference(rois, mrcnn_class, mrcnn_bbox):
    det = jax.vmap(_refine_detections)(rois, mrcnn_class, mrcnn_bbox)
    return jnp.reshape(det, (BATCH, MAX_INST, 6))

if __name__ == "__main__":
    import jax
    _d = setup_inputs()
    print(jax.jit(kernel)(*tuple(_d.values())))

</pallas_src>

<mosaic_0001>
#map = affine_map<(d0, d1) -> (0)>
#map1 = affine_map<(d0, d1) -> (0, 0)>
module attributes {stable_mosaic.version = 14 : i64} {
  func.func @_sc_nms_body(%arg0: i32, %arg1: i32, %arg2: memref<8192xf32, #tpu.memory_space<hbm>>, %arg3: memref<8192xf32, #tpu.memory_space<hbm>>, %arg4: memref<8192xf32, #tpu.memory_space<hbm>>, %arg5: memref<8192xf32, #tpu.memory_space<hbm>>, %arg6: memref<8192xf32, #tpu.memory_space<hbm>>, %arg7: memref<8192xf32, #tpu.memory_space<hbm>>, %arg8: memref<8x1600xf32, #tpu.memory_space<hbm>>, %arg9: memref<1024xf32, #tpu.memory_space<vmem>>, %arg10: memref<1024xf32, #tpu.memory_space<vmem>>, %arg11: memref<1024xf32, #tpu.memory_space<vmem>>, %arg12: memref<1024xf32, #tpu.memory_space<vmem>>, %arg13: memref<1024xf32, #tpu.memory_space<vmem>>, %arg14: memref<1024xf32, #tpu.memory_space<vmem>>, %arg15: memref<1024xi32, #tpu.memory_space<vmem>>, %arg16: memref<1024xi32, #tpu.memory_space<vmem>>, %arg17: memref<1024xi32, #tpu.memory_space<vmem>>, %arg18: memref<1024xf32, #tpu.memory_space<vmem>>, %arg19: memref<1024xf32, #tpu.memory_space<vmem>>, %arg20: memref<1024xf32, #tpu.memory_space<vmem>>, %arg21: memref<1024xf32, #tpu.memory_space<vmem>>, %arg22: memref<1024xf32, #tpu.memory_space<vmem>>, %arg23: memref<1024xf32, #tpu.memory_space<vmem>>, %arg24: memref<1024xi32, #tpu.memory_space<vmem>>, %arg25: memref<96xi32, #tpu.memory_space<vmem>>, %arg26: memref<96xi32, #tpu.memory_space<vmem>>, %arg27: memref<96xi32, #tpu.memory_space<vmem>>, %arg28: memref<64xf32, #tpu.memory_space<vmem>>, %arg29: memref<64xi32, #tpu.memory_space<vmem>>, %arg30: memref<1600xf32, #tpu.memory_space<vmem>>, %arg31: memref<!tpu.dma_semaphore, #tpu.memory_space<semaphore_mem>>) attributes {dimension_semantics = [#tpu.dimension_semantics<core_parallel>, #tpu.dimension_semantics<subcore_parallel>], iteration_bounds = array<i64: 2, 16>, scalar_prefetch = 0 : i64, scratch_operands = 23 : i64, tpu.core_type = #tpu.core_type<sc_vector_subcore>, window_params = [{transform_indices = #map}, {transform_indices = #map}, {transform_indices = #map}, {transform_indices = #map}, {transform_indices = #map}, {transform_indices = #map}, {transform_indices = #map1}]} {
    %mul3A = arith.constant 2 : i32
    %mul3A_0 = arith.muli %arg1, %mul3A : i32
    %add3A = arith.addi %mul3A_0, %arg0 : i32
    %lt3A = arith.constant 8 : i32
    %lt3A_1 = arith.cmpi slt, %add3A, %lt3A : i32
    %convert_element_type3A = arith.extui %lt3A_1 : i1 to i32
    %cond3A = arith.constant 0 : i32
    %cond3A_2 = arith.cmpi ne, %convert_element_type3A, %cond3A : i32
    scf.if %cond3A_2 {
      %mul3A_3 = arith.constant 1024 : i32
      %mul3A_4 = arith.muli %add3A, %mul3A_3 : i32
      %dma_start3A = tpu.memref_slice %arg2[%mul3A_4] : memref<8192xf32, #tpu.memory_space<hbm>> -> memref<1024xf32, #tpu.memory_space<hbm>>
      %dma_start3A_5 = tpu.memref_slice %arg2[%mul3A_4] : memref<8192xf32, #tpu.memory_space<hbm>> -> memref<1024xf32, #tpu.memory_space<hbm>>
      tpu.enqueue_dma source(%dma_start3A_5 : memref<1024xf32, #tpu.memory_space<hbm>>) target(%arg9 : memref<1024xf32, #tpu.memory_space<vmem>>) target_semaphore(%arg31 : memref<!tpu.dma_semaphore, #tpu.memory_space<semaphore_mem>>)
      %dma_start3A_6 = tpu.memref_slice %arg3[%mul3A_4] : memref<8192xf32, #tpu.memory_space<hbm>> -> memref<1024xf32, #tpu.memory_space<hbm>>
      %dma_start3A_7 = tpu.memref_slice %arg3[%mul3A_4] : memref<8192xf32, #tpu.memory_space<hbm>> -> memref<1024xf32, #tpu.memory_space<hbm>>
      tpu.enqueue_dma source(%dma_start3A_7 : memref<1024xf32, #tpu.memory_space<hbm>>) target(%arg10 : memref<1024xf32, #tpu.memory_space<vmem>>) target_semaphore(%arg31 : memref<!tpu.dma_semaphore, #tpu.memory_space<semaphore_mem>>)
      %dma_start3A_8 = tpu.memref_slice %arg4[%mul3A_4] : memref<8192xf32, #tpu.memory_space<hbm>> -> memref<1024xf32, #tpu.memory_space<hbm>>
      %dma_start3A_9 = tpu.memref_slice %arg4[%mul3A_4] : memref<8192xf32, #tpu.memory_space<hbm>> -> memref<1024xf32, #tpu.memory_space<hbm>>
      tpu.enqueue_dma source(%dma_start3A_9 : memref<1024xf32, #tpu.memory_space<hbm>>) target(%arg11 : memref<1024xf32, #tpu.memory_space<vmem>>) target_semaphore(%arg31 : memref<!tpu.dma_semaphore, #tpu.memory_space<semaphore_mem>>)
      %dma_start3A_10 = tpu.memref_slice %arg5[%mul3A_4] : memref<8192xf32, #tpu.memory_space<hbm>> -> memref<1024xf32, #tpu.memory_space<hbm>>
      %dma_start3A_11 = tpu.memref_slice %arg5[%mul3A_4] : memref<8192xf32, #tpu.memory_space<hbm>> -> memref<1024xf32, #tpu.memory_space<hbm>>
      tpu.enqueue_dma source(%dma_start3A_11 : memref<1024xf32, #tpu.memory_space<hbm>>) target(%arg12 : memref<1024xf32, #tpu.memory_space<vmem>>) target_semaphore(%arg31 : memref<!tpu.dma_semaphore, #tpu.memory_space<semaphore_mem>>)
      %dma_start3A_12 = tpu.memref_slice %arg6[%mul3A_4] : memref<8192xf32, #tpu.memory_space<hbm>> -> memref<1024xf32, #tpu.memory_space<hbm>>
      %dma_start3A_13 = tpu.memref_slice %arg6[%mul3A_4] : memref<8192xf32, #tpu.memory_space<hbm>> -> memref<1024xf32, #tpu.memory_space<hbm>>
      tpu.enqueue_dma source(%dma_start3A_13 : memref<1024xf32, #tpu.memory_space<hbm>>) target(%arg13 : memref<1024xf32, #tpu.memory_space<vmem>>) target_semaphore(%arg31 : memref<!tpu.dma_semaphore, #tpu.memory_space<semaphore_mem>>)
      %dma_start3A_14 = tpu.memref_slice %arg7[%mul3A_4] : memref<8192xf32, #tpu.memory_space<hbm>> -> memref<1024xf32, #tpu.memory_space<hbm>>
      %dma_start3A_15 = tpu.memref_slice %arg7[%mul3A_4] : memref<8192xf32, #tpu.memory_space<hbm>> -> memref<1024xf32, #tpu.memory_space<hbm>>
      tpu.enqueue_dma source(%dma_start3A_15 : memref<1024xf32, #tpu.memory_space<hbm>>) target(%arg14 : memref<1024xf32, #tpu.memory_space<vmem>>) target_semaphore(%arg31 : memref<!tpu.dma_semaphore, #tpu.memory_space<semaphore_mem>>)
      %dma_wait3A = tpu.memref_slice %arg2[%mul3A_4] : memref<8192xf32, #tpu.memory_space<hbm>> -> memref<1024xf32, #tpu.memory_space<hbm>>
      %dma_wait3A_16 = tpu.memref_slice %arg2[%mul3A_4] : memref<8192xf32, #tpu.memory_space<hbm>> -> memref<1024xf32, #tpu.memory_space<hbm>>
      tpu.wait_dma2 semaphore(%arg31 : memref<!tpu.dma_semaphore, #tpu.memory_space<semaphore_mem>>) src(%dma_wait3A_16 : memref<1024xf32, #tpu.memory_space<hbm>>) dst(%arg9 : memref<1024xf32, #tpu.memory_space<vmem>>)
      %dma_wait3A_17 = tpu.memref_slice %arg3[%mul3A_4] : memref<8192xf32, #tpu.memory_space<hbm>> -> memref<1024xf32, #tpu.memory_space<hbm>>
      %dma_wait3A_18 = tpu.memref_slice %arg3[%mul3A_4] : memref<8192xf32, #tpu.memory_space<hbm>> -> memref<1024xf32, #tpu.memory_space<hbm>>
      tpu.wait_dma2 semaphore(%arg31 : memref<!tpu.dma_semaphore, #tpu.memory_space<semaphore_mem>>) src(%dma_wait3A_18 : memref<1024xf32, #tpu.memory_space<hbm>>) dst(%arg10 : memref<1024xf32, #tpu.memory_space<vmem>>)
      %dma_wait3A_19 = tpu.memref_slice %arg4[%mul3A_4] : memref<8192xf32, #tpu.memory_space<hbm>> -> memref<1024xf32, #tpu.memory_space<hbm>>
      %dma_wait3A_20 = tpu.memref_slice %arg4[%mul3A_4] : memref<8192xf32, #tpu.memory_space<hbm>> -> memref<1024xf32, #tpu.memory_space<hbm>>
      tpu.wait_dma2 semaphore(%arg31 : memref<!tpu.dma_semaphore, #tpu.memory_space<semaphore_mem>>) src(%dma_wait3A_20 : memref<1024xf32, #tpu.memory_space<hbm>>) dst(%arg11 : memref<1024xf32, #tpu.memory_space<vmem>>)
      %dma_wait3A_21 = tpu.memref_slice %arg5[%mul3A_4] : memref<8192xf32, #tpu.memory_space<hbm>> -> memref<1024xf32, #tpu.memory_space<hbm>>
      %dma_wait3A_22 = tpu.memref_slice %arg5[%mul3A_4] : memref<8192xf32, #tpu.memory_space<hbm>> -> memref<1024xf32, #tpu.memory_space<hbm>>
      tpu.wait_dma2 semaphore(%arg31 : memref<!tpu.dma_semaphore, #tpu.memory_space<semaphore_mem>>) src(%dma_wait3A_22 : memref<1024xf32, #tpu.memory_space<hbm>>) dst(%arg12 : memref<1024xf32, #tpu.memory_space<vmem>>)
      %dma_wait3A_23 = tpu.memref_slice %arg6[%mul3A_4] : memref<8192xf32, #tpu.memory_space<hbm>> -> memref<1024xf32, #tpu.memory_space<hbm>>
      %dma_wait3A_24 = tpu.memref_slice %arg6[%mul3A_4] : memref<8192xf32, #tpu.memory_space<hbm>> -> memref<1024xf32, #tpu.memory_space<hbm>>
      tpu.wait_dma2 semaphore(%arg31 : memref<!tpu.dma_semaphore, #tpu.memory_space<semaphore_mem>>) src(%dma_wait3A_24 : memref<1024xf32, #tpu.memory_space<hbm>>) dst(%arg13 : memref<1024xf32, #tpu.memory_space<vmem>>)
      %dma_wait3A_25 = tpu.memref_slice %arg7[%mul3A_4] : memref<8192xf32, #tpu.memory_space<hbm>> -> memref<1024xf32, #tpu.memory_space<hbm>>
      %dma_wait3A_26 = tpu.memref_slice %arg7[%mul3A_4] : memref<8192xf32, #tpu.memory_space<hbm>> -> memref<1024xf32, #tpu.memory_space<hbm>>
      tpu.wait_dma2 semaphore(%arg31 : memref<!tpu.dma_semaphore, #tpu.memory_space<semaphore_mem>>) src(%dma_wait3A_26 : memref<1024xf32, #tpu.memory_space<hbm>>) dst(%arg14 : memref<1024xf32, #tpu.memory_space<vmem>>)
      %iota3A = tpu.iota {dimensions = array<i32: 0>} : vector<16xi32>
      %broadcast_in_dim3A = arith.constant 0 : i32
      %broadcast_in_dim3A_27 = vector.broadcast %broadcast_in_dim3A : i32 to vector<16xi32>
      %broadcast_in_dim3A_28 = arith.constant 0.000000e+00 : f32
      %broadcast_in_dim3A_29 = vector.broadcast %broadcast_in_dim3A_28 : f32 to vector<16xf32>
      %swap3A = arith.constant 0 : index
      %swap3A_30 = tpu.vector_load %arg25[%swap3A] {strides = array<i32>} : memref<96xi32, #tpu.memory_space<vmem>>, vector<16xi32>,
      tpu.vector_store %arg25[%swap3A], %broadcast_in_dim3A_27 {strides = array<i32>} : memref<96xi32, #tpu.memory_space<vmem>>, vector<16xi32>,
      %swap3A_31 = arith.constant 16 : index
      %swap3A_32 = tpu.vector_load %arg25[%swap3A_31] {strides = array<i32>} : memref<96xi32, #tpu.memory_space<vmem>>, vector<16xi32>,
      tpu.vector_store %arg25[%swap3A_31], %broadcast_in_dim3A_27 {strides = array<i32>} : memref<96xi32, #tpu.memory_space<vmem>>, vector<16xi32>,
      %swap3A_33 = arith.constant 32 : index
      %swap3A_34 = tpu.vector_load %arg25[%swap3A_33] {strides = array<i32>} : memref<96xi32, #tpu.memory_space<vmem>>, vector<16xi32>,
      tpu.vector_store %arg25[%swap3A_33], %broadcast_in_dim3A_27 {strides = array<i32>} : memref<96xi32, #tpu.memory_space<vmem>>, vector<16xi32>,
      %swap3A_35 = arith.constant 48 : index
      %swap3A_36 = tpu.vector_load %arg25[%swap3A_35] {strides = array<i32>} : memref<96xi32, #tpu.memory_space<vmem>>, vector<16xi32>,
      tpu.vector_store %arg25[%swap3A_35], %broadcast_in_dim3A_27 {strides = array<i32>} : memref<96xi32, #tpu.memory_space<vmem>>, vector<16xi32>,
      %swap3A_37 = arith.constant 64 : index
      %swap3A_38 = tpu.vector_load %arg25[%swap3A_37] {strides = array<i32>} : memref<96xi32, #tpu.memory_space<vmem>>, vector<16xi32>,
      tpu.vector_store %arg25[%swap3A_37], %broadcast_in_dim3A_27 {strides = array<i32>} : memref<96xi32, #tpu.memory_space<vmem>>, vector<16xi32>,
      %swap3A_39 = arith.constant 80 : index
      %swap3A_40 = tpu.vector_load %arg25[%swap3A_39] {strides = array<i32>} : memref<96xi32, #tpu.memory_space<vmem>>, vector<16xi32>,
      tpu.vector_store %arg25[%swap3A_39], %broadcast_in_dim3A_27 {strides = array<i32>} : memref<96xi32, #tpu.memory_space<vmem>>, vector<16xi32>,
      %scan3A = arith.constant 0 : i32
      %scan3A_41 = arith.constant 0 : i32
      %scan3A_42 = arith.constant 64 : i32
      %scan3A_43 = arith.addi %scan3A_41, %scan3A_42 : i32
      %scan3A_44 = arith.constant 1 : i32
      scf.for %scan3A_215 = %scan3A_41 to %scan3A_43 step %scan3A_44  : i32 {
        %mul3A_216 = arith.constant 16 : i32
        %mul3A_217 = arith.muli %scan3A_215, %mul3A_216 : i32
        %get3A_218 = arith.index_cast %mul3A_217 : i32 to index
        %get3A_219 = tpu.vector_load %arg14[%get3A_218] {strides = array<i32>} : memref<1024xf32, #tpu.memory_space<vmem>>, vector<16xf32>,
        %convert_element_type3A_220 = arith.fptosi %get3A_219 : vector<16xf32> to vector<16xi32>
        %broadcast_in_dim3A_221 = arith.constant true
        %broadcast_in_dim3A_222 = vector.broadcast %broadcast_in_dim3A_221 : i1 to vector<16xi1>
        %unique3A, %unique3A_223 = tpu.scan_count mask(%broadcast_in_dim3A_222 : vector<16xi1>) value(%convert_element_type3A_220 : vector<16xi32>) : vector<16xi1>, vector<16xi32>
        %sub3A_224 = arith.constant 1 : i32
        %sub3A_225 = vector.broadcast %sub3A_224 : i32 to vector<16xi32>
        %sub3A_226 = arith.subi %unique3A_223, %sub3A_225 : vector<16xi32>
        %swap3A_227 = arith.index_cast %mul3A_217 : i32 to index
        %swap3A_228 = tpu.vector_load %arg15[%swap3A_227] {strides = array<i32>} : memref<1024xi32, #tpu.memory_space<vmem>>, vector<16xi32>,
        tpu.vector_store %arg15[%swap3A_227], %convert_element_type3A_220 {strides = array<i32>} : memref<1024xi32, #tpu.memory_space<vmem>>, vector<16xi32>,
        %swap3A_229 = arith.index_cast %mul3A_217 : i32 to index
        %swap3A_230 = tpu.vector_load %arg16[%swap3A_229] {strides = array<i32>} : memref<1024xi32, #tpu.memory_space<vmem>>, vector<16xi32>,
        tpu.vector_store %arg16[%swap3A_229], %sub3A_226 {strides = array<i32>} : memref<1024xi32, #tpu.memory_space<vmem>>, vector<16xi32>,
        %broadcast_in_dim3A_231 = arith.constant 1 : i32
        %broadcast_in_dim3A_232 = vector.broadcast %broadcast_in_dim3A_231 : i32 to vector<16xi32>
        %broadcast_in_dim3A_233 = arith.constant 0 : i32
        %broadcast_in_dim3A_234 = vector.broadcast %broadcast_in_dim3A_233 : i32 to vector<16xi32>
        %select_n3A = arith.select %unique3A, %broadcast_in_dim3A_232, %broadcast_in_dim3A_234 : vector<16xi1>, vector<16xi32>
        %swap3A_235 = arith.index_cast %mul3A_217 : i32 to index
        %swap3A_236 = tpu.vector_load %arg17[%swap3A_235] {strides = array<i32>} : memref<1024xi32, #tpu.memory_space<vmem>>, vector<16xi32>,
        tpu.vector_store %arg17[%swap3A_235], %select_n3A {strides = array<i32>} : memref<1024xi32, #tpu.memory_space<vmem>>, vector<16xi32>,
        tpu.vector_store_idx %arg25[%convert_element_type3A_220], %unique3A_223 masked %unique3A {add = true} : memref<96xi32, #tpu.memory_space<vmem>>[vector<16xi32>], vector<16xi32>, vector<16xi1>
      }
      %scan3A_45 = arith.constant 64 : i32
      %get3A = arith.constant 0 : index
      %get3A_46 = tpu.vector_load %arg25[%get3A] {strides = array<i32>} : memref<96xi32, #tpu.memory_space<vmem>>, vector<16xi32>,
      %broadcast_in_dim3A_47 = arith.constant true
      %broadcast_in_dim3A_48 = vector.broadcast %broadcast_in_dim3A_47 : i1 to vector<16xi1>
      %masked_cumsum3A = tpu.scan <sum>, %get3A_46 masked %broadcast_in_dim3A_48 : vector<16xi32>, vector<16xi1> -> vector<16xi32>
      %sub3A = arith.subi %masked_cumsum3A, %get3A_46 : vector<16xi32>
      %add3A_49 = arith.constant 0 : i32
      %add3A_50 = vector.broadcast %add3A_49 : i32 to vector<16xi32>
      %add3A_51 = arith.addi %sub3A, %add3A_50 : vector<16xi32>
      %swap3A_52 = arith.constant 0 : index
      %swap3A_53 = tpu.vector_load %arg26[%swap3A_52] {strides = array<i32>} : memref<96xi32, #tpu.memory_space<vmem>>, vector<16xi32>,
      tpu.vector_store %arg26[%swap3A_52], %add3A_51 {strides = array<i32>} : memref<96xi32, #tpu.memory_space<vmem>>, vector<16xi32>,
      %swap3A_54 = arith.constant 0 : index
      %swap3A_55 = tpu.vector_load %arg27[%swap3A_54] {strides = array<i32>} : memref<96xi32, #tpu.memory_space<vmem>>, vector<16xi32>,
      tpu.vector_store %arg27[%swap3A_54], %add3A_51 {strides = array<i32>} : memref<96xi32, #tpu.memory_space<vmem>>, vector<16xi32>,
      %reduce_max3A = arith.constant true
      %reduce_max3A_56 = vector.broadcast %reduce_max3A : i1 to vector<16xi1>
      %reduce_max3A_57 = arith.constant -2147483648 : i32
      %reduce_max3A_58 = vector.broadcast %reduce_max3A_57 : i32 to vector<16xi32>
      %reduce_max3A_59 = arith.xori %masked_cumsum3A, %reduce_max3A_58 : vector<16xi32>
      %reduce_max3A_60 = tpu.scan <max>, %reduce_max3A_59 masked %reduce_max3A_56 : vector<16xi32>, vector<16xi1> -> vector<16xi32>
      %reduce_max3A_61 = arith.xori %reduce_max3A_60, %reduce_max3A_58 : vector<16xi32>
      %reduce_max3A_62 = vector.extract %reduce_max3A_61[15] : i32 from vector<16xi32>
      %add3A_63 = arith.constant 0 : i32
      %add3A_64 = arith.addi %add3A_63, %reduce_max3A_62 : i32
      %get3A_65 = arith.constant 16 : index
      %get3A_66 = tpu.vector_load %arg25[%get3A_65] {strides = array<i32>} : memref<96xi32, #tpu.memory_space<vmem>>, vector<16xi32>,
      %broadcast_in_dim3A_67 = arith.constant true
      %broadcast_in_dim3A_68 = vector.broadcast %broadcast_in_dim3A_67 : i1 to vector<16xi1>
      %masked_cumsum3A_69 = tpu.scan <sum>, %get3A_66 masked %broadcast_in_dim3A_68 : vector<16xi32>, vector<16xi1> -> vector<16xi32>
      %sub3A_70 = arith.subi %masked_cumsum3A_69, %get3A_66 : vector<16xi32>
      %add3A_71 = vector.broadcast %add3A_64 : i32 to vector<16xi32>
      %add3A_72 = arith.addi %sub3A_70, %add3A_71 : vector<16xi32>
      %swap3A_73 = arith.constant 16 : index
      %swap3A_74 = tpu.vector_load %arg26[%swap3A_73] {strides = array<i32>} : memref<96xi32, #tpu.memory_space<vmem>>, vector<16xi32>,
      tpu.vector_store %arg26[%swap3A_73], %add3A_72 {strides = array<i32>} : memref<96xi32, #tpu.memory_space<vmem>>, vector<16xi32>,
      %swap3A_75 = arith.constant 16 : index
      %swap3A_76 = tpu.vector_load %arg27[%swap3A_75] {strides = array<i32>} : memref<96xi32, #tpu.memory_space<vmem>>, vector<16xi32>,
      tpu.vector_store %arg27[%swap3A_75], %add3A_72 {strides = array<i32>} : memref<96xi32, #tpu.memory_space<vmem>>, vector<16xi32>,
      %reduce_max3A_77 = arith.constant true
      %reduce_max3A_78 = vector.broadcast %reduce_max3A_77 : i1 to vector<16xi1>
      %reduce_max3A_79 = arith.constant -2147483648 : i32
      %reduce_max3A_80 = vector.broadcast %reduce_max3A_79 : i32 to vector<16xi32>
      %reduce_max3A_81 = arith.xori %masked_cumsum3A_69, %reduce_max3A_80 : vector<16xi32>
      %reduce_max3A_82 = tpu.scan <max>, %reduce_max3A_81 masked %reduce_max3A_78 : vector<16xi32>, vector<16xi1> -> vector<16xi32>
      %reduce_max3A_83 = arith.xori %reduce_max3A_82, %reduce_max3A_80 : vector<16xi32>
      %reduce_max3A_84 = vector.extract %reduce_max3A_83[15] : i32 from vector<16xi32>
      %add3A_85 = arith.addi %add3A_64, %reduce_max3A_84 : i32
      %get3A_86 = arith.constant 32 : index
      %get3A_87 = tpu.vector_load %arg25[%get3A_86] {strides = array<i32>} : memref<96xi32, #tpu.memory_space<vmem>>, vector<16xi32>,
      %broadcast_in_dim3A_88 = arith.constant true
      %broadcast_in_dim3A_89 = vector.broadcast %broadcast_in_dim3A_88 : i1 to vector<16xi1>
      %masked_cumsum3A_90 = tpu.scan <sum>, %get3A_87 masked %broadcast_in_dim3A_89 : vector<16xi32>, vector<16xi1> -> vector<16xi32>
      %sub3A_91 = arith.subi %masked_cumsum3A_90, %get3A_87 : vector<16xi32>
      %add3A_92 = vector.broadcast %add3A_85 : i32 to vector<16xi32>
      %add3A_93 = arith.addi %sub3A_91, %add3A_92 : vector<16xi32>
      %swap3A_94 = arith.constant 32 : index
      %swap3A_95 = tpu.vector_load %arg26[%swap3A_94] {strides = array<i32>} : memref<96xi32, #tpu.memory_space<vmem>>, vector<16xi32>,
      tpu.vector_store %arg26[%swap3A_94], %add3A_93 {strides = array<i32>} : memref<96xi32, #tpu.memory_space<vmem>>, vector<16xi32>,
      %swap3A_96 = arith.constant 32 : index
      %swap3A_97 = tpu.vector_load %arg27[%swap3A_96] {strides = array<i32>} : memref<96xi32, #tpu.memory_space<vmem>>, vector<16xi32>,
      tpu.vector_store %arg27[%swap3A_96], %add3A_93 {strides = array<i32>} : memref<96xi32, #tpu.memory_space<vmem>>, vector<16xi32>,
      %reduce_max3A_98 = arith.constant true
      %reduce_max3A_99 = vector.broadcast %reduce_max3A_98 : i1 to vector<16xi1>
      %reduce_max3A_100 = arith.constant -2147483648 : i32
      %reduce_max3A_101 = vector.broadcast %reduce_max3A_100 : i32 to vector<16xi32>
      %reduce_max3A_102 = arith.xori %masked_cumsum3A_90, %reduce_max3A_101 : vector<16xi32>
      %reduce_max3A_103 = tpu.scan <max>, %reduce_max3A_102 masked %reduce_max3A_99 : vector<16xi32>, vector<16xi1> -> vector<16xi32>
      %reduce_max3A_104 = arith.xori %reduce_max3A_103, %reduce_max3A_101 : vector<16xi32>
      %reduce_max3A_105 = vector.extract %reduce_max3A_104[15] : i32 from vector<16xi32>
      %add3A_106 = arith.addi %add3A_85, %reduce_max3A_105 : i32
      %get3A_107 = arith.constant 48 : index
      %get3A_108 = tpu.vector_load %arg25[%get3A_107] {strides = array<i32>} : memref<96xi32, #tpu.memory_space<vmem>>, vector<16xi32>,
      %broadcast_in_dim3A_109 = arith.constant true
      %broadcast_in_dim3A_110 = vector.broadcast %broadcast_in_dim3A_109 : i1 to vector<16xi1>
      %masked_cumsum3A_111 = tpu.scan <sum>, %get3A_108 masked %broadcast_in_dim3A_110 : vector<16xi32>, vector<16xi1> -> vector<16xi32>
      %sub3A_112 = arith.subi %masked_cumsum3A_111, %get3A_108 : vector<16xi32>
      %add3A_113 = vector.broadcast %add3A_106 : i32 to vector<16xi32>
      %add3A_114 = arith.addi %sub3A_112, %add3A_113 : vector<16xi32>
      %swap3A_115 = arith.constant 48 : index
      %swap3A_116 = tpu.vector_load %arg26[%swap3A_115] {strides = array<i32>} : memref<96xi32, #tpu.memory_space<vmem>>, vector<16xi32>,
      tpu.vector_store %arg26[%swap3A_115], %add3A_114 {strides = array<i32>} : memref<96xi32, #tpu.memory_space<vmem>>, vector<16xi32>,
      %swap3A_117 = arith.constant 48 : index
      %swap3A_118 = tpu.vector_load %arg27[%swap3A_117] {strides = array<i32>} : memref<96xi32, #tpu.memory_space<vmem>>, vector<16xi32>,
      tpu.vector_store %arg27[%swap3A_117], %add3A_114 {strides = array<i32>} : memref<96xi32, #tpu.memory_space<vmem>>, vector<16xi32>,
      %reduce_max3A_119 = arith.constant true
      %reduce_max3A_120 = vector.broadcast %reduce_max3A_119 : i1 to vector<16xi1>
      %reduce_max3A_121 = arith.constant -2147483648 : i32
      %reduce_max3A_122 = vector.broadcast %reduce_max3A_121 : i32 to vector<16xi32>
      %reduce_max3A_123 = arith.xori %masked_cumsum3A_111, %reduce_max3A_122 : vector<16xi32>
      %reduce_max3A_124 = tpu.scan <max>, %reduce_max3A_123 masked %reduce_max3A_120 : vector<16xi32>, vector<16xi1> -> vector<16xi32>
      %reduce_max3A_125 = arith.xori %reduce_max3A_124, %reduce_max3A_122 : vector<16xi32>
      %reduce_max3A_126 = vector.extract %reduce_max3A_125[15] : i32 from vector<16xi32>
      %add3A_127 = arith.addi %add3A_106, %reduce_max3A_126 : i32
      %get3A_128 = arith.constant 64 : index
      %get3A_129 = tpu.vector_load %arg25[%get3A_128] {strides = array<i32>} : memref<96xi32, #tpu.memory_space<vmem>>, vector<16xi32>,
      %broadcast_in_dim3A_130 = arith.constant true
      %broadcast_in_dim3A_131 = vector.broadcast %broadcast_in_dim3A_130 : i1 to vector<16xi1>
      %masked_cumsum3A_132 = tpu.scan <sum>, %get3A_129 masked %broadcast_in_dim3A_131 : vector<16xi32>, vector<16xi1> -> vector<16xi32>
      %sub3A_133 = arith.subi %masked_cumsum3A_132, %get3A_129 : vector<16xi32>
      %add3A_134 = vector.broadcast %add3A_127 : i32 to vector<16xi32>
      %add3A_135 = arith.addi %sub3A_133, %add3A_134 : vector<16xi32>
      %swap3A_136 = arith.constant 64 : index
      %swap3A_137 = tpu.vector_load %arg26[%swap3A_136] {strides = array<i32>} : memref<96xi32, #tpu.memory_space<vmem>>, vector<16xi32>,
      tpu.vector_store %arg26[%swap3A_136], %add3A_135 {strides = array<i32>} : memref<96xi32, #tpu.memory_space<vmem>>, vector<16xi32>,
      %swap3A_138 = arith.constant 64 : index
      %swap3A_139 = tpu.vector_load %arg27[%swap3A_138] {strides = array<i32>} : memref<96xi32, #tpu.memory_space<vmem>>, vector<16xi32>,
      tpu.vector_store %arg27[%swap3A_138], %add3A_135 {strides = array<i32>} : memref<96xi32, #tpu.memory_space<vmem>>, vector<16xi32>,
      %reduce_max3A_140 = arith.constant true
      %reduce_max3A_141 = vector.broadcast %reduce_max3A_140 : i1 to vector<16xi1>
      %reduce_max3A_142 = arith.constant -2147483648 : i32
      %reduce_max3A_143 = vector.broadcast %reduce_max3A_142 : i32 to vector<16xi32>
      %reduce_max3A_144 = arith.xori %masked_cumsum3A_132, %reduce_max3A_143 : vector<16xi32>
      %reduce_max3A_145 = tpu.scan <max>, %reduce_max3A_144 masked %reduce_max3A_141 : vector<16xi32>, vector<16xi1> -> vector<16xi32>
      %reduce_max3A_146 = arith.xori %reduce_max3A_145, %reduce_max3A_143 : vector<16xi32>
      %reduce_max3A_147 = vector.extract %reduce_max3A_146[15] : i32 from vector<16xi32>
      %add3A_148 = arith.addi %add3A_127, %reduce_max3A_147 : i32
      %get3A_149 = arith.constant 80 : index
      %get3A_150 = tpu.vector_load %arg25[%get3A_149] {strides = array<i32>} : memref<96xi32, #tpu.memory_space<vmem>>, vector<16xi32>,
      %broadcast_in_dim3A_151 = arith.constant true
      %broadcast_in_dim3A_152 = vector.broadcast %broadcast_in_dim3A_151 : i1 to vector<16xi1>
      %masked_cumsum3A_153 = tpu.scan <sum>, %get3A_150 masked %broadcast_in_dim3A_152 : vector<16xi32>, vector<16xi1> -> vector<16xi32>
      %sub3A_154 = arith.subi %masked_cumsum3A_153, %get3A_150 : vector<16xi32>
      %add3A_155 = vector.broadcast %add3A_148 : i32 to vector<16xi32>
      %add3A_156 = arith.addi %sub3A_154, %add3A_155 : vector<16xi32>
      %swap3A_157 = arith.constant 80 : index
      %swap3A_158 = tpu.vector_load %arg26[%swap3A_157] {strides = array<i32>} : memref<96xi32, #tpu.memory_space<vmem>>, vector<16xi32>,
      tpu.vector_store %arg26[%swap3A_157], %add3A_156 {strides = array<i32>} : memref<96xi32, #tpu.memory_space<vmem>>, vector<16xi32>,
      %swap3A_159 = arith.constant 80 : index
      %swap3A_160 = tpu.vector_load %arg27[%swap3A_159] {strides = array<i32>} : memref<96xi32, #tpu.memory_space<vmem>>, vector<16xi32>,
      tpu.vector_store %arg27[%swap3A_159], %add3A_156 {strides = array<i32>} : memref<96xi32, #tpu.memory_space<vmem>>, vector<16xi32>,
      %reduce_max3A_161 = arith.constant true
      %reduce_max3A_162 = vector.broadcast %reduce_max3A_161 : i1 to vector<16xi1>
      %reduce_max3A_163 = arith.constant -2147483648 : i32
      %reduce_max3A_164 = vector.broadcast %reduce_max3A_163 : i32 to vector<16xi32>
      %reduce_max3A_165 = arith.xori %masked_cumsum3A_153, %reduce_max3A_164 : vector<16xi32>
      %reduce_max3A_166 = tpu.scan <max>, %reduce_max3A_165 masked %reduce_max3A_162 : vector<16xi32>, vector<16xi1> -> vector<16xi32>
      %reduce_max3A_167 = arith.xori %reduce_max3A_166, %reduce_max3A_164 : vector<16xi32>
      %reduce_max3A_168 = vector.extract %reduce_max3A_167[15] : i32 from vector<16xi32>
      %add3A_169 = arith.addi %add3A_148, %reduce_max3A_168 : i32
      %scan3A_170 = arith.constant 0 : i32
      %scan3A_171 = arith.constant 0 : i32
      %scan3A_172 = arith.constant 64 : i32
      %scan3A_173 = arith.addi %scan3A_171, %scan3A_172 : i32
      %scan3A_174 = arith.constant 1 : i32
      scf.for %scan3A_215 = %scan3A_171 to %scan3A_173 step %scan3A_174  : i32 {
        %mul3A_216 = arith.constant 16 : i32
        %mul3A_217 = arith.muli %scan3A_215, %mul3A_216 : i32
        %get3A_218 = arith.index_cast %mul3A_217 : i32 to index
        %get3A_219 = tpu.vector_load %arg15[%get3A_218] {strides = array<i32>} : memref<1024xi32, #tpu.memory_space<vmem>>, vector<16xi32>,
        %get3A_220 = arith.index_cast %mul3A_217 : i32 to index
        %get3A_221 = tpu.vector_load %arg16[%get3A_220] {strides = array<i32>} : memref<1024xi32, #tpu.memory_space<vmem>>, vector<16xi32>,
        %get3A_222 = arith.index_cast %mul3A_217 : i32 to index
        %get3A_223 = tpu.vector_load %arg17[%get3A_222] {strides = array<i32>} : memref<1024xi32, #tpu.memory_space<vmem>>, vector<16xi32>,
        %eq3A = arith.constant 1 : i32
        %eq3A_224 = vector.broadcast %eq3A : i32 to vector<16xi32>
        %eq3A_225 = arith.cmpi eq, %get3A_223, %eq3A_224 : vector<16xi32>
        %gather3A = tpu.vector_load_idx %arg27[%get3A_219] : memref<96xi32, #tpu.memory_space<vmem>>[vector<16xi32>], vector<16xi32>,
        %add3A_226 = arith.addi %gather3A, %get3A_221 : vector<16xi32>
        %get3A_227 = arith.index_cast %mul3A_217 : i32 to index
        %get3A_228 = tpu.vector_load %arg9[%get3A_227] {strides = array<i32>} : memref<1024xf32, #tpu.memory_space<vmem>>, vector<16xf32>,
        tpu.vector_store_idx %arg18[%add3A_226], %get3A_228 : memref<1024xf32, #tpu.memory_space<vmem>>[vector<16xi32>], vector<16xf32>,
        %get3A_229 = arith.index_cast %mul3A_217 : i32 to index
        %get3A_230 = tpu.vector_load %arg10[%get3A_229] {strides = array<i32>} : memref<1024xf32, #tpu.memory_space<vmem>>, vector<16xf32>,
        tpu.vector_store_idx %arg19[%add3A_226], %get3A_230 : memref<1024xf32, #tpu.memory_space<vmem>>[vector<16xi32>], vector<16xf32>,
        %get3A_231 = arith.index_cast %mul3A_217 : i32 to index
        %get3A_232 = tpu.vector_load %arg11[%get3A_231] {strides = array<i32>} : memref<1024xf32, #tpu.memory_space<vmem>>, vector<16xf32>,
        tpu.vector_store_idx %arg20[%add3A_226], %get3A_232 : memref<1024xf32, #tpu.memory_space<vmem>>[vector<16xi32>], vector<16xf32>,
        %get3A_233 = arith.index_cast %mul3A_217 : i32 to index
        %get3A_234 = tpu.vector_load %arg12[%get3A_233] {strides = array<i32>} : memref<1024xf32, #tpu.memory_space<vmem>>, vector<16xf32>,
        tpu.vector_store_idx %arg21[%add3A_226], %get3A_234 : memref<1024xf32, #tpu.memory_space<vmem>>[vector<16xi32>], vector<16xf32>,
        %get3A_235 = arith.index_cast %mul3A_217 : i32 to index
        %get3A_236 = tpu.vector_load %arg13[%get3A_235] {strides = array<i32>} : memref<1024xf32, #tpu.memory_space<vmem>>, vector<16xf32>,
        tpu.vector_store_idx %arg22[%add3A_226], %get3A_236 : memref<1024xf32, #tpu.memory_space<vmem>>[vector<16xi32>], vector<16xf32>,
        %get3A_237 = arith.index_cast %mul3A_217 : i32 to index
        %get3A_238 = tpu.vector_load %arg14[%get3A_237] {strides = array<i32>} : memref<1024xf32, #tpu.memory_space<vmem>>, vector<16xf32>,
        tpu.vector_store_idx %arg23[%add3A_226], %get3A_238 : memref<1024xf32, #tpu.memory_space<vmem>>[vector<16xi32>], vector<16xf32>,
        %add3A_239 = vector.broadcast %mul3A_217 : i32 to vector<16xi32>
        %add3A_240 = arith.addi %add3A_239, %iota3A : vector<16xi32>
        tpu.vector_store_idx %arg24[%add3A_226], %add3A_240 : memref<1024xi32, #tpu.memory_space<vmem>>[vector<16xi32>], vector<16xi32>,
        %add3A_241 = arith.constant 1 : i32
        %add3A_242 = vector.broadcast %add3A_241 : i32 to vector<16xi32>
        %add3A_243 = arith.addi %get3A_221, %add3A_242 : vector<16xi32>
        tpu.vector_store_idx %arg27[%get3A_219], %add3A_243 masked %eq3A_225 {add = true} : memref<96xi32, #tpu.memory_space<vmem>>[vector<16xi32>], vector<16xi32>, vector<16xi1>
      }
      %scan3A_175 = arith.constant 64 : i32
      %scan3A_176 = arith.constant 0 : i32
      %scan3A_177 = arith.constant 0 : i32
      %scan3A_178 = arith.constant 64 : i32
      %scan3A_179 = arith.addi %scan3A_177, %scan3A_178 : i32
      %scan3A_180 = arith.constant 1 : i32
      scf.for %scan3A_215 = %scan3A_177 to %scan3A_179 step %scan3A_180  : i32 {
        %mul3A_216 = arith.constant 16 : i32
        %mul3A_217 = arith.muli %scan3A_215, %mul3A_216 : i32
        %get3A_218 = arith.index_cast %mul3A_217 : i32 to index
        %get3A_219 = tpu.vector_load %arg18[%get3A_218] {strides = array<i32>} : memref<1024xf32, #tpu.memory_space<vmem>>, vector<16xf32>,
        %reduce_max3A_220 = arith.constant true
        %reduce_max3A_221 = vector.broadcast %reduce_max3A_220 : i1 to vector<16xi1>
        %reduce_max3A_222 = tpu.scan <max>, %get3A_219 masked %reduce_max3A_221 : vector<16xf32>, vector<16xi1> -> vector<16xf32>
        %reduce_max3A_223 = vector.extract %reduce_max3A_222[15] : f32 from vector<16xf32>
        %get3A_224 = arith.index_cast %mul3A_217 : i32 to index
        %get3A_225 = tpu.vector_load %arg24[%get3A_224] {strides = array<i32>} : memref<1024xi32, #tpu.memory_space<vmem>>, vector<16xi32>,
        %eq3A = vector.broadcast %reduce_max3A_223 : f32 to vector<16xf32>
        %eq3A_226 = arith.cmpf oeq, %get3A_219, %eq3A : vector<16xf32>
        %jit3A = arith.constant 1073741824 : i32
        %broadcast_in_dim3A_227 = vector.broadcast %jit3A : i32 to vector<16xi32>
        %select_n3A = arith.select %eq3A_226, %get3A_225, %broadcast_in_dim3A_227 : vector<16xi1>, vector<16xi32>
        %reduce_min3A = arith.constant true
        %reduce_min3A_228 = vector.broadcast %reduce_min3A : i1 to vector<16xi1>
        %reduce_min3A_229 = arith.constant -2147483648 : i32
        %reduce_min3A_230 = vector.broadcast %reduce_min3A_229 : i32 to vector<16xi32>
        %reduce_min3A_231 = arith.xori %select_n3A, %reduce_min3A_230 : vector<16xi32>
        %reduce_min3A_232 = tpu.scan <min>, %reduce_min3A_231 masked %reduce_min3A_228 : vector<16xi32>, vector<16xi1> -> vector<16xi32>
        %reduce_min3A_233 = arith.xori %reduce_min3A_232, %reduce_min3A_230 : vector<16xi32>
        %reduce_min3A_234 = vector.extract %reduce_min3A_233[15] : i32 from vector<16xi32>
        %eq3A_235 = arith.constant 0 : i32
        %eq3A_236 = vector.broadcast %eq3A_235 : i32 to vector<16xi32>
        %eq3A_237 = arith.cmpi eq, %iota3A, %eq3A_236 : vector<16xi32>
        %broadcast_in_dim3A_238 = vector.broadcast %scan3A_215 : i32 to vector<16xi32>
        %broadcast_in_dim3A_239 = vector.broadcast %reduce_max3A_223 : f32 to vector<16xf32>
        tpu.vector_store_idx %arg28[%broadcast_in_dim3A_238], %broadcast_in_dim3A_239 masked %eq3A_237 : memref<64xf32, #tpu.memory_space<vmem>>[vector<16xi32>], vector<16xf32>, vector<16xi1>
        %broadcast_in_dim3A_240 = vector.broadcast %reduce_min3A_234 : i32 to vector<16xi32>
        tpu.vector_store_idx %arg29[%broadcast_in_dim3A_238], %broadcast_in_dim3A_240 masked %eq3A_237 : memref<64xi32, #tpu.memory_space<vmem>>[vector<16xi32>], vector<16xi32>, vector<16xi1>
      }
      %scan3A_181 = arith.constant 64 : i32
      %get3A_182 = arith.constant 0 : index
      %get3A_183 = tpu.vector_load %arg28[%get3A_182] {strides = array<i32>} : memref<64xf32, #tpu.memory_space<vmem>>, vector<16xf32>,
      %get3A_184 = arith.constant 16 : index
      %get3A_185 = tpu.vector_load %arg28[%get3A_184] {strides = array<i32>} : memref<64xf32, #tpu.memory_space<vmem>>, vector<16xf32>,
      %get3A_186 = arith.constant 32 : index
      %get3A_187 = tpu.vector_load %arg28[%get3A_186] {strides = array<i32>} : memref<64xf32, #tpu.memory_space<vmem>>, vector<16xf32>,
      %get3A_188 = arith.constant 48 : index
      %get3A_189 = tpu.vector_load %arg28[%get3A_188] {strides = array<i32>} : memref<64xf32, #tpu.memory_space<vmem>>, vector<16xf32>,
      %get3A_190 = arith.constant 0 : index
      %get3A_191 = tpu.vector_load %arg29[%get3A_190] {strides = array<i32>} : memref<64xi32, #tpu.memory_space<vmem>>, vector<16xi32>,
      %get3A_192 = arith.constant 16 : index
      %get3A_193 = tpu.vector_load %arg29[%get3A_192] {strides = array<i32>} : memref<64xi32, #tpu.memory_space<vmem>>, vector<16xi32>,
      %get3A_194 = arith.constant 32 : index
      %get3A_195 = tpu.vector_load %arg29[%get3A_194] {strides = array<i32>} : memref<64xi32, #tpu.memory_space<vmem>>, vector<16xi32>,
      %get3A_196 = arith.constant 48 : index
      %get3A_197 = tpu.vector_load %arg29[%get3A_196] {strides = array<i32>} : memref<64xi32, #tpu.memory_space<vmem>>, vector<16xi32>,
      %max3A = arith.maximumf %get3A_183, %get3A_185 : vector<16xf32>
      %max3A_198 = arith.maximumf %get3A_187, %get3A_189 : vector<16xf32>
      %max3A_199 = arith.maximumf %max3A, %max3A_198 : vector<16xf32>
      %reduce_max3A_200 = arith.constant true
      %reduce_max3A_201 = vector.broadcast %reduce_max3A_200 : i1 to vector<16xi1>
      %reduce_max3A_202 = tpu.scan <max>, %max3A_199 masked %reduce_max3A_201 : vector<16xf32>, vector<16xi1> -> vector<16xf32>
      %reduce_max3A_203 = vector.extract %reduce_max3A_202[15] : f32 from vector<16xf32>
      %while3A = arith.constant 0 : i32
      %while3A_204:10 = scf.while (%while3A_215 = %while3A, %while3A_216 = %reduce_max3A_203, %while3A_217 = %get3A_183, %while3A_218 = %get3A_185, %while3A_219 = %get3A_187, %while3A_220 = %get3A_189, %while3A_221 = %get3A_191, %while3A_222 = %get3A_193, %while3A_223 = %get3A_195, %while3A_224 = %get3A_197) : (i32, f32, vector<16xf32>, vector<16xf32>, vector<16xf32>, vector<16xf32>, vector<16xi32>, vector<16xi32>, vector<16xi32>, vector<16xi32>) -> (i32, f32, vector<16xf32>, vector<16xf32>, vector<16xf32>, vector<16xf32>, vector<16xi32>, vector<16xi32>, vector<16xi32>, vector<16xi32>) {
        %lt3A_225 = arith.constant 100 : i32
        %lt3A_226 = arith.cmpi slt, %while3A_215, %lt3A_225 : i32
        %gt3A = arith.constant 0.000000e+00 : f32
        %gt3A_227 = arith.cmpf ogt, %while3A_216, %gt3A : f32
        %and3A = arith.andi %lt3A_226, %gt3A_227 : i1
        scf.condition(%and3A) %while3A_215, %while3A_216, %while3A_217, %while3A_218, %while3A_219, %while3A_220, %while3A_221, %while3A_222, %while3A_223, %while3A_224 : i32, f32, vector<16xf32>, vector<16xf32>, vector<16xf32>, vector<16xf32>, vector<16xi32>, vector<16xi32>, vector<16xi32>, vector<16xi32>
      } do {
      ^bb0(%while3A_215: i32, %while3A_216: f32, %while3A_217: vector<16xf32>, %while3A_218: vector<16xf32>, %while3A_219: vector<16xf32>, %while3A_220: vector<16xf32>, %while3A_221: vector<16xi32>, %while3A_222: vector<16xi32>, %while3A_223: vector<16xi32>, %while3A_224: vector<16xi32>):
        %broadcast_in_dim3A_225 = arith.constant 1073741824 : i32
        %broadcast_in_dim3A_226 = vector.broadcast %broadcast_in_dim3A_225 : i32 to vector<16xi32>
        %eq3A = vector.broadcast %while3A_216 : f32 to vector<16xf32>
        %eq3A_227 = arith.cmpf oeq, %while3A_217, %eq3A : vector<16xf32>
        %select_n3A = arith.select %eq3A_227, %while3A_221, %broadcast_in_dim3A_226 : vector<16xi1>, vector<16xi32>
        %eq3A_228 = vector.broadcast %while3A_216 : f32 to vector<16xf32>
        %eq3A_229 = arith.cmpf oeq, %while3A_218, %eq3A_228 : vector<16xf32>
        %select_n3A_230 = arith.select %eq3A_229, %while3A_222, %broadcast_in_dim3A_226 : vector<16xi1>, vector<16xi32>
        %eq3A_231 = vector.broadcast %while3A_216 : f32 to vector<16xf32>
        %eq3A_232 = arith.cmpf oeq, %while3A_219, %eq3A_231 : vector<16xf32>
        %select_n3A_233 = arith.select %eq3A_232, %while3A_223, %broadcast_in_dim3A_226 : vector<16xi1>, vector<16xi32>
        %eq3A_234 = vector.broadcast %while3A_216 : f32 to vector<16xf32>
        %eq3A_235 = arith.cmpf oeq, %while3A_220, %eq3A_234 : vector<16xf32>
        %select_n3A_236 = arith.select %eq3A_235, %while3A_224, %broadcast_in_dim3A_226 : vector<16xi1>, vector<16xi32>
        %min3A = arith.minsi %select_n3A, %select_n3A_230 : vector<16xi32>
        %min3A_237 = arith.minsi %select_n3A_233, %select_n3A_236 : vector<16xi32>
        %min3A_238 = arith.minsi %min3A, %min3A_237 : vector<16xi32>
        %reduce_min3A = arith.constant true
        %reduce_min3A_239 = vector.broadcast %reduce_min3A : i1 to vector<16xi1>
        %reduce_min3A_240 = arith.constant -2147483648 : i32
        %reduce_min3A_241 = vector.broadcast %reduce_min3A_240 : i32 to vector<16xi32>
        %reduce_min3A_242 = arith.xori %min3A_238, %reduce_min3A_241 : vector<16xi32>
        %reduce_min3A_243 = tpu.scan <min>, %reduce_min3A_242 masked %reduce_min3A_239 : vector<16xi32>, vector<16xi1> -> vector<16xi32>
        %reduce_min3A_244 = arith.xori %reduce_min3A_243, %reduce_min3A_241 : vector<16xi32>
        %reduce_min3A_245 = vector.extract %reduce_min3A_244[15] : i32 from vector<16xi32>
        %eq3A_246 = vector.broadcast %while3A_216 : f32 to vector<16xf32>
        %eq3A_247 = arith.cmpf oeq, %while3A_217, %eq3A_246 : vector<16xf32>
        %eq3A_248 = vector.broadcast %reduce_min3A_245 : i32 to vector<16xi32>
        %eq3A_249 = arith.cmpi eq, %while3A_221, %eq3A_248 : vector<16xi32>
        %and3A = arith.andi %eq3A_247, %eq3A_249 : vector<16xi1>
        %select_n3A_250 = arith.select %and3A, %iota3A, %broadcast_in_dim3A_226 : vector<16xi1>, vector<16xi32>
        %eq3A_251 = vector.broadcast %while3A_216 : f32 to vector<16xf32>
        %eq3A_252 = arith.cmpf oeq, %while3A_218, %eq3A_251 : vector<16xf32>
        %eq3A_253 = vector.broadcast %reduce_min3A_245 : i32 to vector<16xi32>
        %eq3A_254 = arith.cmpi eq, %while3A_222, %eq3A_253 : vector<16xi32>
        %and3A_255 = arith.andi %eq3A_252, %eq3A_254 : vector<16xi1>
        %add3A_256 = arith.constant 16 : i32
        %add3A_257 = vector.broadcast %add3A_256 : i32 to vector<16xi32>
        %add3A_258 = arith.addi %iota3A, %add3A_257 : vector<16xi32>
        %select_n3A_259 = arith.select %and3A_255, %add3A_258, %broadcast_in_dim3A_226 : vector<16xi1>, vector<16xi32>
        %eq3A_260 = vector.broadcast %while3A_216 : f32 to vector<16xf32>
        %eq3A_261 = arith.cmpf oeq, %while3A_219, %eq3A_260 : vector<16xf32>
        %eq3A_262 = vector.broadcast %reduce_min3A_245 : i32 to vector<16xi32>
        %eq3A_263 = arith.cmpi eq, %while3A_223, %eq3A_262 : vector<16xi32>
        %and3A_264 = arith.andi %eq3A_261, %eq3A_263 : vector<16xi1>
        %add3A_265 = arith.constant 32 : i32
        %add3A_266 = vector.broadcast %add3A_265 : i32 to vector<16xi32>
        %add3A_267 = arith.addi %iota3A, %add3A_266 : vector<16xi32>
        %select_n3A_268 = arith.select %and3A_264, %add3A_267, %broadcast_in_dim3A_226 : vector<16xi1>, vector<16xi32>
        %eq3A_269 = vector.broadcast %while3A_216 : f32 to vector<16xf32>
        %eq3A_270 = arith.cmpf oeq, %while3A_220, %eq3A_269 : vector<16xf32>
        %eq3A_271 = vector.broadcast %reduce_min3A_245 : i32 to vector<16xi32>
        %eq3A_272 = arith.cmpi eq, %while3A_224, %eq3A_271 : vector<16xi32>
        %and3A_273 = arith.andi %eq3A_270, %eq3A_272 : vector<16xi1>
        %add3A_274 = arith.constant 48 : i32
        %add3A_275 = vector.broadcast %add3A_274 : i32 to vector<16xi32>
        %add3A_276 = arith.addi %iota3A, %add3A_275 : vector<16xi32>
        %select_n3A_277 = arith.select %and3A_273, %add3A_276, %broadcast_in_dim3A_226 : vector<16xi1>, vector<16xi32>
        %min3A_278 = arith.minsi %select_n3A_250, %select_n3A_259 : vector<16xi32>
        %min3A_279 = arith.minsi %select_n3A_268, %select_n3A_277 : vector<16xi32>
        %min3A_280 = arith.minsi %min3A_278, %min3A_279 : vector<16xi32>
        %reduce_min3A_281 = arith.constant true
        %reduce_min3A_282 = vector.broadcast %reduce_min3A_281 : i1 to vector<16xi1>
        %reduce_min3A_283 = arith.constant -2147483648 : i32
        %reduce_min3A_284 = vector.broadcast %reduce_min3A_283 : i32 to vector<16xi32>
        %reduce_min3A_285 = arith.xori %min3A_280, %reduce_min3A_284 : vector<16xi32>
        %reduce_min3A_286 = tpu.scan <min>, %reduce_min3A_285 masked %reduce_min3A_282 : vector<16xi32>, vector<16xi1> -> vector<16xi32>
        %reduce_min3A_287 = arith.xori %reduce_min3A_286, %reduce_min3A_284 : vector<16xi32>
        %reduce_min3A_288 = vector.extract %reduce_min3A_287[15] : i32 from vector<16xi32>
        %jit3A = arith.constant 0 : i32
        %jit3A_289 = arith.constant 63 : i32
        %max3A_290 = arith.maxsi %jit3A, %reduce_min3A_288 : i32
        %min3A_291 = arith.minsi %jit3A_289, %max3A_290 : i32
        %mul3A_292 = arith.constant 16 : i32
        %mul3A_293 = arith.muli %min3A_291, %mul3A_292 : i32
        %get3A_294 = arith.index_cast %mul3A_293 : i32 to index
        %get3A_295 = tpu.vector_load %arg18[%get3A_294] {strides = array<i32>} : memref<1024xf32, #tpu.memory_space<vmem>>, vector<16xf32>,
        %get3A_296 = arith.index_cast %mul3A_293 : i32 to index
        %get3A_297 = tpu.vector_load %arg24[%get3A_296] {strides = array<i32>} : memref<1024xi32, #tpu.memory_space<vmem>>, vector<16xi32>,
        %eq3A_298 = vector.broadcast %while3A_216 : f32 to vector<16xf32>
        %eq3A_299 = arith.cmpf oeq, %get3A_295, %eq3A_298 : vector<16xf32>
        %eq3A_300 = vector.broadcast %reduce_min3A_245 : i32 to vector<16xi32>
        %eq3A_301 = arith.cmpi eq, %get3A_297, %eq3A_300 : vector<16xi32>
        %and3A_302 = arith.andi %eq3A_299, %eq3A_301 : vector<16xi1>
        %jit3A_303 = arith.constant 15 : i32
        %broadcast_in_dim3A_304 = vector.broadcast %jit3A_303 : i32 to vector<16xi32>
        %select_n3A_305 = arith.select %and3A_302, %iota3A, %broadcast_in_dim3A_304 : vector<16xi1>, vector<16xi32>
        %reduce_min3A_306 = arith.constant true
        %reduce_min3A_307 = vector.broadcast %reduce_min3A_306 : i1 to vector<16xi1>
        %reduce_min3A_308 = arith.constant -2147483648 : i32
        %reduce_min3A_309 = vector.broadcast %reduce_min3A_308 : i32 to vector<16xi32>
        %reduce_min3A_310 = arith.xori %select_n3A_305, %reduce_min3A_309 : vector<16xi32>
        %reduce_min3A_311 = tpu.scan <min>, %reduce_min3A_310 masked %reduce_min3A_307 : vector<16xi32>, vector<16xi1> -> vector<16xi32>
        %reduce_min3A_312 = arith.xori %reduce_min3A_311, %reduce_min3A_309 : vector<16xi32>
        %reduce_min3A_313 = vector.extract %reduce_min3A_312[15] : i32 from vector<16xi32>
        %add3A_314 = arith.addi %mul3A_293, %reduce_min3A_313 : i32
        %broadcast_in_dim3A_315 = vector.broadcast %add3A_314 : i32 to vector<16xi32>
        %eq3A_316 = arith.constant 0 : i32
        %eq3A_317 = vector.broadcast %eq3A_316 : i32 to vector<16xi32>
        %eq3A_318 = arith.cmpi eq, %iota3A, %eq3A_317 : vector<16xi32>
        %gather3A = tpu.vector_load_idx %arg19[%broadcast_in_dim3A_315] : memref<1024xf32, #tpu.memory_space<vmem>>[vector<16xi32>], vector<16xf32>,
        %gather3A_319 = tpu.vector_load_idx %arg20[%broadcast_in_dim3A_315] : memref<1024xf32, #tpu.memory_space<vmem>>[vector<16xi32>], vector<16xf32>,
        %gather3A_320 = tpu.vector_load_idx %arg21[%broadcast_in_dim3A_315] : memref<1024xf32, #tpu.memory_space<vmem>>[vector<16xi32>], vector<16xf32>,
        %gather3A_321 = tpu.vector_load_idx %arg22[%broadcast_in_dim3A_315] : memref<1024xf32, #tpu.memory_space<vmem>>[vector<16xi32>], vector<16xf32>,
        %gather3A_322 = tpu.vector_load_idx %arg23[%broadcast_in_dim3A_315] : memref<1024xf32, #tpu.memory_space<vmem>>[vector<16xi32>], vector<16xf32>,
        %mul3A_323 = arith.constant 1.000000e+01 : f32
        %mul3A_324 = vector.broadcast %mul3A_323 : f32 to vector<16xf32>
        %mul3A_325 = arith.mulf %gather3A_322, %mul3A_324 : vector<16xf32>
        %add3A_326 = arith.addf %gather3A, %mul3A_325 : vector<16xf32>
        %add3A_327 = arith.addf %gather3A_319, %mul3A_325 : vector<16xf32>
        %add3A_328 = arith.addf %gather3A_320, %mul3A_325 : vector<16xf32>
        %add3A_329 = arith.addf %gather3A_321, %mul3A_325 : vector<16xf32>
        %sub3A_330 = arith.subf %add3A_328, %add3A_326 : vector<16xf32>
        %sub3A_331 = arith.subf %add3A_329, %add3A_327 : vector<16xf32>
        %mul3A_332 = arith.mulf %sub3A_330, %sub3A_331 : vector<16xf32>
        %eq3A_333 = arith.constant 0 : i32
        %eq3A_334 = vector.broadcast %eq3A_333 : i32 to vector<16xi32>
        %eq3A_335 = arith.cmpi eq, %iota3A, %eq3A_334 : vector<16xi32>
        %jit3A_336 = arith.constant 0.000000e+00 : f32
        %broadcast_in_dim3A_337 = vector.broadcast %jit3A_336 : f32 to vector<16xf32>
        %select_n3A_338 = arith.select %eq3A_335, %gather3A, %broadcast_in_dim3A_337 : vector<16xi1>, vector<16xf32>
        %eq3A_339 = arith.constant 1 : i32
        %eq3A_340 = vector.broadcast %eq3A_339 : i32 to vector<16xi32>
        %eq3A_341 = arith.cmpi eq, %iota3A, %eq3A_340 : vector<16xi32>
        %select_n3A_342 = arith.select %eq3A_341, %gather3A_319, %select_n3A_338 : vector<16xi1>, vector<16xf32>
        %eq3A_343 = arith.constant 2 : i32
        %eq3A_344 = vector.broadcast %eq3A_343 : i32 to vector<16xi32>
        %eq3A_345 = arith.cmpi eq, %iota3A, %eq3A_344 : vector<16xi32>
        %select_n3A_346 = arith.select %eq3A_345, %gather3A_320, %select_n3A_342 : vector<16xi1>, vector<16xf32>
        %eq3A_347 = arith.constant 3 : i32
        %eq3A_348 = vector.broadcast %eq3A_347 : i32 to vector<16xi32>
        %eq3A_349 = arith.cmpi eq, %iota3A, %eq3A_348 : vector<16xi32>
        %select_n3A_350 = arith.select %eq3A_349, %gather3A_321, %select_n3A_346 : vector<16xi1>, vector<16xf32>
        %eq3A_351 = arith.constant 4 : i32
        %eq3A_352 = vector.broadcast %eq3A_351 : i32 to vector<16xi32>
        %eq3A_353 = arith.cmpi eq, %iota3A, %eq3A_352 : vector<16xi32>
        %select_n3A_354 = arith.select %eq3A_353, %gather3A_322, %select_n3A_350 : vector<16xi1>, vector<16xf32>
        %eq3A_355 = arith.constant 5 : i32
        %eq3A_356 = vector.broadcast %eq3A_355 : i32 to vector<16xi32>
        %eq3A_357 = arith.cmpi eq, %iota3A, %eq3A_356 : vector<16xi32>
        %broadcast_in_dim3A_358 = vector.broadcast %while3A_216 : f32 to vector<16xf32>
        %select_n3A_359 = arith.select %eq3A_357, %broadcast_in_dim3A_358, %select_n3A_354 : vector<16xi1>, vector<16xf32>
        %mul3A_360 = arith.constant 16 : i32
        %mul3A_361 = arith.muli %while3A_215, %mul3A_360 : i32
        %swap3A_362 = arith.index_cast %mul3A_361 : i32 to index
        %swap3A_363 = tpu.vector_load %arg30[%swap3A_362] {strides = array<i32>} : memref<1600xf32, #tpu.memory_space<vmem>>, vector<16xf32>,
        tpu.vector_store %arg30[%swap3A_362], %select_n3A_359 {strides = array<i32>} : memref<1600xf32, #tpu.memory_space<vmem>>, vector<16xf32>,
        %convert_element_type3A_364 = arith.fptosi %gather3A_322 : vector<16xf32> to vector<16xi32>
        %jit3A_365 = arith.constant 0 : i32
        %jit3A_366 = arith.constant 95 : i32
        %max3A_367 = vector.broadcast %jit3A_365 : i32 to vector<16xi32>
        %max3A_368 = arith.maxsi %max3A_367, %convert_element_type3A_364 : vector<16xi32>
        %min3A_369 = vector.broadcast %jit3A_366 : i32 to vector<16xi32>
        %min3A_370 = arith.minsi %min3A_369, %max3A_368 : vector<16xi32>
        %gather3A_371 = tpu.vector_load_idx %arg26[%min3A_370] : memref<96xi32, #tpu.memory_space<vmem>>[vector<16xi32>], vector<16xi32>,
        %reduce_max3A_372 = arith.constant true
        %reduce_max3A_373 = vector.broadcast %reduce_max3A_372 : i1 to vector<16xi1>
        %reduce_max3A_374 = arith.constant -2147483648 : i32
        %reduce_max3A_375 = vector.broadcast %reduce_max3A_374 : i32 to vector<16xi32>
        %reduce_max3A_376 = arith.xori %gather3A_371, %reduce_max3A_375 : vector<16xi32>
        %reduce_max3A_377 = tpu.scan <max>, %reduce_max3A_376 masked %reduce_max3A_373 : vector<16xi32>, vector<16xi1> -> vector<16xi32>
        %reduce_max3A_378 = arith.xori %reduce_max3A_377, %reduce_max3A_375 : vector<16xi32>
        %reduce_max3A_379 = vector.extract %reduce_max3A_378[15] : i32 from vector<16xi32>
        %gather3A_380 = tpu.vector_load_idx %arg25[%min3A_370] : memref<96xi32, #tpu.memory_space<vmem>>[vector<16xi32>], vector<16xi32>,
        %reduce_max3A_381 = arith.constant true
        %reduce_max3A_382 = vector.broadcast %reduce_max3A_381 : i1 to vector<16xi1>
        %reduce_max3A_383 = arith.constant -2147483648 : i32
        %reduce_max3A_384 = vector.broadcast %reduce_max3A_383 : i32 to vector<16xi32>
        %reduce_max3A_385 = arith.xori %gather3A_380, %reduce_max3A_384 : vector<16xi32>
        %reduce_max3A_386 = tpu.scan <max>, %reduce_max3A_385 masked %reduce_max3A_382 : vector<16xi32>, vector<16xi1> -> vector<16xi32>
        %reduce_max3A_387 = arith.xori %reduce_max3A_386, %reduce_max3A_384 : vector<16xi32>
        %reduce_max3A_388 = vector.extract %reduce_max3A_387[15] : i32 from vector<16xi32>
        %add3A_389 = arith.addi %reduce_max3A_379, %reduce_max3A_388 : i32
        %div3A = arith.constant 16 : i32
        %div3A_390 = arith.divsi %reduce_max3A_379, %div3A : i32
        %jit3A_391 = arith.constant 0 : i32
        %jit3A_392 = arith.constant 63 : i32
        %max3A_393 = arith.maxsi %jit3A_391, %div3A_390 : i32
        %min3A_394 = arith.minsi %jit3A_392, %max3A_393 : i32
        %add3A_395 = arith.constant 15 : i32
        %add3A_396 = arith.addi %add3A_389, %add3A_395 : i32
        %div3A_397 = arith.constant 16 : i32
        %div3A_398 = arith.divsi %add3A_396, %div3A_397 : i32
        %jit3A_399 = arith.constant 0 : i32
        %jit3A_400 = arith.constant 64 : i32
        %max3A_401 = arith.maxsi %jit3A_399, %div3A_398 : i32
        %min3A_402 = arith.minsi %jit3A_400, %max3A_401 : i32
        %mul3A_403 = arith.constant 16 : i32
        %mul3A_404 = arith.muli %min3A_394, %mul3A_403 : i32
        %add3A_405 = vector.broadcast %mul3A_404 : i32 to vector<16xi32>
        %add3A_406 = arith.addi %add3A_405, %iota3A : vector<16xi32>
        %get3A_407 = arith.index_cast %mul3A_404 : i32 to index
        %get3A_408 = tpu.vector_load %arg18[%get3A_407] {strides = array<i32>} : memref<1024xf32, #tpu.memory_space<vmem>>, vector<16xf32>,
        %get3A_409 = arith.index_cast %mul3A_404 : i32 to index
        %get3A_410 = tpu.vector_load %arg23[%get3A_409] {strides = array<i32>} : memref<1024xf32, #tpu.memory_space<vmem>>, vector<16xf32>,
        %mul3A_411 = arith.constant 1.000000e+01 : f32
        %mul3A_412 = vector.broadcast %mul3A_411 : f32 to vector<16xf32>
        %mul3A_413 = arith.mulf %get3A_410, %mul3A_412 : vector<16xf32>
        %get3A_414 = arith.index_cast %mul3A_404 : i32 to index
        %get3A_415 = tpu.vector_load %arg19[%get3A_414] {strides = array<i32>} : memref<1024xf32, #tpu.memory_space<vmem>>, vector<16xf32>,
        %add3A_416 = arith.addf %get3A_415, %mul3A_413 : vector<16xf32>
        %get3A_417 = arith.index_cast %mul3A_404 : i32 to index
        %get3A_418 = tpu.vector_load %arg20[%get3A_417] {strides = array<i32>} : memref<1024xf32, #tpu.memory_space<vmem>>, vector<16xf32>,
        %add3A_419 = arith.addf %get3A_418, %mul3A_413 : vector<16xf32>
        %get3A_420 = arith.index_cast %mul3A_404 : i32 to index
        %get3A_421 = tpu.vector_load %arg21[%get3A_420] {strides = array<i32>} : memref<1024xf32, #tpu.memory_space<vmem>>, vector<16xf32>,
        %add3A_422 = arith.addf %get3A_421, %mul3A_413 : vector<16xf32>
        %get3A_423 = arith.index_cast %mul3A_404 : i32 to index
        %get3A_424 = tpu.vector_load %arg22[%get3A_423] {strides = array<i32>} : memref<1024xf32, #tpu.memory_space<vmem>>, vector<16xf32>,
        %add3A_425 = arith.addf %get3A_424, %mul3A_413 : vector<16xf32>
        %sub3A_426 = arith.subf %add3A_422, %add3A_416 : vector<16xf32>
        %sub3A_427 = arith.subf %add3A_425, %add3A_419 : vector<16xf32>
        %mul3A_428 = arith.mulf %sub3A_426, %sub3A_427 : vector<16xf32>
        %max3A_429 = arith.maximumf %add3A_416, %add3A_326 : vector<16xf32>
        %max3A_430 = arith.maximumf %add3A_419, %add3A_327 : vector<16xf32>
        %min3A_431 = arith.minimumf %add3A_422, %add3A_328 : vector<16xf32>
        %min3A_432 = arith.minimumf %add3A_425, %add3A_329 : vector<16xf32>
        %sub3A_433 = arith.subf %min3A_431, %max3A_429 : vector<16xf32>
        %max3A_434 = arith.constant 0.000000e+00 : f32
        %max3A_435 = vector.broadcast %max3A_434 : f32 to vector<16xf32>
        %max3A_436 = arith.maximumf %sub3A_433, %max3A_435 : vector<16xf32>
        %sub3A_437 = arith.subf %min3A_432, %max3A_430 : vector<16xf32>
        %max3A_438 = arith.constant 0.000000e+00 : f32
        %max3A_439 = vector.broadcast %max3A_438 : f32 to vector<16xf32>
        %max3A_440 = arith.maximumf %sub3A_437, %max3A_439 : vector<16xf32>
        %mul3A_441 = arith.mulf %max3A_436, %max3A_440 : vector<16xf32>
        %add3A_442 = arith.addf %mul3A_332, %mul3A_428 : vector<16xf32>
        %sub3A_443 = arith.subf %add3A_442, %mul3A_441 : vector<16xf32>
        %max3A_444 = arith.constant 9.99999993E-9 : f32
        %max3A_445 = vector.broadcast %max3A_444 : f32 to vector<16xf32>
        %max3A_446 = arith.maximumf %sub3A_443, %max3A_445 : vector<16xf32>
        %div3A_447 = arith.divf %mul3A_441, %max3A_446 : vector<16xf32>
        %ge3A = vector.broadcast %reduce_max3A_379 : i32 to vector<16xi32>
        %ge3A_448 = arith.cmpi sge, %add3A_406, %ge3A : vector<16xi32>
        %lt3A_449 = vector.broadcast %add3A_389 : i32 to vector<16xi32>
        %lt3A_450 = arith.cmpi slt, %add3A_406, %lt3A_449 : vector<16xi32>
        %and3A_451 = arith.andi %ge3A_448, %lt3A_450 : vector<16xi1>
        %gt3A = arith.constant 3.000000e-01 : f32
        %gt3A_452 = vector.broadcast %gt3A : f32 to vector<16xf32>
        %gt3A_453 = arith.cmpf ogt, %div3A_447, %gt3A_452 : vector<16xf32>
        %eq3A_454 = vector.broadcast %add3A_314 : i32 to vector<16xi32>
        %eq3A_455 = arith.cmpi eq, %add3A_406, %eq3A_454 : vector<16xi32>
        %or3A = arith.ori %gt3A_453, %eq3A_455 : vector<16xi1>
        %and3A_456 = arith.andi %and3A_451, %or3A : vector<16xi1>
        %jit3A_457 = arith.constant -1.000000e+00 : f32
        %broadcast_in_dim3A_458 = vector.broadcast %jit3A_457 : f32 to vector<16xf32>
        %select_n3A_459 = arith.select %and3A_456, %broadcast_in_dim3A_458, %get3A_408 : vector<16xi1>, vector<16xf32>
        %swap3A_460 = arith.index_cast %mul3A_404 : i32 to index
        %swap3A_461 = tpu.vector_load %arg18[%swap3A_460] {strides = array<i32>} : memref<1024xf32, #tpu.memory_space<vmem>>, vector<16xf32>,
        tpu.vector_store %arg18[%swap3A_460], %select_n3A_459 {strides = array<i32>} : memref<1024xf32, #tpu.memory_space<vmem>>, vector<16xf32>,
        %reduce_max3A_462 = arith.constant true
        %reduce_max3A_463 = vector.broadcast %reduce_max3A_462 : i1 to vector<16xi1>
        %reduce_max3A_464 = tpu.scan <max>, %select_n3A_459 masked %reduce_max3A_463 : vector<16xf32>, vector<16xi1> -> vector<16xf32>
        %reduce_max3A_465 = vector.extract %reduce_max3A_464[15] : f32 from vector<16xf32>
        %eq3A_466 = vector.broadcast %reduce_max3A_465 : f32 to vector<16xf32>
        %eq3A_467 = arith.cmpf oeq, %select_n3A_459, %eq3A_466 : vector<16xf32>
        %get3A_468 = arith.index_cast %mul3A_404 : i32 to index
        %get3A_469 = tpu.vector_load %arg24[%get3A_468] {strides = array<i32>} : memref<1024xi32, #tpu.memory_space<vmem>>, vector<16xi32>,
        %jit3A_470 = arith.constant 1073741824 : i32
        %broadcast_in_dim3A_471 = vector.broadcast %jit3A_470 : i32 to vector<16xi32>
        %select_n3A_472 = arith.select %eq3A_467, %get3A_469, %broadcast_in_dim3A_471 : vector<16xi1>, vector<16xi32>
        %reduce_min3A_473 = arith.constant true
        %reduce_min3A_474 = vector.broadcast %reduce_min3A_473 : i1 to vector<16xi1>
        %reduce_min3A_475 = arith.constant -2147483648 : i32
        %reduce_min3A_476 = vector.broadcast %reduce_min3A_475 : i32 to vector<16xi32>
        %reduce_min3A_477 = arith.xori %select_n3A_472, %reduce_min3A_476 : vector<16xi32>
        %reduce_min3A_478 = tpu.scan <min>, %reduce_min3A_477 masked %reduce_min3A_474 : vector<16xi32>, vector<16xi1> -> vector<16xi32>
        %reduce_min3A_479 = arith.xori %reduce_min3A_478, %reduce_min3A_476 : vector<16xi32>
        %reduce_min3A_480 = vector.extract %reduce_min3A_479[15] : i32 from vector<16xi32>
        %eq3A_481 = vector.broadcast %min3A_394 : i32 to vector<16xi32>
        %eq3A_482 = arith.cmpi eq, %iota3A, %eq3A_481 : vector<16xi32>
        %add3A_483 = arith.constant 16 : i32
        %add3A_484 = vector.broadcast %add3A_483 : i32 to vector<16xi32>
        %add3A_485 = arith.addi %iota3A, %add3A_484 : vector<16xi32>
        %eq3A_486 = vector.broadcast %min3A_394 : i32 to vector<16xi32>
        %eq3A_487 = arith.cmpi eq, %add3A_485, %eq3A_486 : vector<16xi32>
        %add3A_488 = arith.constant 32 : i32
        %add3A_489 = vector.broadcast %add3A_488 : i32 to vector<16xi32>
        %add3A_490 = arith.addi %iota3A, %add3A_489 : vector<16xi32>
        %eq3A_491 = vector.broadcast %min3A_394 : i32 to vector<16xi32>
        %eq3A_492 = arith.cmpi eq, %add3A_490, %eq3A_491 : vector<16xi32>
        %add3A_493 = arith.constant 48 : i32
        %add3A_494 = vector.broadcast %add3A_493 : i32 to vector<16xi32>
        %add3A_495 = arith.addi %iota3A, %add3A_494 : vector<16xi32>
        %eq3A_496 = vector.broadcast %min3A_394 : i32 to vector<16xi32>
        %eq3A_497 = arith.cmpi eq, %add3A_495, %eq3A_496 : vector<16xi32>
        %broadcast_in_dim3A_498 = vector.broadcast %reduce_max3A_465 : f32 to vector<16xf32>
        %select_n3A_499 = arith.select %eq3A_482, %broadcast_in_dim3A_498, %while3A_217 : vector<16xi1>, vector<16xf32>
        %broadcast_in_dim3A_500 = vector.broadcast %reduce_max3A_465 : f32 to vector<16xf32>
        %select_n3A_501 = arith.select %eq3A_487, %broadcast_in_dim3A_500, %while3A_218 : vector<16xi1>, vector<16xf32>
        %broadcast_in_dim3A_502 = vector.broadcast %reduce_max3A_465 : f32 to vector<16xf32>
        %select_n3A_503 = arith.select %eq3A_492, %broadcast_in_dim3A_502, %while3A_219 : vector<16xi1>, vector<16xf32>
        %broadcast_in_dim3A_504 = vector.broadcast %reduce_max3A_465 : f32 to vector<16xf32>
        %select_n3A_505 = arith.select %eq3A_497, %broadcast_in_dim3A_504, %while3A_220 : vector<16xi1>, vector<16xf32>
        %broadcast_in_dim3A_506 = vector.broadcast %reduce_min3A_480 : i32 to vector<16xi32>
        %select_n3A_507 = arith.select %eq3A_482, %broadcast_in_dim3A_506, %while3A_221 : vector<16xi1>, vector<16xi32>
        %broadcast_in_dim3A_508 = vector.broadcast %reduce_min3A_480 : i32 to vector<16xi32>
        %select_n3A_509 = arith.select %eq3A_487, %broadcast_in_dim3A_508, %while3A_222 : vector<16xi1>, vector<16xi32>
        %broadcast_in_dim3A_510 = vector.broadcast %reduce_min3A_480 : i32 to vector<16xi32>
        %select_n3A_511 = arith.select %eq3A_492, %broadcast_in_dim3A_510, %while3A_223 : vector<16xi1>, vector<16xi32>
        %broadcast_in_dim3A_512 = vector.broadcast %reduce_min3A_480 : i32 to vector<16xi32>
        %select_n3A_513 = arith.select %eq3A_497, %broadcast_in_dim3A_512, %while3A_224 : vector<16xi1>, vector<16xi32>
        %add3A_514 = arith.constant 1 : i32
        %add3A_515 = arith.addi %min3A_394, %add3A_514 : i32
        %min3A_516 = arith.constant 63 : i32
        %min3A_517 = arith.minsi %add3A_515, %min3A_516 : i32
        %mul3A_518 = arith.constant 16 : i32
        %mul3A_519 = arith.muli %min3A_517, %mul3A_518 : i32
        %add3A_520 = vector.broadcast %mul3A_519 : i32 to vector<16xi32>
        %add3A_521 = arith.addi %add3A_520, %iota3A : vector<16xi32>
        %get3A_522 = arith.index_cast %mul3A_519 : i32 to index
        %get3A_523 = tpu.vector_load %arg18[%get3A_522] {strides = array<i32>} : memref<1024xf32, #tpu.memory_space<vmem>>, vector<16xf32>,
        %get3A_524 = arith.index_cast %mul3A_519 : i32 to index
        %get3A_525 = tpu.vector_load %arg23[%get3A_524] {strides = array<i32>} : memref<1024xf32, #tpu.memory_space<vmem>>, vector<16xf32>,
        %mul3A_526 = arith.constant 1.000000e+01 : f32
        %mul3A_527 = vector.broadcast %mul3A_526 : f32 to vector<16xf32>
        %mul3A_528 = arith.mulf %get3A_525, %mul3A_527 : vector<16xf32>
        %get3A_529 = arith.index_cast %mul3A_519 : i32 to index
        %get3A_530 = tpu.vector_load %arg19[%get3A_529] {strides = array<i32>} : memref<1024xf32, #tpu.memory_space<vmem>>, vector<16xf32>,
        %add3A_531 = arith.addf %get3A_530, %mul3A_528 : vector<16xf32>
        %get3A_532 = arith.index_cast %mul3A_519 : i32 to index
        %get3A_533 = tpu.vector_load %arg20[%get3A_532] {strides = array<i32>} : memref<1024xf32, #tpu.memory_space<vmem>>, vector<16xf32>,
        %add3A_534 = arith.addf %get3A_533, %mul3A_528 : vector<16xf32>
        %get3A_535 = arith.index_cast %mul3A_519 : i32 to index
        %get3A_536 = tpu.vector_load %arg21[%get3A_535] {strides = array<i32>} : memref<1024xf32, #tpu.memory_space<vmem>>, vector<16xf32>,
        %add3A_537 = arith.addf %get3A_536, %mul3A_528 : vector<16xf32>
        %get3A_538 = arith.index_cast %mul3A_519 : i32 to index
        %get3A_539 = tpu.vector_load %arg22[%get3A_538] {strides = array<i32>} : memref<1024xf32, #tpu.memory_space<vmem>>, vector<16xf32>,
        %add3A_540 = arith.addf %get3A_539, %mul3A_528 : vector<16xf32>
        %sub3A_541 = arith.subf %add3A_537, %add3A_531 : vector<16xf32>
        %sub3A_542 = arith.subf %add3A_540, %add3A_534 : vector<16xf32>
        %mul3A_543 = arith.mulf %sub3A_541, %sub3A_542 : vector<16xf32>
        %max3A_544 = arith.maximumf %add3A_531, %add3A_326 : vector<16xf32>
        %max3A_545 = arith.maximumf %add3A_534, %add3A_327 : vector<16xf32>
        %min3A_546 = arith.minimumf %add3A_537, %add3A_328 : vector<16xf32>
        %min3A_547 = arith.minimumf %add3A_540, %add3A_329 : vector<16xf32>
        %sub3A_548 = arith.subf %min3A_546, %max3A_544 : vector<16xf32>
        %max3A_549 = arith.constant 0.000000e+00 : f32
        %max3A_550 = vector.broadcast %max3A_549 : f32 to vector<16xf32>
        %max3A_551 = arith.maximumf %sub3A_548, %max3A_550 : vector<16xf32>
        %sub3A_552 = arith.subf %min3A_547, %max3A_545 : vector<16xf32>
        %max3A_553 = arith.constant 0.000000e+00 : f32
        %max3A_554 = vector.broadcast %max3A_553 : f32 to vector<16xf32>
        %max3A_555 = arith.maximumf %sub3A_552, %max3A_554 : vector<16xf32>
        %mul3A_556 = arith.mulf %max3A_551, %max3A_555 : vector<16xf32>
        %add3A_557 = arith.addf %mul3A_332, %mul3A_543 : vector<16xf32>
        %sub3A_558 = arith.subf %add3A_557, %mul3A_556 : vector<16xf32>
        %max3A_559 = arith.constant 9.99999993E-9 : f32
        %max3A_560 = vector.broadcast %max3A_559 : f32 to vector<16xf32>
        %max3A_561 = arith.maximumf %sub3A_558, %max3A_560 : vector<16xf32>
        %div3A_562 = arith.divf %mul3A_556, %max3A_561 : vector<16xf32>
        %ge3A_563 = vector.broadcast %reduce_max3A_379 : i32 to vector<16xi32>
        %ge3A_564 = arith.cmpi sge, %add3A_521, %ge3A_563 : vector<16xi32>
        %lt3A_565 = vector.broadcast %add3A_389 : i32 to vector<16xi32>
        %lt3A_566 = arith.cmpi slt, %add3A_521, %lt3A_565 : vector<16xi32>
        %and3A_567 = arith.andi %ge3A_564, %lt3A_566 : vector<16xi1>
        %gt3A_568 = arith.constant 3.000000e-01 : f32
        %gt3A_569 = vector.broadcast %gt3A_568 : f32 to vector<16xf32>
        %gt3A_570 = arith.cmpf ogt, %div3A_562, %gt3A_569 : vector<16xf32>
        %eq3A_571 = vector.broadcast %add3A_314 : i32 to vector<16xi32>
        %eq3A_572 = arith.cmpi eq, %add3A_521, %eq3A_571 : vector<16xi32>
        %or3A_573 = arith.ori %gt3A_570, %eq3A_572 : vector<16xi1>
        %and3A_574 = arith.andi %and3A_567, %or3A_573 : vector<16xi1>
        %jit3A_575 = arith.constant -1.000000e+00 : f32
        %broadcast_in_dim3A_576 = vector.broadcast %jit3A_575 : f32 to vector<16xf32>
        %select_n3A_577 = arith.select %and3A_574, %broadcast_in_dim3A_576, %get3A_523 : vector<16xi1>, vector<16xf32>
        %swap3A_578 = arith.index_cast %mul3A_519 : i32 to index
        %swap3A_579 = tpu.vector_load %arg18[%swap3A_578] {strides = array<i32>} : memref<1024xf32, #tpu.memory_space<vmem>>, vector<16xf32>,
        tpu.vector_store %arg18[%swap3A_578], %select_n3A_577 {strides = array<i32>} : memref<1024xf32, #tpu.memory_space<vmem>>, vector<16xf32>,
        %reduce_max3A_580 = arith.constant true
        %reduce_max3A_581 = vector.broadcast %reduce_max3A_580 : i1 to vector<16xi1>
        %reduce_max3A_582 = tpu.scan <max>, %select_n3A_577 masked %reduce_max3A_581 : vector<16xf32>, vector<16xi1> -> vector<16xf32>
        %reduce_max3A_583 = vector.extract %reduce_max3A_582[15] : f32 from vector<16xf32>
        %eq3A_584 = vector.broadcast %reduce_max3A_583 : f32 to vector<16xf32>
        %eq3A_585 = arith.cmpf oeq, %select_n3A_577, %eq3A_584 : vector<16xf32>
        %get3A_586 = arith.index_cast %mul3A_519 : i32 to index
        %get3A_587 = tpu.vector_load %arg24[%get3A_586] {strides = array<i32>} : memref<1024xi32, #tpu.memory_space<vmem>>, vector<16xi32>,
        %jit3A_588 = arith.constant 1073741824 : i32
        %broadcast_in_dim3A_589 = vector.broadcast %jit3A_588 : i32 to vector<16xi32>
        %select_n3A_590 = arith.select %eq3A_585, %get3A_587, %broadcast_in_dim3A_589 : vector<16xi1>, vector<16xi32>
        %reduce_min3A_591 = arith.constant true
        %reduce_min3A_592 = vector.broadcast %reduce_min3A_591 : i1 to vector<16xi1>
        %reduce_min3A_593 = arith.constant -2147483648 : i32
        %reduce_min3A_594 = vector.broadcast %reduce_min3A_593 : i32 to vector<16xi32>
        %reduce_min3A_595 = arith.xori %select_n3A_590, %reduce_min3A_594 : vector<16xi32>
        %reduce_min3A_596 = tpu.scan <min>, %reduce_min3A_595 masked %reduce_min3A_592 : vector<16xi32>, vector<16xi1> -> vector<16xi32>
        %reduce_min3A_597 = arith.xori %reduce_min3A_596, %reduce_min3A_594 : vector<16xi32>
        %reduce_min3A_598 = vector.extract %reduce_min3A_597[15] : i32 from vector<16xi32>
        %eq3A_599 = vector.broadcast %min3A_517 : i32 to vector<16xi32>
        %eq3A_600 = arith.cmpi eq, %iota3A, %eq3A_599 : vector<16xi32>
        %add3A_601 = arith.constant 16 : i32
        %add3A_602 = vector.broadcast %add3A_601 : i32 to vector<16xi32>
        %add3A_603 = arith.addi %iota3A, %add3A_602 : vector<16xi32>
        %eq3A_604 = vector.broadcast %min3A_517 : i32 to vector<16xi32>
        %eq3A_605 = arith.cmpi eq, %add3A_603, %eq3A_604 : vector<16xi32>
        %add3A_606 = arith.constant 32 : i32
        %add3A_607 = vector.broadcast %add3A_606 : i32 to vector<16xi32>
        %add3A_608 = arith.addi %iota3A, %add3A_607 : vector<16xi32>
        %eq3A_609 = vector.broadcast %min3A_517 : i32 to vector<16xi32>
        %eq3A_610 = arith.cmpi eq, %add3A_608, %eq3A_609 : vector<16xi32>
        %add3A_611 = arith.constant 48 : i32
        %add3A_612 = vector.broadcast %add3A_611 : i32 to vector<16xi32>
        %add3A_613 = arith.addi %iota3A, %add3A_612 : vector<16xi32>
        %eq3A_614 = vector.broadcast %min3A_517 : i32 to vector<16xi32>
        %eq3A_615 = arith.cmpi eq, %add3A_613, %eq3A_614 : vector<16xi32>
        %broadcast_in_dim3A_616 = vector.broadcast %reduce_max3A_583 : f32 to vector<16xf32>
        %select_n3A_617 = arith.select %eq3A_600, %broadcast_in_dim3A_616, %select_n3A_499 : vector<16xi1>, vector<16xf32>
        %broadcast_in_dim3A_618 = vector.broadcast %reduce_max3A_583 : f32 to vector<16xf32>
        %select_n3A_619 = arith.select %eq3A_605, %broadcast_in_dim3A_618, %select_n3A_501 : vector<16xi1>, vector<16xf32>
        %broadcast_in_dim3A_620 = vector.broadcast %reduce_max3A_583 : f32 to vector<16xf32>
        %select_n3A_621 = arith.select %eq3A_610, %broadcast_in_dim3A_620, %select_n3A_503 : vector<16xi1>, vector<16xf32>
        %broadcast_in_dim3A_622 = vector.broadcast %reduce_max3A_583 : f32 to vector<16xf32>
        %select_n3A_623 = arith.select %eq3A_615, %broadcast_in_dim3A_622, %select_n3A_505 : vector<16xi1>, vector<16xf32>
        %broadcast_in_dim3A_624 = vector.broadcast %reduce_min3A_598 : i32 to vector<16xi32>
        %select_n3A_625 = arith.select %eq3A_600, %broadcast_in_dim3A_624, %select_n3A_507 : vector<16xi1>, vector<16xi32>
        %broadcast_in_dim3A_626 = vector.broadcast %reduce_min3A_598 : i32 to vector<16xi32>
        %select_n3A_627 = arith.select %eq3A_605, %broadcast_in_dim3A_626, %select_n3A_509 : vector<16xi1>, vector<16xi32>
        %broadcast_in_dim3A_628 = vector.broadcast %reduce_min3A_598 : i32 to vector<16xi32>
        %select_n3A_629 = arith.select %eq3A_610, %broadcast_in_dim3A_628, %select_n3A_511 : vector<16xi1>, vector<16xi32>
        %broadcast_in_dim3A_630 = vector.broadcast %reduce_min3A_598 : i32 to vector<16xi32>
        %select_n3A_631 = arith.select %eq3A_615, %broadcast_in_dim3A_630, %select_n3A_513 : vector<16xi1>, vector<16xi32>
        %add3A_632 = arith.constant 2 : i32
        %add3A_633 = arith.addi %min3A_394, %add3A_632 : i32
        %while3A_634 = arith.subi %min3A_402, %add3A_633 : i32
        %while3A_635 = arith.addi %add3A_633, %while3A_634 : i32
        %while3A_636 = arith.constant 1 : i32
        %while3A_637 = arith.divsi %while3A_634, %while3A_636 : i32
        %while3A_638 = arith.muli %while3A_637, %while3A_636 : i32
        %while3A_639 = arith.addi %add3A_633, %while3A_638 : i32
        %while3A_640 = arith.constant 1 : i32
        %while3A_641:8 = scf.for %while3A_653 = %add3A_633 to %while3A_639 step %while3A_640 iter_args(%while3A_654 = %select_n3A_617, %while3A_655 = %select_n3A_619, %while3A_656 = %select_n3A_621, %while3A_657 = %select_n3A_623, %while3A_658 = %select_n3A_625, %while3A_659 = %select_n3A_627, %while3A_660 = %select_n3A_629, %while3A_661 = %select_n3A_631) -> (vector<16xf32>, vector<16xf32>, vector<16xf32>, vector<16xf32>, vector<16xi32>, vector<16xi32>, vector<16xi32>, vector<16xi32>)  : i32 {
          %mul3A_662 = arith.constant 16 : i32
          %mul3A_663 = arith.muli %while3A_653, %mul3A_662 : i32
          %add3A_664 = vector.broadcast %mul3A_663 : i32 to vector<16xi32>
          %add3A_665 = arith.addi %add3A_664, %iota3A : vector<16xi32>
          %get3A_666 = arith.index_cast %mul3A_663 : i32 to index
          %get3A_667 = tpu.vector_load %arg18[%get3A_666] {strides = array<i32>} : memref<1024xf32, #tpu.memory_space<vmem>>, vector<16xf32>,
          %get3A_668 = arith.index_cast %mul3A_663 : i32 to index
          %get3A_669 = tpu.vector_load %arg23[%get3A_668] {strides = array<i32>} : memref<1024xf32, #tpu.memory_space<vmem>>, vector<16xf32>,
          %mul3A_670 = arith.constant 1.000000e+01 : f32
          %mul3A_671 = vector.broadcast %mul3A_670 : f32 to vector<16xf32>
          %mul3A_672 = arith.mulf %get3A_669, %mul3A_671 : vector<16xf32>
          %get3A_673 = arith.index_cast %mul3A_663 : i32 to index
          %get3A_674 = tpu.vector_load %arg19[%get3A_673] {strides = array<i32>} : memref<1024xf32, #tpu.memory_space<vmem>>, vector<16xf32>,
          %add3A_675 = arith.addf %get3A_674, %mul3A_672 : vector<16xf32>
          %get3A_676 = arith.index_cast %mul3A_663 : i32 to index
          %get3A_677 = tpu.vector_load %arg20[%get3A_676] {strides = array<i32>} : memref<1024xf32, #tpu.memory_space<vmem>>, vector<16xf32>,
          %add3A_678 = arith.addf %get3A_677, %mul3A_672 : vector<16xf32>
          %get3A_679 = arith.index_cast %mul3A_663 : i32 to index
          %get3A_680 = tpu.vector_load %arg21[%get3A_679] {strides = array<i32>} : memref<1024xf32, #tpu.memory_space<vmem>>, vector<16xf32>,
          %add3A_681 = arith.addf %get3A_680, %mul3A_672 : vector<16xf32>
          %get3A_682 = arith.index_cast %mul3A_663 : i32 to index
          %get3A_683 = tpu.vector_load %arg22[%get3A_682] {strides = array<i32>} : memref<1024xf32, #tpu.memory_space<vmem>>, vector<16xf32>,
          %add3A_684 = arith.addf %get3A_683, %mul3A_672 : vector<16xf32>
          %sub3A_685 = arith.subf %add3A_681, %add3A_675 : vector<16xf32>
          %sub3A_686 = arith.subf %add3A_684, %add3A_678 : vector<16xf32>
          %mul3A_687 = arith.mulf %sub3A_685, %sub3A_686 : vector<16xf32>
          %max3A_688 = arith.maximumf %add3A_675, %add3A_326 : vector<16xf32>
          %max3A_689 = arith.maximumf %add3A_678, %add3A_327 : vector<16xf32>
          %min3A_690 = arith.minimumf %add3A_681, %add3A_328 : vector<16xf32>
          %min3A_691 = arith.minimumf %add3A_684, %add3A_329 : vector<16xf32>
          %sub3A_692 = arith.subf %min3A_690, %max3A_688 : vector<16xf32>
          %max3A_693 = arith.constant 0.000000e+00 : f32
          %max3A_694 = vector.broadcast %max3A_693 : f32 to vector<16xf32>
          %max3A_695 = arith.maximumf %sub3A_692, %max3A_694 : vector<16xf32>
          %sub3A_696 = arith.subf %min3A_691, %max3A_689 : vector<16xf32>
          %max3A_697 = arith.constant 0.000000e+00 : f32
          %max3A_698 = vector.broadcast %max3A_697 : f32 to vector<16xf32>
          %max3A_699 = arith.maximumf %sub3A_696, %max3A_698 : vector<16xf32>
          %mul3A_700 = arith.mulf %max3A_695, %max3A_699 : vector<16xf32>
          %add3A_701 = arith.addf %mul3A_332, %mul3A_687 : vector<16xf32>
          %sub3A_702 = arith.subf %add3A_701, %mul3A_700 : vector<16xf32>
          %max3A_703 = arith.constant 9.99999993E-9 : f32
          %max3A_704 = vector.broadcast %max3A_703 : f32 to vector<16xf32>
          %max3A_705 = arith.maximumf %sub3A_702, %max3A_704 : vector<16xf32>
          %div3A_706 = arith.divf %mul3A_700, %max3A_705 : vector<16xf32>
          %ge3A_707 = vector.broadcast %reduce_max3A_379 : i32 to vector<16xi32>
          %ge3A_708 = arith.cmpi sge, %add3A_665, %ge3A_707 : vector<16xi32>
          %lt3A_709 = vector.broadcast %add3A_389 : i32 to vector<16xi32>
          %lt3A_710 = arith.cmpi slt, %add3A_665, %lt3A_709 : vector<16xi32>
          %and3A_711 = arith.andi %ge3A_708, %lt3A_710 : vector<16xi1>
          %gt3A_712 = arith.constant 3.000000e-01 : f32
          %gt3A_713 = vector.broadcast %gt3A_712 : f32 to vector<16xf32>
          %gt3A_714 = arith.cmpf ogt, %div3A_706, %gt3A_713 : vector<16xf32>
          %eq3A_715 = vector.broadcast %add3A_314 : i32 to vector<16xi32>
          %eq3A_716 = arith.cmpi eq, %add3A_665, %eq3A_715 : vector<16xi32>
          %or3A_717 = arith.ori %gt3A_714, %eq3A_716 : vector<16xi1>
          %and3A_718 = arith.andi %and3A_711, %or3A_717 : vector<16xi1>
          %jit3A_719 = arith.constant -1.000000e+00 : f32
          %broadcast_in_dim3A_720 = vector.broadcast %jit3A_719 : f32 to vector<16xf32>
          %select_n3A_721 = arith.select %and3A_718, %broadcast_in_dim3A_720, %get3A_667 : vector<16xi1>, vector<16xf32>
          %swap3A_722 = arith.index_cast %mul3A_663 : i32 to index
          %swap3A_723 = tpu.vector_load %arg18[%swap3A_722] {strides = array<i32>} : memref<1024xf32, #tpu.memory_space<vmem>>, vector<16xf32>,
          tpu.vector_store %arg18[%swap3A_722], %select_n3A_721 {strides = array<i32>} : memref<1024xf32, #tpu.memory_space<vmem>>, vector<16xf32>,
          %reduce_max3A_724 = arith.constant true
          %reduce_max3A_725 = vector.broadcast %reduce_max3A_724 : i1 to vector<16xi1>
          %reduce_max3A_726 = tpu.scan <max>, %select_n3A_721 masked %reduce_max3A_725 : vector<16xf32>, vector<16xi1> -> vector<16xf32>
          %reduce_max3A_727 = vector.extract %reduce_max3A_726[15] : f32 from vector<16xf32>
          %eq3A_728 = vector.broadcast %reduce_max3A_727 : f32 to vector<16xf32>
          %eq3A_729 = arith.cmpf oeq, %select_n3A_721, %eq3A_728 : vector<16xf32>
          %get3A_730 = arith.index_cast %mul3A_663 : i32 to index
          %get3A_731 = tpu.vector_load %arg24[%get3A_730] {strides = array<i32>} : memref<1024xi32, #tpu.memory_space<vmem>>, vector<16xi32>,
          %jit3A_732 = arith.constant 1073741824 : i32
          %broadcast_in_dim3A_733 = vector.broadcast %jit3A_732 : i32 to vector<16xi32>
          %select_n3A_734 = arith.select %eq3A_729, %get3A_731, %broadcast_in_dim3A_733 : vector<16xi1>, vector<16xi32>
          %reduce_min3A_735 = arith.constant true
          %reduce_min3A_736 = vector.broadcast %reduce_min3A_735 : i1 to vector<16xi1>
          %reduce_min3A_737 = arith.constant -2147483648 : i32
          %reduce_min3A_738 = vector.broadcast %reduce_min3A_737 : i32 to vector<16xi32>
          %reduce_min3A_739 = arith.xori %select_n3A_734, %reduce_min3A_738 : vector<16xi32>
          %reduce_min3A_740 = tpu.scan <min>, %reduce_min3A_739 masked %reduce_min3A_736 : vector<16xi32>, vector<16xi1> -> vector<16xi32>
          %reduce_min3A_741 = arith.xori %reduce_min3A_740, %reduce_min3A_738 : vector<16xi32>
          %reduce_min3A_742 = vector.extract %reduce_min3A_741[15] : i32 from vector<16xi32>
          %eq3A_743 = vector.broadcast %while3A_653 : i32 to vector<16xi32>
          %eq3A_744 = arith.cmpi eq, %iota3A, %eq3A_743 : vector<16xi32>
          %add3A_745 = arith.constant 16 : i32
          %add3A_746 = vector.broadcast %add3A_745 : i32 to vector<16xi32>
          %add3A_747 = arith.addi %iota3A, %add3A_746 : vector<16xi32>
          %eq3A_748 = vector.broadcast %while3A_653 : i32 to vector<16xi32>
          %eq3A_749 = arith.cmpi eq, %add3A_747, %eq3A_748 : vector<16xi32>
          %add3A_750 = arith.constant 32 : i32
          %add3A_751 = vector.broadcast %add3A_750 : i32 to vector<16xi32>
          %add3A_752 = arith.addi %iota3A, %add3A_751 : vector<16xi32>
          %eq3A_753 = vector.broadcast %while3A_653 : i32 to vector<16xi32>
          %eq3A_754 = arith.cmpi eq, %add3A_752, %eq3A_753 : vector<16xi32>
          %add3A_755 = arith.constant 48 : i32
          %add3A_756 = vector.broadcast %add3A_755 : i32 to vector<16xi32>
          %add3A_757 = arith.addi %iota3A, %add3A_756 : vector<16xi32>
          %eq3A_758 = vector.broadcast %while3A_653 : i32 to vector<16xi32>
          %eq3A_759 = arith.cmpi eq, %add3A_757, %eq3A_758 : vector<16xi32>
          %broadcast_in_dim3A_760 = vector.broadcast %reduce_max3A_727 : f32 to vector<16xf32>
          %select_n3A_761 = arith.select %eq3A_744, %broadcast_in_dim3A_760, %while3A_654 : vector<16xi1>, vector<16xf32>
          %broadcast_in_dim3A_762 = vector.broadcast %reduce_max3A_727 : f32 to vector<16xf32>
          %select_n3A_763 = arith.select %eq3A_749, %broadcast_in_dim3A_762, %while3A_655 : vector<16xi1>, vector<16xf32>
          %broadcast_in_dim3A_764 = vector.broadcast %reduce_max3A_727 : f32 to vector<16xf32>
          %select_n3A_765 = arith.select %eq3A_754, %broadcast_in_dim3A_764, %while3A_656 : vector<16xi1>, vector<16xf32>
          %broadcast_in_dim3A_766 = vector.broadcast %reduce_max3A_727 : f32 to vector<16xf32>
          %select_n3A_767 = arith.select %eq3A_759, %broadcast_in_dim3A_766, %while3A_657 : vector<16xi1>, vector<16xf32>
          %broadcast_in_dim3A_768 = vector.broadcast %reduce_min3A_742 : i32 to vector<16xi32>
          %select_n3A_769 = arith.select %eq3A_744, %broadcast_in_dim3A_768, %while3A_658 : vector<16xi1>, vector<16xi32>
          %broadcast_in_dim3A_770 = vector.broadcast %reduce_min3A_742 : i32 to vector<16xi32>
          %select_n3A_771 = arith.select %eq3A_749, %broadcast_in_dim3A_770, %while3A_659 : vector<16xi1>, vector<16xi32>
          %broadcast_in_dim3A_772 = vector.broadcast %reduce_min3A_742 : i32 to vector<16xi32>
          %select_n3A_773 = arith.select %eq3A_754, %broadcast_in_dim3A_772, %while3A_660 : vector<16xi1>, vector<16xi32>
          %broadcast_in_dim3A_774 = vector.broadcast %reduce_min3A_742 : i32 to vector<16xi32>
          %select_n3A_775 = arith.select %eq3A_759, %broadcast_in_dim3A_774, %while3A_661 : vector<16xi1>, vector<16xi32>
          scf.yield %select_n3A_761, %select_n3A_763, %select_n3A_765, %select_n3A_767, %select_n3A_769, %select_n3A_771, %select_n3A_773, %select_n3A_775 : vector<16xf32>, vector<16xf32>, vector<16xf32>, vector<16xf32>, vector<16xi32>, vector<16xi32>, vector<16xi32>, vector<16xi32>
        }
        %while3A_642 = arith.constant 1 : i32
        %while3A_643:8 = scf.for %while3A_653 = %while3A_639 to %while3A_635 step %while3A_642 iter_args(%while3A_654 = %while3A_641#0, %while3A_655 = %while3A_641#1, %while3A_656 = %while3A_641#2, %while3A_657 = %while3A_641#3, %while3A_658 = %while3A_641#4, %while3A_659 = %while3A_641#5, %while3A_660 = %while3A_641#6, %while3A_661 = %while3A_641#7) -> (vector<16xf32>, vector<16xf32>, vector<16xf32>, vector<16xf32>, vector<16xi32>, vector<16xi32>, vector<16xi32>, vector<16xi32>)  : i32 {
          %mul3A_662 = arith.constant 16 : i32
          %mul3A_663 = arith.muli %while3A_653, %mul3A_662 : i32
          %add3A_664 = vector.broadcast %mul3A_663 : i32 to vector<16xi32>
          %add3A_665 = arith.addi %add3A_664, %iota3A : vector<16xi32>
          %get3A_666 = arith.index_cast %mul3A_663 : i32 to index
          %get3A_667 = tpu.vector_load %arg18[%get3A_666] {strides = array<i32>} : memref<1024xf32, #tpu.memory_space<vmem>>, vector<16xf32>,
          %get3A_668 = arith.index_cast %mul3A_663 : i32 to index
          %get3A_669 = tpu.vector_load %arg23[%get3A_668] {strides = array<i32>} : memref<1024xf32, #tpu.memory_space<vmem>>, vector<16xf32>,
          %mul3A_670 = arith.constant 1.000000e+01 : f32
          %mul3A_671 = vector.broadcast %mul3A_670 : f32 to vector<16xf32>
          %mul3A_672 = arith.mulf %get3A_669, %mul3A_671 : vector<16xf32>
          %get3A_673 = arith.index_cast %mul3A_663 : i32 to index
          %get3A_674 = tpu.vector_load %arg19[%get3A_673] {strides = array<i32>} : memref<1024xf32, #tpu.memory_space<vmem>>, vector<16xf32>,
          %add3A_675 = arith.addf %get3A_674, %mul3A_672 : vector<16xf32>
          %get3A_676 = arith.index_cast %mul3A_663 : i32 to index
          %get3A_677 = tpu.vector_load %arg20[%get3A_676] {strides = array<i32>} : memref<1024xf32, #tpu.memory_space<vmem>>, vector<16xf32>,
          %add3A_678 = arith.addf %get3A_677, %mul3A_672 : vector<16xf32>
          %get3A_679 = arith.index_cast %mul3A_663 : i32 to index
          %get3A_680 = tpu.vector_load %arg21[%get3A_679] {strides = array<i32>} : memref<1024xf32, #tpu.memory_space<vmem>>, vector<16xf32>,
          %add3A_681 = arith.addf %get3A_680, %mul3A_672 : vector<16xf32>
          %get3A_682 = arith.index_cast %mul3A_663 : i32 to index
          %get3A_683 = tpu.vector_load %arg22[%get3A_682] {strides = array<i32>} : memref<1024xf32, #tpu.memory_space<vmem>>, vector<16xf32>,
          %add3A_684 = arith.addf %get3A_683, %mul3A_672 : vector<16xf32>
          %sub3A_685 = arith.subf %add3A_681, %add3A_675 : vector<16xf32>
          %sub3A_686 = arith.subf %add3A_684, %add3A_678 : vector<16xf32>
          %mul3A_687 = arith.mulf %sub3A_685, %sub3A_686 : vector<16xf32>
          %max3A_688 = arith.maximumf %add3A_675, %add3A_326 : vector<16xf32>
          %max3A_689 = arith.maximumf %add3A_678, %add3A_327 : vector<16xf32>
          %min3A_690 = arith.minimumf %add3A_681, %add3A_328 : vector<16xf32>
          %min3A_691 = arith.minimumf %add3A_684, %add3A_329 : vector<16xf32>
          %sub3A_692 = arith.subf %min3A_690, %max3A_688 : vector<16xf32>
          %max3A_693 = arith.constant 0.000000e+00 : f32
          %max3A_694 = vector.broadcast %max3A_693 : f32 to vector<16xf32>
          %max3A_695 = arith.maximumf %sub3A_692, %max3A_694 : vector<16xf32>
          %sub3A_696 = arith.subf %min3A_691, %max3A_689 : vector<16xf32>
          %max3A_697 = arith.constant 0.000000e+00 : f32
          %max3A_698 = vector.broadcast %max3A_697 : f32 to vector<16xf32>
          %max3A_699 = arith.maximumf %sub3A_696, %max3A_698 : vector<16xf32>
          %mul3A_700 = arith.mulf %max3A_695, %max3A_699 : vector<16xf32>
          %add3A_701 = arith.addf %mul3A_332, %mul3A_687 : vector<16xf32>
          %sub3A_702 = arith.subf %add3A_701, %mul3A_700 : vector<16xf32>
          %max3A_703 = arith.constant 9.99999993E-9 : f32
          %max3A_704 = vector.broadcast %max3A_703 : f32 to vector<16xf32>
          %max3A_705 = arith.maximumf %sub3A_702, %max3A_704 : vector<16xf32>
          %div3A_706 = arith.divf %mul3A_700, %max3A_705 : vector<16xf32>
          %ge3A_707 = vector.broadcast %reduce_max3A_379 : i32 to vector<16xi32>
          %ge3A_708 = arith.cmpi sge, %add3A_665, %ge3A_707 : vector<16xi32>
          %lt3A_709 = vector.broadcast %add3A_389 : i32 to vector<16xi32>
          %lt3A_710 = arith.cmpi slt, %add3A_665, %lt3A_709 : vector<16xi32>
          %and3A_711 = arith.andi %ge3A_708, %lt3A_710 : vector<16xi1>
          %gt3A_712 = arith.constant 3.000000e-01 : f32
          %gt3A_713 = vector.broadcast %gt3A_712 : f32 to vector<16xf32>
          %gt3A_714 = arith.cmpf ogt, %div3A_706, %gt3A_713 : vector<16xf32>
          %eq3A_715 = vector.broadcast %add3A_314 : i32 to vector<16xi32>
          %eq3A_716 = arith.cmpi eq, %add3A_665, %eq3A_715 : vector<16xi32>
          %or3A_717 = arith.ori %gt3A_714, %eq3A_716 : vector<16xi1>
          %and3A_718 = arith.andi %and3A_711, %or3A_717 : vector<16xi1>
          %jit3A_719 = arith.constant -1.000000e+00 : f32
          %broadcast_in_dim3A_720 = vector.broadcast %jit3A_719 : f32 to vector<16xf32>
          %select_n3A_721 = arith.select %and3A_718, %broadcast_in_dim3A_720, %get3A_667 : vector<16xi1>, vector<16xf32>
          %swap3A_722 = arith.index_cast %mul3A_663 : i32 to index
          %swap3A_723 = tpu.vector_load %arg18[%swap3A_722] {strides = array<i32>} : memref<1024xf32, #tpu.memory_space<vmem>>, vector<16xf32>,
          tpu.vector_store %arg18[%swap3A_722], %select_n3A_721 {strides = array<i32>} : memref<1024xf32, #tpu.memory_space<vmem>>, vector<16xf32>,
          %reduce_max3A_724 = arith.constant true
          %reduce_max3A_725 = vector.broadcast %reduce_max3A_724 : i1 to vector<16xi1>
          %reduce_max3A_726 = tpu.scan <max>, %select_n3A_721 masked %reduce_max3A_725 : vector<16xf32>, vector<16xi1> -> vector<16xf32>
          %reduce_max3A_727 = vector.extract %reduce_max3A_726[15] : f32 from vector<16xf32>
          %eq3A_728 = vector.broadcast %reduce_max3A_727 : f32 to vector<16xf32>
          %eq3A_729 = arith.cmpf oeq, %select_n3A_721, %eq3A_728 : vector<16xf32>
          %get3A_730 = arith.index_cast %mul3A_663 : i32 to index
          %get3A_731 = tpu.vector_load %arg24[%get3A_730] {strides = array<i32>} : memref<1024xi32, #tpu.memory_space<vmem>>, vector<16xi32>,
          %jit3A_732 = arith.constant 1073741824 : i32
          %broadcast_in_dim3A_733 = vector.broadcast %jit3A_732 : i32 to vector<16xi32>
          %select_n3A_734 = arith.select %eq3A_729, %get3A_731, %broadcast_in_dim3A_733 : vector<16xi1>, vector<16xi32>
          %reduce_min3A_735 = arith.constant true
          %reduce_min3A_736 = vector.broadcast %reduce_min3A_735 : i1 to vector<16xi1>
          %reduce_min3A_737 = arith.constant -2147483648 : i32
          %reduce_min3A_738 = vector.broadcast %reduce_min3A_737 : i32 to vector<16xi32>
          %reduce_min3A_739 = arith.xori %select_n3A_734, %reduce_min3A_738 : vector<16xi32>
          %reduce_min3A_740 = tpu.scan <min>, %reduce_min3A_739 masked %reduce_min3A_736 : vector<16xi32>, vector<16xi1> -> vector<16xi32>
          %reduce_min3A_741 = arith.xori %reduce_min3A_740, %reduce_min3A_738 : vector<16xi32>
          %reduce_min3A_742 = vector.extract %reduce_min3A_741[15] : i32 from vector<16xi32>
          %eq3A_743 = vector.broadcast %while3A_653 : i32 to vector<16xi32>
          %eq3A_744 = arith.cmpi eq, %iota3A, %eq3A_743 : vector<16xi32>
          %add3A_745 = arith.constant 16 : i32
          %add3A_746 = vector.broadcast %add3A_745 : i32 to vector<16xi32>
          %add3A_747 = arith.addi %iota3A, %add3A_746 : vector<16xi32>
          %eq3A_748 = vector.broadcast %while3A_653 : i32 to vector<16xi32>
          %eq3A_749 = arith.cmpi eq, %add3A_747, %eq3A_748 : vector<16xi32>
          %add3A_750 = arith.constant 32 : i32
          %add3A_751 = vector.broadcast %add3A_750 : i32 to vector<16xi32>
          %add3A_752 = arith.addi %iota3A, %add3A_751 : vector<16xi32>
          %eq3A_753 = vector.broadcast %while3A_653 : i32 to vector<16xi32>
          %eq3A_754 = arith.cmpi eq, %add3A_752, %eq3A_753 : vector<16xi32>
          %add3A_755 = arith.constant 48 : i32
          %add3A_756 = vector.broadcast %add3A_755 : i32 to vector<16xi32>
          %add3A_757 = arith.addi %iota3A, %add3A_756 : vector<16xi32>
          %eq3A_758 = vector.broadcast %while3A_653 : i32 to vector<16xi32>
          %eq3A_759 = arith.cmpi eq, %add3A_757, %eq3A_758 : vector<16xi32>
          %broadcast_in_dim3A_760 = vector.broadcast %reduce_max3A_727 : f32 to vector<16xf32>
          %select_n3A_761 = arith.select %eq3A_744, %broadcast_in_dim3A_760, %while3A_654 : vector<16xi1>, vector<16xf32>
          %broadcast_in_dim3A_762 = vector.broadcast %reduce_max3A_727 : f32 to vector<16xf32>
          %select_n3A_763 = arith.select %eq3A_749, %broadcast_in_dim3A_762, %while3A_655 : vector<16xi1>, vector<16xf32>
          %broadcast_in_dim3A_764 = vector.broadcast %reduce_max3A_727 : f32 to vector<16xf32>
          %select_n3A_765 = arith.select %eq3A_754, %broadcast_in_dim3A_764, %while3A_656 : vector<16xi1>, vector<16xf32>
          %broadcast_in_dim3A_766 = vector.broadcast %reduce_max3A_727 : f32 to vector<16xf32>
          %select_n3A_767 = arith.select %eq3A_759, %broadcast_in_dim3A_766, %while3A_657 : vector<16xi1>, vector<16xf32>
          %broadcast_in_dim3A_768 = vector.broadcast %reduce_min3A_742 : i32 to vector<16xi32>
          %select_n3A_769 = arith.select %eq3A_744, %broadcast_in_dim3A_768, %while3A_658 : vector<16xi1>, vector<16xi32>
          %broadcast_in_dim3A_770 = vector.broadcast %reduce_min3A_742 : i32 to vector<16xi32>
          %select_n3A_771 = arith.select %eq3A_749, %broadcast_in_dim3A_770, %while3A_659 : vector<16xi1>, vector<16xi32>
          %broadcast_in_dim3A_772 = vector.broadcast %reduce_min3A_742 : i32 to vector<16xi32>
          %select_n3A_773 = arith.select %eq3A_754, %broadcast_in_dim3A_772, %while3A_660 : vector<16xi1>, vector<16xi32>
          %broadcast_in_dim3A_774 = vector.broadcast %reduce_min3A_742 : i32 to vector<16xi32>
          %select_n3A_775 = arith.select %eq3A_759, %broadcast_in_dim3A_774, %while3A_661 : vector<16xi1>, vector<16xi32>
          scf.yield %select_n3A_761, %select_n3A_763, %select_n3A_765, %select_n3A_767, %select_n3A_769, %select_n3A_771, %select_n3A_773, %select_n3A_775 : vector<16xf32>, vector<16xf32>, vector<16xf32>, vector<16xf32>, vector<16xi32>, vector<16xi32>, vector<16xi32>, vector<16xi32>
        }
        %add3A_644 = arith.constant 1 : i32
        %add3A_645 = arith.addi %while3A_215, %add3A_644 : i32
        %max3A_646 = arith.maximumf %while3A_643#0, %while3A_643#1 : vector<16xf32>
        %max3A_647 = arith.maximumf %while3A_643#2, %while3A_643#3 : vector<16xf32>
        %max3A_648 = arith.maximumf %max3A_646, %max3A_647 : vector<16xf32>
        %reduce_max3A_649 = arith.constant true
        %reduce_max3A_650 = vector.broadcast %reduce_max3A_649 : i1 to vector<16xi1>
        %reduce_max3A_651 = tpu.scan <max>, %max3A_648 masked %reduce_max3A_650 : vector<16xf32>, vector<16xi1> -> vector<16xf32>
        %reduce_max3A_652 = vector.extract %reduce_max3A_651[15] : f32 from vector<16xf32>
        scf.yield %add3A_645, %reduce_max3A_652, %while3A_643#0, %while3A_643#1, %while3A_643#2, %while3A_643#3, %while3A_643#4, %while3A_643#5, %while3A_643#6, %while3A_643#7 : i32, f32, vector<16xf32>, vector<16xf32>, vector<16xf32>, vector<16xf32>, vector<16xi32>, vector<16xi32>, vector<16xi32>, vector<16xi32>
      }
      %while3A_205 = arith.constant 0 : i32
      %while3A_206 = arith.constant 100 : i32
      %while3A_207 = arith.subi %while3A_206, %while3A_204#0 : i32
      %while3A_208 = arith.addi %while3A_204#0, %while3A_207 : i32
      %while3A_209 = arith.constant 1 : i32
      %while3A_210 = arith.divsi %while3A_207, %while3A_209 : i32
      %while3A_211 = arith.muli %while3A_210, %while3A_209 : i32
      %while3A_212 = arith.addi %while3A_204#0, %while3A_211 : i32
      %while3A_213 = arith.constant 1 : i32
      scf.for %while3A_215 = %while3A_204#0 to %while3A_212 step %while3A_213  : i32 {
        %mul3A_216 = arith.constant 16 : i32
        %mul3A_217 = arith.muli %while3A_215, %mul3A_216 : i32
        %swap3A_218 = arith.index_cast %mul3A_217 : i32 to index
        %swap3A_219 = tpu.vector_load %arg30[%swap3A_218] {strides = array<i32>} : memref<1600xf32, #tpu.memory_space<vmem>>, vector<16xf32>,
        tpu.vector_store %arg30[%swap3A_218], %broadcast_in_dim3A_29 {strides = array<i32>} : memref<1600xf32, #tpu.memory_space<vmem>>, vector<16xf32>,
      }
      %while3A_214 = arith.constant 1 : i32
      scf.for %while3A_215 = %while3A_212 to %while3A_208 step %while3A_214  : i32 {
        %mul3A_216 = arith.constant 16 : i32
        %mul3A_217 = arith.muli %while3A_215, %mul3A_216 : i32
        %swap3A_218 = arith.index_cast %mul3A_217 : i32 to index
        %swap3A_219 = tpu.vector_load %arg30[%swap3A_218] {strides = array<i32>} : memref<1600xf32, #tpu.memory_space<vmem>>, vector<16xf32>,
        tpu.vector_store %arg30[%swap3A_218], %broadcast_in_dim3A_29 {strides = array<i32>} : memref<1600xf32, #tpu.memory_space<vmem>>, vector<16xf32>,
      }
      "tpu.region"() ({
        %run_scoped3A = tpu.sem_alloc : memref<!tpu.dma_semaphore, #tpu.memory_space<semaphore_mem>>
        %dma_start3A_215 = arith.constant 0 : i32
        %dma_start3A_216 = tpu.memref_slice %arg8[%add3A, %dma_start3A_215] : memref<8x1600xf32, #tpu.memory_space<hbm>> -> memref<1x1600xf32, #tpu.memory_space<hbm>>
        %dma_start3A_217 = tpu.memref_squeeze %dma_start3A_216 : memref<1x1600xf32, #tpu.memory_space<hbm>> -> memref<1600xf32, #tpu.memory_space<hbm>>
        %dma_start3A_218 = arith.constant 0 : i32
        %dma_start3A_219 = tpu.memref_slice %arg8[%add3A, %dma_start3A_218] : memref<8x1600xf32, #tpu.memory_space<hbm>> -> memref<1x1600xf32, #tpu.memory_space<hbm>>
        %dma_start3A_220 = tpu.memref_squeeze %dma_start3A_219 : memref<1x1600xf32, #tpu.memory_space<hbm>> -> memref<1600xf32, #tpu.memory_space<hbm>>
        tpu.enqueue_dma source(%arg30 : memref<1600xf32, #tpu.memory_space<vmem>>) target(%dma_start3A_220 : memref<1600xf32, #tpu.memory_space<hbm>>) target_semaphore(%run_scoped3A : memref<!tpu.dma_semaphore, #tpu.memory_space<semaphore_mem>>)
        %dma_wait3A_221 = arith.constant 0 : i32
        %dma_wait3A_222 = tpu.memref_slice %arg8[%add3A, %dma_wait3A_221] : memref<8x1600xf32, #tpu.memory_space<hbm>> -> memref<1x1600xf32, #tpu.memory_space<hbm>>
        %dma_wait3A_223 = tpu.memref_squeeze %dma_wait3A_222 : memref<1x1600xf32, #tpu.memory_space<hbm>> -> memref<1600xf32, #tpu.memory_space<hbm>>
        %dma_wait3A_224 = arith.constant 0 : i32
        %dma_wait3A_225 = tpu.memref_slice %arg8[%add3A, %dma_wait3A_224] : memref<8x1600xf32, #tpu.memory_space<hbm>> -> memref<1x1600xf32, #tpu.memory_space<hbm>>
        %dma_wait3A_226 = tpu.memref_squeeze %dma_wait3A_225 : memref<1x1600xf32, #tpu.memory_space<hbm>> -> memref<1600xf32, #tpu.memory_space<hbm>>
        tpu.wait_dma2 semaphore(%run_scoped3A : memref<!tpu.dma_semaphore, #tpu.memory_space<semaphore_mem>>) src(%arg30 : memref<1600xf32, #tpu.memory_space<vmem>>) dst(%dma_wait3A_226 : memref<1600xf32, #tpu.memory_space<hbm>>)
        tpu.yield
      }) : () -> ()
    } else {
    }
    return
  }
}

module attributes {stable_mosaic.version = 14 : i64} {
  func.func @_dense_body(%arg0: memref<8x4x1000xf32, #tpu.memory_space<vmem>>, %arg1: memref<81x8x1000xf32, #tpu.memory_space<vmem>>, %arg2: memref<8x81x4x1000xf32, #tpu.memory_space<vmem>>, %arg3: memref<8192xf32, #tpu.memory_space<vmem>>, %arg4: memref<8192xf32, #tpu.memory_space<vmem>>, %arg5: memref<8192xf32, #tpu.memory_space<vmem>>, %arg6: memref<8192xf32, #tpu.memory_space<vmem>>, %arg7: memref<8192xf32, #tpu.memory_space<vmem>>, %arg8: memref<8192xf32, #tpu.memory_space<vmem>>) attributes {dimension_semantics = [], scalar_prefetch = 0 : i64, scratch_operands = 0 : i64, tpu.core_type = #tpu.core_type<tc>} {
    %get3A = arith.constant 0 : index
    %get3A_0 = arith.constant 0 : index
    %get3A_1 = arith.constant 0 : index
    %get3A_2 = vector.load %arg0[%get3A, %get3A_0, %get3A_1] : memref<8x4x1000xf32, #tpu.memory_space<vmem>>, vector<1x4x1000xf32>
    %get3A_3 = vector.shape_cast %get3A_2 : vector<1x4x1000xf32> to vector<4x1000xf32>
    %get3A_4 = arith.constant 0 : index
    %get3A_5 = arith.constant 0 : index
    %get3A_6 = arith.constant 0 : index
    %get3A_7 = vector.load %arg1[%get3A_4, %get3A_5, %get3A_6] : memref<81x8x1000xf32, #tpu.memory_space<vmem>>, vector<81x1x1000xf32>
    %get3A_8 = vector.shape_cast %get3A_7 : vector<81x1x1000xf32> to vector<81x1000xf32>
    %get3A_9 = arith.constant 0 : index
    %get3A_10 = arith.constant 0 : index
    %get3A_11 = arith.constant 0 : index
    %get3A_12 = arith.constant 0 : index
    %get3A_13 = vector.load %arg2[%get3A_9, %get3A_10, %get3A_11, %get3A_12] : memref<8x81x4x1000xf32, #tpu.memory_space<vmem>>, vector<1x81x4x1000xf32>
    %get3A_14 = vector.shape_cast %get3A_13 : vector<1x81x4x1000xf32> to vector<81x4x1000xf32>
    %reduce_max3A = arith.constant dense<0xFF800000> : vector<1000xf32>
    %reduce_max3A_15 = vector.multi_reduction <maximumf>, %get3A_8, %reduce_max3A [0] : vector<81x1000xf32> to vector<1000xf32>
    %broadcast_in_dim3A = vector.shape_cast %reduce_max3A_15 : vector<1000xf32> to vector<1x1000xf32>
    %iota3A = tpu.iota {dimensions = array<i32: 0>} : vector<81x1000xi32>
    %eq3A = vector.broadcast %broadcast_in_dim3A : vector<1x1000xf32> to vector<81x1000xf32>
    %eq3A_16 = arith.cmpf oeq, %get3A_8, %eq3A : vector<81x1000xf32>
    %jit3A = arith.constant 81 : i32
    %broadcast_in_dim3A_17 = vector.broadcast %jit3A : i32 to vector<81x1000xi32>
    %select_n3A = arith.select %eq3A_16, %iota3A, %broadcast_in_dim3A_17 : vector<81x1000xi1>, vector<81x1000xi32>
    %reduce_min3A = arith.constant dense<2147483647> : vector<1000xi32>
    %reduce_min3A_18 = vector.multi_reduction <minsi>, %select_n3A, %reduce_min3A [0] : vector<81x1000xi32> to vector<1000xi32>
    %broadcast_in_dim3A_19 = vector.shape_cast %reduce_min3A_18 : vector<1000xi32> to vector<1x1000xi32>
    %eq3A_20 = vector.broadcast %broadcast_in_dim3A_19 : vector<1x1000xi32> to vector<81x1000xi32>
    %eq3A_21 = arith.cmpi eq, %iota3A, %eq3A_20 : vector<81x1000xi32>
    %convert_element_type3A = arith.extui %eq3A_21 : vector<81x1000xi1> to vector<81x1000xi32>
    %convert_element_type3A_22 = arith.sitofp %convert_element_type3A : vector<81x1000xi32> to vector<81x1000xf32>
    %broadcast_in_dim3A_23 = vector.shape_cast %convert_element_type3A_22 : vector<81x1000xf32> to vector<81x1x1000xf32>
    %mul3A = vector.broadcast %broadcast_in_dim3A_23 : vector<81x1x1000xf32> to vector<81x4x1000xf32>
    %mul3A_24 = arith.mulf %get3A_14, %mul3A : vector<81x4x1000xf32>
    %slice3A = vector.extract_strided_slice %mul3A_24 {offsets = [0, 0, 0], sizes = [40, 4, 1000], strides = [1, 1, 1]} : vector<81x4x1000xf32> to vector<40x4x1000xf32>
    %slice3A_25 = vector.extract_strided_slice %mul3A_24 {offsets = [40, 0, 0], sizes = [40, 4, 1000], strides = [1, 1, 1]} : vector<81x4x1000xf32> to vector<40x4x1000xf32>
    %add3A = arith.addf %slice3A, %slice3A_25 : vector<40x4x1000xf32>
    %slice3A_26 = vector.extract_strided_slice %add3A {offsets = [0, 0, 0], sizes = [1, 4, 1000], strides = [1, 1, 1]} : vector<40x4x1000xf32> to vector<1x4x1000xf32>
    %slice3A_27 = vector.extract_strided_slice %mul3A_24 {offsets = [80, 0, 0], sizes = [1, 4, 1000], strides = [1, 1, 1]} : vector<81x4x1000xf32> to vector<1x4x1000xf32>
    %add3A_28 = arith.addf %slice3A_26, %slice3A_27 : vector<1x4x1000xf32>
    %slice3A_29 = vector.extract_strided_slice %add3A {offsets = [1, 0, 0], sizes = [39, 4, 1000], strides = [1, 1, 1]} : vector<40x4x1000xf32> to vector<39x4x1000xf32>
    %concatenate3A = tpu.concatenate %add3A_28, %slice3A_29 in 0 : vector<1x4x1000xf32>, vector<39x4x1000xf32> -> vector<40x4x1000xf32>
    %slice3A_30 = vector.extract_strided_slice %concatenate3A {offsets = [0, 0, 0], sizes = [20, 4, 1000], strides = [1, 1, 1]} : vector<40x4x1000xf32> to vector<20x4x1000xf32>
    %slice3A_31 = vector.extract_strided_slice %concatenate3A {offsets = [20, 0, 0], sizes = [20, 4, 1000], strides = [1, 1, 1]} : vector<40x4x1000xf32> to vector<20x4x1000xf32>
    %add3A_32 = arith.addf %slice3A_30, %slice3A_31 : vector<20x4x1000xf32>
    %slice3A_33 = vector.extract_strided_slice %add3A_32 {offsets = [0, 0, 0], sizes = [10, 4, 1000], strides = [1, 1, 1]} : vector<20x4x1000xf32> to vector<10x4x1000xf32>
    %slice3A_34 = vector.extract_strided_slice %add3A_32 {offsets = [10, 0, 0], sizes = [10, 4, 1000], strides = [1, 1, 1]} : vector<20x4x1000xf32> to vector<10x4x1000xf32>
    %add3A_35 = arith.addf %slice3A_33, %slice3A_34 : vector<10x4x1000xf32>
    %slice3A_36 = vector.extract_strided_slice %add3A_35 {offsets = [0, 0, 0], sizes = [5, 4, 1000], strides = [1, 1, 1]} : vector<10x4x1000xf32> to vector<5x4x1000xf32>
    %slice3A_37 = vector.extract_strided_slice %add3A_35 {offsets = [5, 0, 0], sizes = [5, 4, 1000], strides = [1, 1, 1]} : vector<10x4x1000xf32> to vector<5x4x1000xf32>
    %add3A_38 = arith.addf %slice3A_36, %slice3A_37 : vector<5x4x1000xf32>
    %slice3A_39 = vector.extract_strided_slice %add3A_38 {offsets = [0, 0, 0], sizes = [2, 4, 1000], strides = [1, 1, 1]} : vector<5x4x1000xf32> to vector<2x4x1000xf32>
    %slice3A_40 = vector.extract_strided_slice %add3A_38 {offsets = [2, 0, 0], sizes = [2, 4, 1000], strides = [1, 1, 1]} : vector<5x4x1000xf32> to vector<2x4x1000xf32>
    %add3A_41 = arith.addf %slice3A_39, %slice3A_40 : vector<2x4x1000xf32>
    %slice3A_42 = vector.extract_strided_slice %add3A_41 {offsets = [0, 0, 0], sizes = [1, 4, 1000], strides = [1, 1, 1]} : vector<2x4x1000xf32> to vector<1x4x1000xf32>
    %slice3A_43 = vector.extract_strided_slice %add3A_38 {offsets = [4, 0, 0], sizes = [1, 4, 1000], strides = [1, 1, 1]} : vector<5x4x1000xf32> to vector<1x4x1000xf32>
    %add3A_44 = arith.addf %slice3A_42, %slice3A_43 : vector<1x4x1000xf32>
    %slice3A_45 = vector.extract_strided_slice %add3A_41 {offsets = [1, 0, 0], sizes = [1, 4, 1000], strides = [1, 1, 1]} : vector<2x4x1000xf32> to vector<1x4x1000xf32>
    %concatenate3A_46 = tpu.concatenate %add3A_44, %slice3A_45 in 0 : vector<1x4x1000xf32>, vector<1x4x1000xf32> -> vector<2x4x1000xf32>
    %slice3A_47 = vector.extract_strided_slice %concatenate3A_46 {offsets = [0, 0, 0], sizes = [1, 4, 1000], strides = [1, 1, 1]} : vector<2x4x1000xf32> to vector<1x4x1000xf32>
    %slice3A_48 = vector.extract_strided_slice %concatenate3A_46 {offsets = [1, 0, 0], sizes = [1, 4, 1000], strides = [1, 1, 1]} : vector<2x4x1000xf32> to vector<1x4x1000xf32>
    %add3A_49 = arith.addf %slice3A_47, %slice3A_48 : vector<1x4x1000xf32>
    %squeeze3A = vector.shape_cast %add3A_49 : vector<1x4x1000xf32> to vector<4x1000xf32>
    %slice3A_50 = vector.extract_strided_slice %squeeze3A {offsets = [0, 0], sizes = [1, 1000], strides = [1, 1]} : vector<4x1000xf32> to vector<1x1000xf32>
    %mul3A_51 = arith.constant 1.000000e-01 : f32
    %mul3A_52 = vector.broadcast %mul3A_51 : f32 to vector<1x1000xf32>
    %mul3A_53 = arith.mulf %slice3A_50, %mul3A_52 : vector<1x1000xf32>
    %slice3A_54 = vector.extract_strided_slice %squeeze3A {offsets = [1, 0], sizes = [1, 1000], strides = [1, 1]} : vector<4x1000xf32> to vector<1x1000xf32>
    %mul3A_55 = arith.constant 1.000000e-01 : f32
    %mul3A_56 = vector.broadcast %mul3A_55 : f32 to vector<1x1000xf32>
    %mul3A_57 = arith.mulf %slice3A_54, %mul3A_56 : vector<1x1000xf32>
    %slice3A_58 = vector.extract_strided_slice %squeeze3A {offsets = [2, 0], sizes = [1, 1000], strides = [1, 1]} : vector<4x1000xf32> to vector<1x1000xf32>
    %mul3A_59 = arith.constant 2.000000e-01 : f32
    %mul3A_60 = vector.broadcast %mul3A_59 : f32 to vector<1x1000xf32>
    %mul3A_61 = arith.mulf %slice3A_58, %mul3A_60 : vector<1x1000xf32>
    %slice3A_62 = vector.extract_strided_slice %squeeze3A {offsets = [3, 0], sizes = [1, 1000], strides = [1, 1]} : vector<4x1000xf32> to vector<1x1000xf32>
    %mul3A_63 = arith.constant 2.000000e-01 : f32
    %mul3A_64 = vector.broadcast %mul3A_63 : f32 to vector<1x1000xf32>
    %mul3A_65 = arith.mulf %slice3A_62, %mul3A_64 : vector<1x1000xf32>
    %slice3A_66 = vector.extract_strided_slice %get3A_3 {offsets = [0, 0], sizes = [1, 1000], strides = [1, 1]} : vector<4x1000xf32> to vector<1x1000xf32>
    %slice3A_67 = vector.extract_strided_slice %get3A_3 {offsets = [1, 0], sizes = [1, 1000], strides = [1, 1]} : vector<4x1000xf32> to vector<1x1000xf32>
    %slice3A_68 = vector.extract_strided_slice %get3A_3 {offsets = [2, 0], sizes = [1, 1000], strides = [1, 1]} : vector<4x1000xf32> to vector<1x1000xf32>
    %slice3A_69 = vector.extract_strided_slice %get3A_3 {offsets = [3, 0], sizes = [1, 1000], strides = [1, 1]} : vector<4x1000xf32> to vector<1x1000xf32>
    %sub3A = arith.subf %slice3A_68, %slice3A_66 : vector<1x1000xf32>
    %sub3A_70 = arith.subf %slice3A_69, %slice3A_67 : vector<1x1000xf32>
    %mul3A_71 = arith.constant 5.000000e-01 : f32
    %mul3A_72 = vector.broadcast %mul3A_71 : f32 to vector<1x1000xf32>
    %mul3A_73 = arith.mulf %mul3A_72, %sub3A : vector<1x1000xf32>
    %add3A_74 = arith.addf %slice3A_66, %mul3A_73 : vector<1x1000xf32>
    %mul3A_75 = arith.constant 5.000000e-01 : f32
    %mul3A_76 = vector.broadcast %mul3A_75 : f32 to vector<1x1000xf32>
    %mul3A_77 = arith.mulf %mul3A_76, %sub3A_70 : vector<1x1000xf32>
    %add3A_78 = arith.addf %slice3A_67, %mul3A_77 : vector<1x1000xf32>
    %mul3A_79 = arith.mulf %mul3A_53, %sub3A : vector<1x1000xf32>
    %add3A_80 = arith.addf %add3A_74, %mul3A_79 : vector<1x1000xf32>
    %mul3A_81 = arith.mulf %mul3A_57, %sub3A_70 : vector<1x1000xf32>
    %add3A_82 = arith.addf %add3A_78, %mul3A_81 : vector<1x1000xf32>
    %exp3A = math.exp %mul3A_61 : vector<1x1000xf32>
    %mul3A_83 = arith.mulf %sub3A, %exp3A : vector<1x1000xf32>
    %exp3A_84 = math.exp %mul3A_65 : vector<1x1000xf32>
    %mul3A_85 = arith.mulf %sub3A_70, %exp3A_84 : vector<1x1000xf32>
    %mul3A_86 = arith.constant 5.000000e-01 : f32
    %mul3A_87 = vector.broadcast %mul3A_86 : f32 to vector<1x1000xf32>
    %mul3A_88 = arith.mulf %mul3A_87, %mul3A_83 : vector<1x1000xf32>
    %sub3A_89 = arith.subf %add3A_80, %mul3A_88 : vector<1x1000xf32>
    %jit3A_90 = arith.constant 0.000000e+00 : f32
    %jit3A_91 = arith.constant 1.000000e+00 : f32
    %max3A = vector.broadcast %jit3A_90 : f32 to vector<1x1000xf32>
    %max3A_92 = arith.maximumf %max3A, %sub3A_89 : vector<1x1000xf32>
    %min3A = vector.broadcast %jit3A_91 : f32 to vector<1x1000xf32>
    %min3A_93 = arith.minimumf %min3A, %max3A_92 : vector<1x1000xf32>
    %mul3A_94 = arith.constant 5.000000e-01 : f32
    %mul3A_95 = vector.broadcast %mul3A_94 : f32 to vector<1x1000xf32>
    %mul3A_96 = arith.mulf %mul3A_95, %mul3A_85 : vector<1x1000xf32>
    %sub3A_97 = arith.subf %add3A_82, %mul3A_96 : vector<1x1000xf32>
    %jit3A_98 = arith.constant 0.000000e+00 : f32
    %jit3A_99 = arith.constant 1.000000e+00 : f32
    %max3A_100 = vector.broadcast %jit3A_98 : f32 to vector<1x1000xf32>
    %max3A_101 = arith.maximumf %max3A_100, %sub3A_97 : vector<1x1000xf32>
    %min3A_102 = vector.broadcast %jit3A_99 : f32 to vector<1x1000xf32>
    %min3A_103 = arith.minimumf %min3A_102, %max3A_101 : vector<1x1000xf32>
    %mul3A_104 = arith.constant 5.000000e-01 : f32
    %mul3A_105 = vector.broadcast %mul3A_104 : f32 to vector<1x1000xf32>
    %mul3A_106 = arith.mulf %mul3A_105, %mul3A_83 : vector<1x1000xf32>
    %add3A_107 = arith.addf %add3A_80, %mul3A_106 : vector<1x1000xf32>
    %jit3A_108 = arith.constant 0.000000e+00 : f32
    %jit3A_109 = arith.constant 1.000000e+00 : f32
    %max3A_110 = vector.broadcast %jit3A_108 : f32 to vector<1x1000xf32>
    %max3A_111 = arith.maximumf %max3A_110, %add3A_107 : vector<1x1000xf32>
    %min3A_112 = vector.broadcast %jit3A_109 : f32 to vector<1x1000xf32>
    %min3A_113 = arith.minimumf %min3A_112, %max3A_111 : vector<1x1000xf32>
    %mul3A_114 = arith.constant 5.000000e-01 : f32
    %mul3A_115 = vector.broadcast %mul3A_114 : f32 to vector<1x1000xf32>
    %mul3A_116 = arith.mulf %mul3A_115, %mul3A_85 : vector<1x1000xf32>
    %add3A_117 = arith.addf %add3A_82, %mul3A_116 : vector<1x1000xf32>
    %jit3A_118 = arith.constant 0.000000e+00 : f32
    %jit3A_119 = arith.constant 1.000000e+00 : f32
    %max3A_120 = vector.broadcast %jit3A_118 : f32 to vector<1x1000xf32>
    %max3A_121 = arith.maximumf %max3A_120, %add3A_117 : vector<1x1000xf32>
    %min3A_122 = vector.broadcast %jit3A_119 : f32 to vector<1x1000xf32>
    %min3A_123 = arith.minimumf %min3A_122, %max3A_121 : vector<1x1000xf32>
    %gt3A = arith.constant 0 : i32
    %gt3A_124 = vector.broadcast %gt3A : i32 to vector<1x1000xi32>
    %gt3A_125 = arith.cmpi sgt, %broadcast_in_dim3A_19, %gt3A_124 : vector<1x1000xi32>
    %ge3A = arith.constant 0.699999988 : f32
    %ge3A_126 = vector.broadcast %ge3A : f32 to vector<1x1000xf32>
    %ge3A_127 = arith.cmpf oge, %broadcast_in_dim3A, %ge3A_126 : vector<1x1000xf32>
    %and3A = arith.andi %gt3A_125, %ge3A_127 : vector<1x1000xi1>
    %jit3A_128 = arith.constant -1.000000e+00 : f32
    %broadcast_in_dim3A_129 = vector.broadcast %jit3A_128 : f32 to vector<1x1000xf32>
    %select_n3A_130 = arith.select %and3A, %broadcast_in_dim3A, %broadcast_in_dim3A_129 : vector<1x1000xi1>, vector<1x1000xf32>
    %convert_element_type3A_131 = arith.sitofp %broadcast_in_dim3A_19 : vector<1x1000xi32> to vector<1x1000xf32>
    %broadcast_in_dim3A_132 = arith.constant -1.000000e+00 : f32
    %broadcast_in_dim3A_133 = vector.broadcast %broadcast_in_dim3A_132 : f32 to vector<24xf32>
    %broadcast_in_dim3A_134 = arith.constant 0.000000e+00 : f32
    %broadcast_in_dim3A_135 = vector.broadcast %broadcast_in_dim3A_134 : f32 to vector<24xf32>
    %reshape3A = vector.shape_cast %select_n3A_130 : vector<1x1000xf32> to vector<1000xf32>
    %concatenate3A_136 = tpu.concatenate %reshape3A, %broadcast_in_dim3A_133 in 0 : vector<1000xf32>, vector<24xf32> -> vector<1024xf32>
    %swap3A = arith.constant 0 : index
    %swap3A_137 = vector.load %arg3[%swap3A] : memref<8192xf32, #tpu.memory_space<vmem>>, vector<1024xf32>
    tpu.vector_store %arg3[%swap3A], %concatenate3A_136 {strides = array<i32>} : memref<8192xf32, #tpu.memory_space<vmem>>, vector<1024xf32>,
    %reshape3A_138 = vector.shape_cast %min3A_93 : vector<1x1000xf32> to vector<1000xf32>
    %concatenate3A_139 = tpu.concatenate %reshape3A_138, %broadcast_in_dim3A_135 in 0 : vector<1000xf32>, vector<24xf32> -> vector<1024xf32>
    %swap3A_140 = arith.constant 0 : index
    %swap3A_141 = vector.load %arg4[%swap3A_140] : memref<8192xf32, #tpu.memory_space<vmem>>, vector<1024xf32>
    tpu.vector_store %arg4[%swap3A_140], %concatenate3A_139 {strides = array<i32>} : memref<8192xf32, #tpu.memory_space<vmem>>, vector<1024xf32>,
    %reshape3A_142 = vector.shape_cast %min3A_103 : vector<1x1000xf32> to vector<1000xf32>
    %concatenate3A_143 = tpu.concatenate %reshape3A_142, %broadcast_in_dim3A_135 in 0 : vector<1000xf32>, vector<24xf32> -> vector<1024xf32>
    %swap3A_144 = arith.constant 0 : index
    %swap3A_145 = vector.load %arg5[%swap3A_144] : memref<8192xf32, #tpu.memory_space<vmem>>, vector<1024xf32>
    tpu.vector_store %arg5[%swap3A_144], %concatenate3A_143 {strides = array<i32>} : memref<8192xf32, #tpu.memory_space<vmem>>, vector<1024xf32>,
    %reshape3A_146 = vector.shape_cast %min3A_113 : vector<1x1000xf32> to vector<1000xf32>
    %concatenate3A_147 = tpu.concatenate %reshape3A_146, %broadcast_in_dim3A_135 in 0 : vector<1000xf32>, vector<24xf32> -> vector<1024xf32>
    %swap3A_148 = arith.constant 0 : index
    %swap3A_149 = vector.load %arg6[%swap3A_148] : memref<8192xf32, #tpu.memory_space<vmem>>, vector<1024xf32>
    tpu.vector_store %arg6[%swap3A_148], %concatenate3A_147 {strides = array<i32>} : memref<8192xf32, #tpu.memory_space<vmem>>, vector<1024xf32>,
    %reshape3A_150 = vector.shape_cast %min3A_123 : vector<1x1000xf32> to vector<1000xf32>
    %concatenate3A_151 = tpu.concatenate %reshape3A_150, %broadcast_in_dim3A_135 in 0 : vector<1000xf32>, vector<24xf32> -> vector<1024xf32>
    %swap3A_152 = arith.constant 0 : index
    %swap3A_153 = vector.load %arg7[%swap3A_152] : memref<8192xf32, #tpu.memory_space<vmem>>, vector<1024xf32>
    tpu.vector_store %arg7[%swap3A_152], %concatenate3A_151 {strides = array<i32>} : memref<8192xf32, #tpu.memory_space<vmem>>, vector<1024xf32>,
    %reshape3A_154 = vector.shape_cast %convert_element_type3A_131 : vector<1x1000xf32> to vector<1000xf32>
    %concatenate3A_155 = tpu.concatenate %reshape3A_154, %broadcast_in_dim3A_135 in 0 : vector<1000xf32>, vector<24xf32> -> vector<1024xf32>
    %swap3A_156 = arith.constant 0 : index
    %swap3A_157 = vector.load %arg8[%swap3A_156] : memref<8192xf32, #tpu.memory_space<vmem>>, vector<1024xf32>
    tpu.vector_store %arg8[%swap3A_156], %concatenate3A_155 {strides = array<i32>} : memref<8192xf32, #tpu.memory_space<vmem>>, vector<1024xf32>,
    %get3A_158 = arith.constant 1 : index
    %get3A_159 = arith.constant 0 : index
    %get3A_160 = arith.constant 0 : index
    %get3A_161 = vector.load %arg0[%get3A_158, %get3A_159, %get3A_160] : memref<8x4x1000xf32, #tpu.memory_space<vmem>>, vector<1x4x1000xf32>
    %get3A_162 = vector.shape_cast %get3A_161 : vector<1x4x1000xf32> to vector<4x1000xf32>
    %get3A_163 = arith.constant 0 : index
    %get3A_164 = arith.constant 1 : index
    %get3A_165 = arith.constant 0 : index
    %get3A_166 = vector.load %arg1[%get3A_163, %get3A_164, %get3A_165] : memref<81x8x1000xf32, #tpu.memory_space<vmem>>, vector<81x1x1000xf32>
    %get3A_167 = vector.shape_cast %get3A_166 : vector<81x1x1000xf32> to vector<81x1000xf32>
    %get3A_168 = arith.constant 1 : index
    %get3A_169 = arith.constant 0 : index
    %get3A_170 = arith.constant 0 : index
    %get3A_171 = arith.constant 0 : index
    %get3A_172 = vector.load %arg2[%get3A_168, %get3A_169, %get3A_170, %get3A_171] : memref<8x81x4x1000xf32, #tpu.memory_space<vmem>>, vector<1x81x4x1000xf32>
    %get3A_173 = vector.shape_cast %get3A_172 : vector<1x81x4x1000xf32> to vector<81x4x1000xf32>
    %reduce_max3A_174 = arith.constant dense<0xFF800000> : vector<1000xf32>
    %reduce_max3A_175 = vector.multi_reduction <maximumf>, %get3A_167, %reduce_max3A_174 [0] : vector<81x1000xf32> to vector<1000xf32>
    %broadcast_in_dim3A_176 = vector.shape_cast %reduce_max3A_175 : vector<1000xf32> to vector<1x1000xf32>
    %iota3A_177 = tpu.iota {dimensions = array<i32: 0>} : vector<81x1000xi32>
    %eq3A_178 = vector.broadcast %broadcast_in_dim3A_176 : vector<1x1000xf32> to vector<81x1000xf32>
    %eq3A_179 = arith.cmpf oeq, %get3A_167, %eq3A_178 : vector<81x1000xf32>
    %jit3A_180 = arith.constant 81 : i32
    %broadcast_in_dim3A_181 = vector.broadcast %jit3A_180 : i32 to vector<81x1000xi32>
    %select_n3A_182 = arith.select %eq3A_179, %iota3A_177, %broadcast_in_dim3A_181 : vector<81x1000xi1>, vector<81x1000xi32>
    %reduce_min3A_183 = arith.constant dense<2147483647> : vector<1000xi32>
    %reduce_min3A_184 = vector.multi_reduction <minsi>, %select_n3A_182, %reduce_min3A_183 [0] : vector<81x1000xi32> to vector<1000xi32>
    %broadcast_in_dim3A_185 = vector.shape_cast %reduce_min3A_184 : vector<1000xi32> to vector<1x1000xi32>
    %eq3A_186 = vector.broadcast %broadcast_in_dim3A_185 : vector<1x1000xi32> to vector<81x1000xi32>
    %eq3A_187 = arith.cmpi eq, %iota3A_177, %eq3A_186 : vector<81x1000xi32>
    %convert_element_type3A_188 = arith.extui %eq3A_187 : vector<81x1000xi1> to vector<81x1000xi32>
    %convert_element_type3A_189 = arith.sitofp %convert_element_type3A_188 : vector<81x1000xi32> to vector<81x1000xf32>
    %broadcast_in_dim3A_190 = vector.shape_cast %convert_element_type3A_189 : vector<81x1000xf32> to vector<81x1x1000xf32>
    %mul3A_191 = vector.broadcast %broadcast_in_dim3A_190 : vector<81x1x1000xf32> to vector<81x4x1000xf32>
    %mul3A_192 = arith.mulf %get3A_173, %mul3A_191 : vector<81x4x1000xf32>
    %slice3A_193 = vector.extract_strided_slice %mul3A_192 {offsets = [0, 0, 0], sizes = [40, 4, 1000], strides = [1, 1, 1]} : vector<81x4x1000xf32> to vector<40x4x1000xf32>
    %slice3A_194 = vector.extract_strided_slice %mul3A_192 {offsets = [40, 0, 0], sizes = [40, 4, 1000], strides = [1, 1, 1]} : vector<81x4x1000xf32> to vector<40x4x1000xf32>
    %add3A_195 = arith.addf %slice3A_193, %slice3A_194 : vector<40x4x1000xf32>
    %slice3A_196 = vector.extract_strided_slice %add3A_195 {offsets = [0, 0, 0], sizes = [1, 4, 1000], strides = [1, 1, 1]} : vector<40x4x1000xf32> to vector<1x4x1000xf32>
    %slice3A_197 = vector.extract_strided_slice %mul3A_192 {offsets = [80, 0, 0], sizes = [1, 4, 1000], strides = [1, 1, 1]} : vector<81x4x1000xf32> to vector<1x4x1000xf32>
    %add3A_198 = arith.addf %slice3A_196, %slice3A_197 : vector<1x4x1000xf32>
    %slice3A_199 = vector.extract_strided_slice %add3A_195 {offsets = [1, 0, 0], sizes = [39, 4, 1000], strides = [1, 1, 1]} : vector<40x4x1000xf32> to vector<39x4x1000xf32>
    %concatenate3A_200 = tpu.concatenate %add3A_198, %slice3A_199 in 0 : vector<1x4x1000xf32>, vector<39x4x1000xf32> -> vector<40x4x1000xf32>
    %slice3A_201 = vector.extract_strided_slice %concatenate3A_200 {offsets = [0, 0, 0], sizes = [20, 4, 1000], strides = [1, 1, 1]} : vector<40x4x1000xf32> to vector<20x4x1000xf32>
    %slice3A_202 = vector.extract_strided_slice %concatenate3A_200 {offsets = [20, 0, 0], sizes = [20, 4, 1000], strides = [1, 1, 1]} : vector<40x4x1000xf32> to vector<20x4x1000xf32>
    %add3A_203 = arith.addf %slice3A_201, %slice3A_202 : vector<20x4x1000xf32>
    %slice3A_204 = vector.extract_strided_slice %add3A_203 {offsets = [0, 0, 0], sizes = [10, 4, 1000], strides = [1, 1, 1]} : vector<20x4x1000xf32> to vector<10x4x1000xf32>
    %slice3A_205 = vector.extract_strided_slice %add3A_203 {offsets = [10, 0, 0], sizes = [10, 4, 1000], strides = [1, 1, 1]} : vector<20x4x1000xf32> to vector<10x4x1000xf32>
    %add3A_206 = arith.addf %slice3A_204, %slice3A_205 : vector<10x4x1000xf32>
    %slice3A_207 = vector.extract_strided_slice %add3A_206 {offsets = [0, 0, 0], sizes = [5, 4, 1000], strides = [1, 1, 1]} : vector<10x4x1000xf32> to vector<5x4x1000xf32>
    %slice3A_208 = vector.extract_strided_slice %add3A_206 {offsets = [5, 0, 0], sizes = [5, 4, 1000], strides = [1, 1, 1]} : vector<10x4x1000xf32> to vector<5x4x1000xf32>
    %add3A_209 = arith.addf %slice3A_207, %slice3A_208 : vector<5x4x1000xf32>
    %slice3A_210 = vector.extract_strided_slice %add3A_209 {offsets = [0, 0, 0], sizes = [2, 4, 1000], strides = [1, 1, 1]} : vector<5x4x1000xf32> to vector<2x4x1000xf32>
    %slice3A_211 = vector.extract_strided_slice %add3A_209 {offsets = [2, 0, 0], sizes = [2, 4, 1000], strides = [1, 1, 1]} : vector<5x4x1000xf32> to vector<2x4x1000xf32>
    %add3A_212 = arith.addf %slice3A_210, %slice3A_211 : vector<2x4x1000xf32>
    %slice3A_213 = vector.extract_strided_slice %add3A_212 {offsets = [0, 0, 0], sizes = [1, 4, 1000], strides = [1, 1, 1]} : vector<2x4x1000xf32> to vector<1x4x1000xf32>
    %slice3A_214 = vector.extract_strided_slice %add3A_209 {offsets = [4, 0, 0], sizes = [1, 4, 1000], strides = [1, 1, 1]} : vector<5x4x1000xf32> to vector<1x4x1000xf32>
    %add3A_215 = arith.addf %slice3A_213, %slice3A_214 : vector<1x4x1000xf32>
    %slice3A_216 = vector.extract_strided_slice %add3A_212 {offsets = [1, 0, 0], sizes = [1, 4, 1000], strides = [1, 1, 1]} : vector<2x4x1000xf32> to vector<1x4x1000xf32>
    %concatenate3A_217 = tpu.concatenate %add3A_215, %slice3A_216 in 0 : vector<1x4x1000xf32>, vector<1x4x1000xf32> -> vector<2x4x1000xf32>
    %slice3A_218 = vector.extract_strided_slice %concatenate3A_217 {offsets = [0, 0, 0], sizes = [1, 4, 1000], strides = [1, 1, 1]} : vector<2x4x1000xf32> to vector<1x4x1000xf32>
    %slice3A_219 = vector.extract_strided_slice %concatenate3A_217 {offsets = [1, 0, 0], sizes = [1, 4, 1000], strides = [1, 1, 1]} : vector<2x4x1000xf32> to vector<1x4x1000xf32>
    %add3A_220 = arith.addf %slice3A_218, %slice3A_219 : vector<1x4x1000xf32>
    %squeeze3A_221 = vector.shape_cast %add3A_220 : vector<1x4x1000xf32> to vector<4x1000xf32>
    %slice3A_222 = vector.extract_strided_slice %squeeze3A_221 {offsets = [0, 0], sizes = [1, 1000], strides = [1, 1]} : vector<4x1000xf32> to vector<1x1000xf32>
    %mul3A_223 = arith.constant 1.000000e-01 : f32
    %mul3A_224 = vector.broadcast %mul3A_223 : f32 to vector<1x1000xf32>
    %mul3A_225 = arith.mulf %slice3A_222, %mul3A_224 : vector<1x1000xf32>
    %slice3A_226 = vector.extract_strided_slice %squeeze3A_221 {offsets = [1, 0], sizes = [1, 1000], strides = [1, 1]} : vector<4x1000xf32> to vector<1x1000xf32>
    %mul3A_227 = arith.constant 1.000000e-01 : f32
    %mul3A_228 = vector.broadcast %mul3A_227 : f32 to vector<1x1000xf32>
    %mul3A_229 = arith.mulf %slice3A_226, %mul3A_228 : vector<1x1000xf32>
    %slice3A_230 = vector.extract_strided_slice %squeeze3A_221 {offsets = [2, 0], sizes = [1, 1000], strides = [1, 1]} : vector<4x1000xf32> to vector<1x1000xf32>
    %mul3A_231 = arith.constant 2.000000e-01 : f32
    %mul3A_232 = vector.broadcast %mul3A_231 : f32 to vector<1x1000xf32>
    %mul3A_233 = arith.mulf %slice3A_230, %mul3A_232 : vector<1x1000xf32>
    %slice3A_234 = vector.extract_strided_slice %squeeze3A_221 {offsets = [3, 0], sizes = [1, 1000], strides = [1, 1]} : vector<4x1000xf32> to vector<1x1000xf32>
    %mul3A_235 = arith.constant 2.000000e-01 : f32
    %mul3A_236 = vector.broadcast %mul3A_235 : f32 to vector<1x1000xf32>
    %mul3A_237 = arith.mulf %slice3A_234, %mul3A_236 : vector<1x1000xf32>
    %slice3A_238 = vector.extract_strided_slice %get3A_162 {offsets = [0, 0], sizes = [1, 1000], strides = [1, 1]} : vector<4x1000xf32> to vector<1x1000xf32>
    %slice3A_239 = vector.extract_strided_slice %get3A_162 {offsets = [1, 0], sizes = [1, 1000], strides = [1, 1]} : vector<4x1000xf32> to vector<1x1000xf32>
    %slice3A_240 = vector.extract_strided_slice %get3A_162 {offsets = [2, 0], sizes = [1, 1000], strides = [1, 1]} : vector<4x1000xf32> to vector<1x1000xf32>
    %slice3A_241 = vector.extract_strided_slice %get3A_162 {offsets = [3, 0], sizes = [1, 1000], strides = [1, 1]} : vector<4x1000xf32> to vector<1x1000xf32>
    %sub3A_242 = arith.subf %slice3A_240, %slice3A_238 : vector<1x1000xf32>
    %sub3A_243 = arith.subf %slice3A_241, %slice3A_239 : vector<1x1000xf32>
    %mul3A_244 = arith.constant 5.000000e-01 : f32
    %mul3A_245 = vector.broadcast %mul3A_244 : f32 to vector<1x1000xf32>
    %mul3A_246 = arith.mulf %mul3A_245, %sub3A_242 : vector<1x1000xf32>
    %add3A_247 = arith.addf %slice3A_238, %mul3A_246 : vector<1x1000xf32>
    %mul3A_248 = arith.constant 5.000000e-01 : f32
    %mul3A_249 = vector.broadcast %mul3A_248 : f32 to vector<1x1000xf32>
    %mul3A_250 = arith.mulf %mul3A_249, %sub3A_243 : vector<1x1000xf32>
    %add3A_251 = arith.addf %slice3A_239, %mul3A_250 : vector<1x1000xf32>
    %mul3A_252 = arith.mulf %mul3A_225, %sub3A_242 : vector<1x1000xf32>
    %add3A_253 = arith.addf %add3A_247, %mul3A_252 : vector<1x1000xf32>
    %mul3A_254 = arith.mulf %mul3A_229, %sub3A_243 : vector<1x1000xf32>
    %add3A_255 = arith.addf %add3A_251, %mul3A_254 : vector<1x1000xf32>
    %exp3A_256 = math.exp %mul3A_233 : vector<1x1000xf32>
    %mul3A_257 = arith.mulf %sub3A_242, %exp3A_256 : vector<1x1000xf32>
    %exp3A_258 = math.exp %mul3A_237 : vector<1x1000xf32>
    %mul3A_259 = arith.mulf %sub3A_243, %exp3A_258 : vector<1x1000xf32>
    %mul3A_260 = arith.constant 5.000000e-01 : f32
    %mul3A_261 = vector.broadcast %mul3A_260 : f32 to vector<1x1000xf32>
    %mul3A_262 = arith.mulf %mul3A_261, %mul3A_257 : vector<1x1000xf32>
    %sub3A_263 = arith.subf %add3A_253, %mul3A_262 : vector<1x1000xf32>
    %jit3A_264 = arith.constant 0.000000e+00 : f32
    %jit3A_265 = arith.constant 1.000000e+00 : f32
    %max3A_266 = vector.broadcast %jit3A_264 : f32 to vector<1x1000xf32>
    %max3A_267 = arith.maximumf %max3A_266, %sub3A_263 : vector<1x1000xf32>
    %min3A_268 = vector.broadcast %jit3A_265 : f32 to vector<1x1000xf32>
    %min3A_269 = arith.minimumf %min3A_268, %max3A_267 : vector<1x1000xf32>
    %mul3A_270 = arith.constant 5.000000e-01 : f32
    %mul3A_271 = vector.broadcast %mul3A_270 : f32 to vector<1x1000xf32>
    %mul3A_272 = arith.mulf %mul3A_271, %mul3A_259 : vector<1x1000xf32>
    %sub3A_273 = arith.subf %add3A_255, %mul3A_272 : vector<1x1000xf32>
    %jit3A_274 = arith.constant 0.000000e+00 : f32
    %jit3A_275 = arith.constant 1.000000e+00 : f32
    %max3A_276 = vector.broadcast %jit3A_274 : f32 to vector<1x1000xf32>
    %max3A_277 = arith.maximumf %max3A_276, %sub3A_273 : vector<1x1000xf32>
    %min3A_278 = vector.broadcast %jit3A_275 : f32 to vector<1x1000xf32>
    %min3A_279 = arith.minimumf %min3A_278, %max3A_277 : vector<1x1000xf32>
    %mul3A_280 = arith.constant 5.000000e-01 : f32
    %mul3A_281 = vector.broadcast %mul3A_280 : f32 to vector<1x1000xf32>
    %mul3A_282 = arith.mulf %mul3A_281, %mul3A_257 : vector<1x1000xf32>
    %add3A_283 = arith.addf %add3A_253, %mul3A_282 : vector<1x1000xf32>
    %jit3A_284 = arith.constant 0.000000e+00 : f32
    %jit3A_285 = arith.constant 1.000000e+00 : f32
    %max3A_286 = vector.broadcast %jit3A_284 : f32 to vector<1x1000xf32>
    %max3A_287 = arith.maximumf %max3A_286, %add3A_283 : vector<1x1000xf32>
    %min3A_288 = vector.broadcast %jit3A_285 : f32 to vector<1x1000xf32>
    %min3A_289 = arith.minimumf %min3A_288, %max3A_287 : vector<1x1000xf32>
    %mul3A_290 = arith.constant 5.000000e-01 : f32
    %mul3A_291 = vector.broadcast %mul3A_290 : f32 to vector<1x1000xf32>
    %mul3A_292 = arith.mulf %mul3A_291, %mul3A_259 : vector<1x1000xf32>
    %add3A_293 = arith.addf %add3A_255, %mul3A_292 : vector<1x1000xf32>
    %jit3A_294 = arith.constant 0.000000e+00 : f32
    %jit3A_295 = arith.constant 1.000000e+00 : f32
    %max3A_296 = vector.broadcast %jit3A_294 : f32 to vector<1x1000xf32>
    %max3A_297 = arith.maximumf %max3A_296, %add3A_293 : vector<1x1000xf32>
    %min3A_298 = vector.broadcast %jit3A_295 : f32 to vector<1x1000xf32>
    %min3A_299 = arith.minimumf %min3A_298, %max3A_297 : vector<1x1000xf32>
    %gt3A_300 = arith.constant 0 : i32
    %gt3A_301 = vector.broadcast %gt3A_300 : i32 to vector<1x1000xi32>
    %gt3A_302 = arith.cmpi sgt, %broadcast_in_dim3A_185, %gt3A_301 : vector<1x1000xi32>
    %ge3A_303 = arith.constant 0.699999988 : f32
    %ge3A_304 = vector.broadcast %ge3A_303 : f32 to vector<1x1000xf32>
    %ge3A_305 = arith.cmpf oge, %broadcast_in_dim3A_176, %ge3A_304 : vector<1x1000xf32>
    %and3A_306 = arith.andi %gt3A_302, %ge3A_305 : vector<1x1000xi1>
    %jit3A_307 = arith.constant -1.000000e+00 : f32
    %broadcast_in_dim3A_308 = vector.broadcast %jit3A_307 : f32 to vector<1x1000xf32>
    %select_n3A_309 = arith.select %and3A_306, %broadcast_in_dim3A_176, %broadcast_in_dim3A_308 : vector<1x1000xi1>, vector<1x1000xf32>
    %convert_element_type3A_310 = arith.sitofp %broadcast_in_dim3A_185 : vector<1x1000xi32> to vector<1x1000xf32>
    %broadcast_in_dim3A_311 = arith.constant -1.000000e+00 : f32
    %broadcast_in_dim3A_312 = vector.broadcast %broadcast_in_dim3A_311 : f32 to vector<24xf32>
    %broadcast_in_dim3A_313 = arith.constant 0.000000e+00 : f32
    %broadcast_in_dim3A_314 = vector.broadcast %broadcast_in_dim3A_313 : f32 to vector<24xf32>
    %reshape3A_315 = vector.shape_cast %select_n3A_309 : vector<1x1000xf32> to vector<1000xf32>
    %concatenate3A_316 = tpu.concatenate %reshape3A_315, %broadcast_in_dim3A_312 in 0 : vector<1000xf32>, vector<24xf32> -> vector<1024xf32>
    %swap3A_317 = arith.constant 1024 : index
    %swap3A_318 = vector.load %arg3[%swap3A_317] : memref<8192xf32, #tpu.memory_space<vmem>>, vector<1024xf32>
    tpu.vector_store %arg3[%swap3A_317], %concatenate3A_316 {strides = array<i32>} : memref<8192xf32, #tpu.memory_space<vmem>>, vector<1024xf32>,
    %reshape3A_319 = vector.shape_cast %min3A_269 : vector<1x1000xf32> to vector<1000xf32>
    %concatenate3A_320 = tpu.concatenate %reshape3A_319, %broadcast_in_dim3A_314 in 0 : vector<1000xf32>, vector<24xf32> -> vector<1024xf32>
    %swap3A_321 = arith.constant 1024 : index
    %swap3A_322 = vector.load %arg4[%swap3A_321] : memref<8192xf32, #tpu.memory_space<vmem>>, vector<1024xf32>
    tpu.vector_store %arg4[%swap3A_321], %concatenate3A_320 {strides = array<i32>} : memref<8192xf32, #tpu.memory_space<vmem>>, vector<1024xf32>,
    %reshape3A_323 = vector.shape_cast %min3A_279 : vector<1x1000xf32> to vector<1000xf32>
    %concatenate3A_324 = tpu.concatenate %reshape3A_323, %broadcast_in_dim3A_314 in 0 : vector<1000xf32>, vector<24xf32> -> vector<1024xf32>
    %swap3A_325 = arith.constant 1024 : index
    %swap3A_326 = vector.load %arg5[%swap3A_325] : memref<8192xf32, #tpu.memory_space<vmem>>, vector<1024xf32>
    tpu.vector_store %arg5[%swap3A_325], %concatenate3A_324 {strides = array<i32>} : memref<8192xf32, #tpu.memory_space<vmem>>, vector<1024xf32>,
    %reshape3A_327 = vector.shape_cast %min3A_289 : vector<1x1000xf32> to vector<1000xf32>
    %concatenate3A_328 = tpu.concatenate %reshape3A_327, %broadcast_in_dim3A_314 in 0 : vector<1000xf32>, vector<24xf32> -> vector<1024xf32>
    %swap3A_329 = arith.constant 1024 : index
    %swap3A_330 = vector.load %arg6[%swap3A_329] : memref<8192xf32, #tpu.memory_space<vmem>>, vector<1024xf32>
    tpu.vector_store %arg6[%swap3A_329], %concatenate3A_328 {strides = array<i32>} : memref<8192xf32, #tpu.memory_space<vmem>>, vector<1024xf32>,
    %reshape3A_331 = vector.shape_cast %min3A_299 : vector<1x1000xf32> to vector<1000xf32>
    %concatenate3A_332 = tpu.concatenate %reshape3A_331, %broadcast_in_dim3A_314 in 0 : vector<1000xf32>, vector<24xf32> -> vector<1024xf32>
    %swap3A_333 = arith.constant 1024 : index
    %swap3A_334 = vector.load %arg7[%swap3A_333] : memref<8192xf32, #tpu.memory_space<vmem>>, vector<1024xf32>
    tpu.vector_store %arg7[%swap3A_333], %concatenate3A_332 {strides = array<i32>} : memref<8192xf32, #tpu.memory_space<vmem>>, vector<1024xf32>,
    %reshape3A_335 = vector.shape_cast %convert_element_type3A_310 : vector<1x1000xf32> to vector<1000xf32>
    %concatenate3A_336 = tpu.concatenate %reshape3A_335, %broadcast_in_dim3A_314 in 0 : vector<1000xf32>, vector<24xf32> -> vector<1024xf32>
    %swap3A_337 = arith.constant 1024 : index
    %swap3A_338 = vector.load %arg8[%swap3A_337] : memref<8192xf32, #tpu.memory_space<vmem>>, vector<1024xf32>
    tpu.vector_store %arg8[%swap3A_337], %concatenate3A_336 {strides = array<i32>} : memref<8192xf32, #tpu.memory_space<vmem>>, vector<1024xf32>,
    %get3A_339 = arith.constant 2 : index
    %get3A_340 = arith.constant 0 : index
    %get3A_341 = arith.constant 0 : index
    %get3A_342 = vector.load %arg0[%get3A_339, %get3A_340, %get3A_341] : memref<8x4x1000xf32, #tpu.memory_space<vmem>>, vector<1x4x1000xf32>
    %get3A_343 = vector.shape_cast %get3A_342 : vector<1x4x1000xf32> to vector<4x1000xf32>
    %get3A_344 = arith.constant 0 : index
    %get3A_345 = arith.constant 2 : index
    %get3A_346 = arith.constant 0 : index
    %get3A_347 = vector.load %arg1[%get3A_344, %get3A_345, %get3A_346] : memref<81x8x1000xf32, #tpu.memory_space<vmem>>, vector<81x1x1000xf32>
    %get3A_348 = vector.shape_cast %get3A_347 : vector<81x1x1000xf32> to vector<81x1000xf32>
    %get3A_349 = arith.constant 2 : index
    %get3A_350 = arith.constant 0 : index
    %get3A_351 = arith.constant 0 : index
    %get3A_352 = arith.constant 0 : index
    %get3A_353 = vector.load %arg2[%get3A_349, %get3A_350, %get3A_351, %get3A_352] : memref<8x81x4x1000xf32, #tpu.memory_space<vmem>>, vector<1x81x4x1000xf32>
    %get3A_354 = vector.shape_cast %get3A_353 : vector<1x81x4x1000xf32> to vector<81x4x1000xf32>
    %reduce_max3A_355 = arith.constant dense<0xFF800000> : vector<1000xf32>
    %reduce_max3A_356 = vector.multi_reduction <maximumf>, %get3A_348, %reduce_max3A_355 [0] : vector<81x1000xf32> to vector<1000xf32>
    %broadcast_in_dim3A_357 = vector.shape_cast %reduce_max3A_356 : vector<1000xf32> to vector<1x1000xf32>
    %iota3A_358 = tpu.iota {dimensions = array<i32: 0>} : vector<81x1000xi32>
    %eq3A_359 = vector.broadcast %broadcast_in_dim3A_357 : vector<1x1000xf32> to vector<81x1000xf32>
    %eq3A_360 = arith.cmpf oeq, %get3A_348, %eq3A_359 : vector<81x1000xf32>
    %jit3A_361 = arith.constant 81 : i32
    %broadcast_in_dim3A_362 = vector.broadcast %jit3A_361 : i32 to vector<81x1000xi32>
    %select_n3A_363 = arith.select %eq3A_360, %iota3A_358, %broadcast_in_dim3A_362 : vector<81x1000xi1>, vector<81x1000xi32>
    %reduce_min3A_364 = arith.constant dense<2147483647> : vector<1000xi32>
    %reduce_min3A_365 = vector.multi_reduction <minsi>, %select_n3A_363, %reduce_min3A_364 [0] : vector<81x1000xi32> to vector<1000xi32>
    %broadcast_in_dim3A_366 = vector.shape_cast %reduce_min3A_365 : vector<1000xi32> to vector<1x1000xi32>
    %eq3A_367 = vector.broadcast %broadcast_in_dim3A_366 : vector<1x1000xi32> to vector<81x1000xi32>
    %eq3A_368 = arith.cmpi eq, %iota3A_358, %eq3A_367 : vector<81x1000xi32>
    %convert_element_type3A_369 = arith.extui %eq3A_368 : vector<81x1000xi1> to vector<81x1000xi32>
    %convert_element_type3A_370 = arith.sitofp %convert_element_type3A_369 : vector<81x1000xi32> to vector<81x1000xf32>
    %broadcast_in_dim3A_371 = vector.shape_cast %convert_element_type3A_370 : vector<81x1000xf32> to vector<81x1x1000xf32>
    %mul3A_372 = vector.broadcast %broadcast_in_dim3A_371 : vector<81x1x1000xf32> to vector<81x4x1000xf32>
    %mul3A_373 = arith.mulf %get3A_354, %mul3A_372 : vector<81x4x1000xf32>
    %slice3A_374 = vector.extract_strided_slice %mul3A_373 {offsets = [0, 0, 0], sizes = [40, 4, 1000], strides = [1, 1, 1]} : vector<81x4x1000xf32> to vector<40x4x1000xf32>
    %slice3A_375 = vector.extract_strided_slice %mul3A_373 {offsets = [40, 0, 0], sizes = [40, 4, 1000], strides = [1, 1, 1]} : vector<81x4x1000xf32> to vector<40x4x1000xf32>
    %add3A_376 = arith.addf %slice3A_374, %slice3A_375 : vector<40x4x1000xf32>
    %slice3A_377 = vector.extract_strided_slice %add3A_376 {offsets = [0, 0, 0], sizes = [1, 4, 1000], strides = [1, 1, 1]} : vector<40x4x1000xf32> to vector<1x4x1000xf32>
    %slice3A_378 = vector.extract_strided_slice %mul3A_373 {offsets = [80, 0, 0], sizes = [1, 4, 1000], strides = [1, 1, 1]} : vector<81x4x1000xf32> to vector<1x4x1000xf32>
    %add3A_379 = arith.addf %slice3A_377, %slice3A_378 : vector<1x4x1000xf32>
    %slice3A_380 = vector.extract_strided_slice %add3A_376 {offsets = [1, 0, 0], sizes = [39, 4, 1000], strides = [1, 1, 1]} : vector<40x4x1000xf32> to vector<39x4x1000xf32>
    %concatenate3A_381 = tpu.concatenate %add3A_379, %slice3A_380 in 0 : vector<1x4x1000xf32>, vector<39x4x1000xf32> -> vector<40x4x1000xf32>
    %slice3A_382 = vector.extract_strided_slice %concatenate3A_381 {offsets = [0, 0, 0], sizes = [20, 4, 1000], strides = [1, 1, 1]} : vector<40x4x1000xf32> to vector<20x4x1000xf32>
    %slice3A_383 = vector.extract_strided_slice %concatenate3A_381 {offsets = [20, 0, 0], sizes = [20, 4, 1000], strides = [1, 1, 1]} : vector<40x4x1000xf32> to vector<20x4x1000xf32>
    %add3A_384 = arith.addf %slice3A_382, %slice3A_383 : vector<20x4x1000xf32>
    %slice3A_385 = vector.extract_strided_slice %add3A_384 {offsets = [0, 0, 0], sizes = [10, 4, 1000], strides = [1, 1, 1]} : vector<20x4x1000xf32> to vector<10x4x1000xf32>
    %slice3A_386 = vector.extract_strided_slice %add3A_384 {offsets = [10, 0, 0], sizes = [10, 4, 1000], strides = [1, 1, 1]} : vector<20x4x1000xf32> to vector<10x4x1000xf32>
    %add3A_387 = arith.addf %slice3A_385, %slice3A_386 : vector<10x4x1000xf32>
    %slice3A_388 = vector.extract_strided_slice %add3A_387 {offsets = [0, 0, 0], sizes = [5, 4, 1000], strides = [1, 1, 1]} : vector<10x4x1000xf32> to vector<5x4x1000xf32>
    %slice3A_389 = vector.extract_strided_slice %add3A_387 {offsets = [5, 0, 0], sizes = [5, 4, 1000], strides = [1, 1, 1]} : vector<10x4x1000xf32> to vector<5x4x1000xf32>
    %add3A_390 = arith.addf %slice3A_388, %slice3A_389 : vector<5x4x1000xf32>
    %slice3A_391 = vector.extract_strided_slice %add3A_390 {offsets = [0, 0, 0], sizes = [2, 4, 1000], strides = [1, 1, 1]} : vector<5x4x1000xf32> to vector<2x4x1000xf32>
    %slice3A_392 = vector.extract_strided_slice %add3A_390 {offsets = [2, 0, 0], sizes = [2, 4, 1000], strides = [1, 1, 1]} : vector<5x4x1000xf32> to vector<2x4x1000xf32>
    %add3A_393 = arith.addf %slice3A_391, %slice3A_392 : vector<2x4x1000xf32>
    %slice3A_394 = vector.extract_strided_slice %add3A_393 {offsets = [0, 0, 0], sizes = [1, 4, 1000], strides = [1, 1, 1]} : vector<2x4x1000xf32> to vector<1x4x1000xf32>
    %slice3A_395 = vector.extract_strided_slice %add3A_390 {offsets = [4, 0, 0], sizes = [1, 4, 1000], strides = [1, 1, 1]} : vector<5x4x1000xf32> to vector<1x4x1000xf32>
    %add3A_396 = arith.addf %slice3A_394, %slice3A_395 : vector<1x4x1000xf32>
    %slice3A_397 = vector.extract_strided_slice %add3A_393 {offsets = [1, 0, 0], sizes = [1, 4, 1000], strides = [1, 1, 1]} : vector<2x4x1000xf32> to vector<1x4x1000xf32>
    %concatenate3A_398 = tpu.concatenate %add3A_396, %slice3A_397 in 0 : vector<1x4x1000xf32>, vector<1x4x1000xf32> -> vector<2x4x1000xf32>
    %slice3A_399 = vector.extract_strided_slice %concatenate3A_398 {offsets = [0, 0, 0], sizes = [1, 4, 1000], strides = [1, 1, 1]} : vector<2x4x1000xf32> to vector<1x4x1000xf32>
    %slice3A_400 = vector.extract_strided_slice %concatenate3A_398 {offsets = [1, 0, 0], sizes = [1, 4, 1000], strides = [1, 1, 1]} : vector<2x4x1000xf32> to vector<1x4x1000xf32>
    %add3A_401 = arith.addf %slice3A_399, %slice3A_400 : vector<1x4x1000xf32>
    %squeeze3A_402 = vector.shape_cast %add3A_401 : vector<1x4x1000xf32> to vector<4x1000xf32>
    %slice3A_403 = vector.extract_strided_slice %squeeze3A_402 {offsets = [0, 0], sizes = [1, 1000], strides = [1, 1]} : vector<4x1000xf32> to vector<1x1000xf32>
    %mul3A_404 = arith.constant 1.000000e-01 : f32
    %mul3A_405 = vector.broadcast %mul3A_404 : f32 to vector<1x1000xf32>
    %mul3A_406 = arith.mulf %slice3A_403, %mul3A_405 : vector<1x1000xf32>
    %slice3A_407 = vector.extract_strided_slice %squeeze3A_402 {offsets = [1, 0], sizes = [1, 1000], strides = [1, 1]} : vector<4x1000xf32> to vector<1x1000xf32>
    %mul3A_408 = arith.constant 1.000000e-01 : f32
    %mul3A_409 = vector.broadcast %mul3A_408 : f32 to vector<1x1000xf32>
    %mul3A_410 = arith.mulf %slice3A_407, %mul3A_409 : vector<1x1000xf32>
    %slice3A_411 = vector.extract_strided_slice %squeeze3A_402 {offsets = [2, 0], sizes = [1, 1000], strides = [1, 1]} : vector<4x1000xf32> to vector<1x1000xf32>
    %mul3A_412 = arith.constant 2.000000e-01 : f32
    %mul3A_413 = vector.broadcast %mul3A_412 : f32 to vector<1x1000xf32>
    %mul3A_414 = arith.mulf %slice3A_411, %mul3A_413 : vector<1x1000xf32>
    %slice3A_415 = vector.extract_strided_slice %squeeze3A_402 {offsets = [3, 0], sizes = [1, 1000], strides = [1, 1]} : vector<4x1000xf32> to vector<1x1000xf32>
    %mul3A_416 = arith.constant 2.000000e-01 : f32
    %mul3A_417 = vector.broadcast %mul3A_416 : f32 to vector<1x1000xf32>
    %mul3A_418 = arith.mulf %slice3A_415, %mul3A_417 : vector<1x1000xf32>
    %slice3A_419 = vector.extract_strided_slice %get3A_343 {offsets = [0, 0], sizes = [1, 1000], strides = [1, 1]} : vector<4x1000xf32> to vector<1x1000xf32>
    %slice3A_420 = vector.extract_strided_slice %get3A_343 {offsets = [1, 0], sizes = [1, 1000], strides = [1, 1]} : vector<4x1000xf32> to vector<1x1000xf32>
    %slice3A_421 = vector.extract_strided_slice %get3A_343 {offsets = [2, 0], sizes = [1, 1000], strides = [1, 1]} : vector<4x1000xf32> to vector<1x1000xf32>
    %slice3A_422 = vector.extract_strided_slice %get3A_343 {offsets = [3, 0], sizes = [1, 1000], strides = [1, 1]} : vector<4x1000xf32> to vector<1x1000xf32>
    %sub3A_423 = arith.subf %slice3A_421, %slice3A_419 : vector<1x1000xf32>
    %sub3A_424 = arith.subf %slice3A_422, %slice3A_420 : vector<1x1000xf32>
    %mul3A_425 = arith.constant 5.000000e-01 : f32
    %mul3A_426 = vector.broadcast %mul3A_425 : f32 to vector<1x1000xf32>
    %mul3A_427 = arith.mulf %mul3A_426, %sub3A_423 : vector<1x1000xf32>
    %add3A_428 = arith.addf %slice3A_419, %mul3A_427 : vector<1x1000xf32>
    %mul3A_429 = arith.constant 5.000000e-01 : f32
    %mul3A_430 = vector.broadcast %mul3A_429 : f32 to vector<1x1000xf32>
    %mul3A_431 = arith.mulf %mul3A_430, %sub3A_424 : vector<1x1000xf32>
    %add3A_432 = arith.addf %slice3A_420, %mul3A_431 : vector<1x1000xf32>
    %mul3A_433 = arith.mulf %mul3A_406, %sub3A_423 : vector<1x1000xf32>
    %add3A_434 = arith.addf %add3A_428, %mul3A_433 : vector<1x1000xf32>
    %mul3A_435 = arith.mulf %mul3A_410, %sub3A_424 : vector<1x1000xf32>
    %add3A_436 = arith.addf %add3A_432, %mul3A_435 : vector<1x1000xf32>
    %exp3A_437 = math.exp %mul3A_414 : vector<1x1000xf32>
    %mul3A_438 = arith.mulf %sub3A_423, %exp3A_437 : vector<1x1000xf32>
    %exp3A_439 = math.exp %mul3A_418 : vector<1x1000xf32>
    %mul3A_440 = arith.mulf %sub3A_424, %exp3A_439 : vector<1x1000xf32>
    %mul3A_441 = arith.constant 5.000000e-01 : f32
    %mul3A_442 = vector.broadcast %mul3A_441 : f32 to vector<1x1000xf32>
    %mul3A_443 = arith.mulf %mul3A_442, %mul3A_438 : vector<1x1000xf32>
    %sub3A_444 = arith.subf %add3A_434, %mul3A_443 : vector<1x1000xf32>
    %jit3A_445 = arith.constant 0.000000e+00 : f32
    %jit3A_446 = arith.constant 1.000000e+00 : f32
    %max3A_447 = vector.broadcast %jit3A_445 : f32 to vector<1x1000xf32>
    %max3A_448 = arith.maximumf %max3A_447, %sub3A_444 : vector<1x1000xf32>
    %min3A_449 = vector.broadcast %jit3A_446 : f32 to vector<1x1000xf32>
    %min3A_450 = arith.minimumf %min3A_449, %max3A_448 : vector<1x1000xf32>
    %mul3A_451 = arith.constant 5.000000e-01 : f32
    %mul3A_452 = vector.broadcast %mul3A_451 : f32 to vector<1x1000xf32>
    %mul3A_453 = arith.mulf %mul3A_452, %mul3A_440 : vector<1x1000xf32>
    %sub3A_454 = arith.subf %add3A_436, %mul3A_453 : vector<1x1000xf32>
    %jit3A_455 = arith.constant 0.000000e+00 : f32
    %jit3A_456 = arith.constant 1.000000e+00 : f32
    %max3A_457 = vector.broadcast %jit3A_455 : f32 to vector<1x1000xf32>
    %max3A_458 = arith.maximumf %max3A_457, %sub3A_454 : vector<1x1000xf32>
    %min3A_459 = vector.broadcast %jit3A_456 : f32 to vector<1x1000xf32>
    %min3A_460 = arith.minimumf %min3A_459, %max3A_458 : vector<1x1000xf32>
    %mul3A_461 = arith.constant 5.000000e-01 : f32
    %mul3A_462 = vector.broadcast %mul3A_461 : f32 to vector<1x1000xf32>
    %mul3A_463 = arith.mulf %mul3A_462, %mul3A_438 : vector<1x1000xf32>
    %add3A_464 = arith.addf %add3A_434, %mul3A_463 : vector<1x1000xf32>
    %jit3A_465 = arith.constant 0.000000e+00 : f32
    %jit3A_466 = arith.constant 1.000000e+00 : f32
    %max3A_467 = vector.broadcast %jit3A_465 : f32 to vector<1x1000xf32>
    %max3A_468 = arith.maximumf %max3A_467, %add3A_464 : vector<1x1000xf32>
    %min3A_469 = vector.broadcast %jit3A_466 : f32 to vector<1x1000xf32>
    %min3A_470 = arith.minimumf %min3A_469, %max3A_468 : vector<1x1000xf32>
    %mul3A_471 = arith.constant 5.000000e-01 : f32
    %mul3A_472 = vector.broadcast %mul3A_471 : f32 to vector<1x1000xf32>
    %mul3A_473 = arith.mulf %mul3A_472, %mul3A_440 : vector<1x1000xf32>
    %add3A_474 = arith.addf %add3A_436, %mul3A_473 : vector<1x1000xf32>
    %jit3A_475 = arith.constant 0.000000e+00 : f32
    %jit3A_476 = arith.constant 1.000000e+00 : f32
    %max3A_477 = vector.broadcast %jit3A_475 : f32 to vector<1x1000xf32>
    %max3A_478 = arith.maximumf %max3A_477, %add3A_474 : vector<1x1000xf32>
    %min3A_479 = vector.broadcast %jit3A_476 : f32 to vector<1x1000xf32>
    %min3A_480 = arith.minimumf %min3A_479, %max3A_478 : vector<1x1000xf32>
    %gt3A_481 = arith.constant 0 : i32
    %gt3A_482 = vector.broadcast %gt3A_481 : i32 to vector<1x1000xi32>
    %gt3A_483 = arith.cmpi sgt, %broadcast_in_dim3A_366, %gt3A_482 : vector<1x1000xi32>
    %ge3A_484 = arith.constant 0.699999988 : f32
    %ge3A_485 = vector.broadcast %ge3A_484 : f32 to vector<1x1000xf32>
    %ge3A_486 = arith.cmpf oge, %broadcast_in_dim3A_357, %ge3A_485 : vector<1x1000xf32>
    %and3A_487 = arith.andi %gt3A_483, %ge3A_486 : vector<1x1000xi1>
    %jit3A_488 = arith.constant -1.000000e+00 : f32
    %broadcast_in_dim3A_489 = vector.broadcast %jit3A_488 : f32 to vector<1x1000xf32>
    %select_n3A_490 = arith.select %and3A_487, %broadcast_in_dim3A_357, %broadcast_in_dim3A_489 : vector<1x1000xi1>, vector<1x1000xf32>
    %convert_element_type3A_491 = arith.sitofp %broadcast_in_dim3A_366 : vector<1x1000xi32> to vector<1x1000xf32>
    %broadcast_in_dim3A_492 = arith.constant -1.000000e+00 : f32
    %broadcast_in_dim3A_493 = vector.broadcast %broadcast_in_dim3A_492 : f32 to vector<24xf32>
    %broadcast_in_dim3A_494 = arith.constant 0.000000e+00 : f32
    %broadcast_in_dim3A_495 = vector.broadcast %broadcast_in_dim3A_494 : f32 to vector<24xf32>
    %reshape3A_496 = vector.shape_cast %select_n3A_490 : vector<1x1000xf32> to vector<1000xf32>
    %concatenate3A_497 = tpu.concatenate %reshape3A_496, %broadcast_in_dim3A_493 in 0 : vector<1000xf32>, vector<24xf32> -> vector<1024xf32>
    %swap3A_498 = arith.constant 2048 : index
    %swap3A_499 = vector.load %arg3[%swap3A_498] : memref<8192xf32, #tpu.memory_space<vmem>>, vector<1024xf32>
    tpu.vector_store %arg3[%swap3A_498], %concatenate3A_497 {strides = array<i32>} : memref<8192xf32, #tpu.memory_space<vmem>>, vector<1024xf32>,
    %reshape3A_500 = vector.shape_cast %min3A_450 : vector<1x1000xf32> to vector<1000xf32>
    %concatenate3A_501 = tpu.concatenate %reshape3A_500, %broadcast_in_dim3A_495 in 0 : vector<1000xf32>, vector<24xf32> -> vector<1024xf32>
    %swap3A_502 = arith.constant 2048 : index
    %swap3A_503 = vector.load %arg4[%swap3A_502] : memref<8192xf32, #tpu.memory_space<vmem>>, vector<1024xf32>
    tpu.vector_store %arg4[%swap3A_502], %concatenate3A_501 {strides = array<i32>} : memref<8192xf32, #tpu.memory_space<vmem>>, vector<1024xf32>,
    %reshape3A_504 = vector.shape_cast %min3A_460 : vector<1x1000xf32> to vector<1000xf32>
    %concatenate3A_505 = tpu.concatenate %reshape3A_504, %broadcast_in_dim3A_495 in 0 : vector<1000xf32>, vector<24xf32> -> vector<1024xf32>
    %swap3A_506 = arith.constant 2048 : index
    %swap3A_507 = vector.load %arg5[%swap3A_506] : memref<8192xf32, #tpu.memory_space<vmem>>, vector<1024xf32>
    tpu.vector_store %arg5[%swap3A_506], %concatenate3A_505 {strides = array<i32>} : memref<8192xf32, #tpu.memory_space<vmem>>, vector<1024xf32>,
    %reshape3A_508 = vector.shape_cast %min3A_470 : vector<1x1000xf32> to vector<1000xf32>
    %concatenate3A_509 = tpu.concatenate %reshape3A_508, %broadcast_in_dim3A_495 in 0 : vector<1000xf32>, vector<24xf32> -> vector<1024xf32>
    %swap3A_510 = arith.constant 2048 : index
    %swap3A_511 = vector.load %arg6[%swap3A_510] : memref<8192xf32, #tpu.memory_space<vmem>>, vector<1024xf32>
    tpu.vector_store %arg6[%swap3A_510], %concatenate3A_509 {strides = array<i32>} : memref<8192xf32, #tpu.memory_space<vmem>>, vector<1024xf32>,
    %reshape3A_512 = vector.shape_cast %min3A_480 : vector<1x1000xf32> to vector<1000xf32>
    %concatenate3A_513 = tpu.concatenate %reshape3A_512, %broadcast_in_dim3A_495 in 0 : vector<1000xf32>, vector<24xf32> -> vector<1024xf32>
    %swap3A_514 = arith.constant 2048 : index
    %swap3A_515 = vector.load %arg7[%swap3A_514] : memref<8192xf32, #tpu.memory_space<vmem>>, vector<1024xf32>
    tpu.vector_store %arg7[%swap3A_514], %concatenate3A_513 {strides = array<i32>} : memref<8192xf32, #tpu.memory_space<vmem>>, vector<1024xf32>,
    %reshape3A_516 = vector.shape_cast %convert_element_type3A_491 : vector<1x1000xf32> to vector<1000xf32>
    %concatenate3A_517 = tpu.concatenate %reshape3A_516, %broadcast_in_dim3A_495 in 0 : vector<1000xf32>, vector<24xf32> -> vector<1024xf32>
    %swap3A_518 = arith.constant 2048 : index
    %swap3A_519 = vector.load %arg8[%swap3A_518] : memref<8192xf32, #tpu.memory_space<vmem>>, vector<1024xf32>
    tpu.vector_store %arg8[%swap3A_518], %concatenate3A_517 {strides = array<i32>} : memref<8192xf32, #tpu.memory_space<vmem>>, vector<1024xf32>,
    %get3A_520 = arith.constant 3 : index
    %get3A_521 = arith.constant 0 : index
    %get3A_522 = arith.constant 0 : index
    %get3A_523 = vector.load %arg0[%get3A_520, %get3A_521, %get3A_522] : memref<8x4x1000xf32, #tpu.memory_space<vmem>>, vector<1x4x1000xf32>
    %get3A_524 = vector.shape_cast %get3A_523 : vector<1x4x1000xf32> to vector<4x1000xf32>
    %get3A_525 = arith.constant 0 : index
    %get3A_526 = arith.constant 3 : index
    %get3A_527 = arith.constant 0 : index
    %get3A_528 = vector.load %arg1[%get3A_525, %get3A_526, %get3A_527] : memref<81x8x1000xf32, #tpu.memory_space<vmem>>, vector<81x1x1000xf32>
    %get3A_529 = vector.shape_cast %get3A_528 : vector<81x1x1000xf32> to vector<81x1000xf32>
    %get3A_530 = arith.constant 3 : index
    %get3A_531 = arith.constant 0 : index
    %get3A_532 = arith.constant 0 : index
    %get3A_533 = arith.constant 0 : index
    %get3A_534 = vector.load %arg2[%get3A_530, %get3A_531, %get3A_532, %get3A_533] : memref<8x81x4x1000xf32, #tpu.memory_space<vmem>>, vector<1x81x4x1000xf32>
    %get3A_535 = vector.shape_cast %get3A_534 : vector<1x81x4x1000xf32> to vector<81x4x1000xf32>
    %reduce_max3A_536 = arith.constant dense<0xFF800000> : vector<1000xf32>
    %reduce_max3A_537 = vector.multi_reduction <maximumf>, %get3A_529, %reduce_max3A_536 [0] : vector<81x1000xf32> to vector<1000xf32>
    %broadcast_in_dim3A_538 = vector.shape_cast %reduce_max3A_537 : vector<1000xf32> to vector<1x1000xf32>
    %iota3A_539 = tpu.iota {dimensions = array<i32: 0>} : vector<81x1000xi32>
    %eq3A_540 = vector.broadcast %broadcast_in_dim3A_538 : vector<1x1000xf32> to vector<81x1000xf32>
    %eq3A_541 = arith.cmpf oeq, %get3A_529, %eq3A_540 : vector<81x1000xf32>
    %jit3A_542 = arith.constant 81 : i32
    %broadcast_in_dim3A_543 = vector.broadcast %jit3A_542 : i32 to vector<81x1000xi32>
    %select_n3A_544 = arith.select %eq3A_541, %iota3A_539, %broadcast_in_dim3A_543 : vector<81x1000xi1>, vector<81x1000xi32>
    %reduce_min3A_545 = arith.constant dense<2147483647> : vector<1000xi32>
    %reduce_min3A_546 = vector.multi_reduction <minsi>, %select_n3A_544, %reduce_min3A_545 [0] : vector<81x1000xi32> to vector<1000xi32>
    %broadcast_in_dim3A_547 = vector.shape_cast %reduce_min3A_546 : vector<1000xi32> to vector<1x1000xi32>
    %eq3A_548 = vector.broadcast %broadcast_in_dim3A_547 : vector<1x1000xi32> to vector<81x1000xi32>
    %eq3A_549 = arith.cmpi eq, %iota3A_539, %eq3A_548 : vector<81x1000xi32>
    %convert_element_type3A_550 = arith.extui %eq3A_549 : vector<81x1000xi1> to vector<81x1000xi32>
    %convert_element_type3A_551 = arith.sitofp %convert_element_type3A_550 : vector<81x1000xi32> to vector<81x1000xf32>
    %broadcast_in_dim3A_552 = vector.shape_cast %convert_element_type3A_551 : vector<81x1000xf32> to vector<81x1x1000xf32>
    %mul3A_553 = vector.broadcast %broadcast_in_dim3A_552 : vector<81x1x1000xf32> to vector<81x4x1000xf32>
    %mul3A_554 = arith.mulf %get3A_535, %mul3A_553 : vector<81x4x1000xf32>
    %slice3A_555 = vector.extract_strided_slice %mul3A_554 {offsets = [0, 0, 0], sizes = [40, 4, 1000], strides = [1, 1, 1]} : vector<81x4x1000xf32> to vector<40x4x1000xf32>
    %slice3A_556 = vector.extract_strided_slice %mul3A_554 {offsets = [40, 0, 0], sizes = [40, 4, 1000], strides = [1, 1, 1]} : vector<81x4x1000xf32> to vector<40x4x1000xf32>
    %add3A_557 = arith.addf %slice3A_555, %slice3A_556 : vector<40x4x1000xf32>
    %slice3A_558 = vector.extract_strided_slice %add3A_557 {offsets = [0, 0, 0], sizes = [1, 4, 1000], strides = [1, 1, 1]} : vector<40x4x1000xf32> to vector<1x4x1000xf32>
    %slice3A_559 = vector.extract_strided_slice %mul3A_554 {offsets = [80, 0, 0], sizes = [1, 4, 1000], strides = [1, 1, 1]} : vector<81x4x1000xf32> to vector<1x4x1000xf32>
    %add3A_560 = arith.addf %slice3A_558, %slice3A_559 : vector<1x4x1000xf32>
    %slice3A_561 = vector.extract_strided_slice %add3A_557 {offsets = [1, 0, 0], sizes = [39, 4, 1000], strides = [1, 1, 1]} : vector<40x4x1000xf32> to vector<39x4x1000xf32>
    %concatenate3A_562 = tpu.concatenate %add3A_560, %slice3A_561 in 0 : vector<1x4x1000xf32>, vector<39x4x1000xf32> -> vector<40x4x1000xf32>
    %slice3A_563 = vector.extract_strided_slice %concatenate3A_562 {offsets = [0, 0, 0], sizes = [20, 4, 1000], strides = [1, 1, 1]} : vector<40x4x1000xf32> to vector<20x4x1000xf32>
    %slice3A_564 = vector.extract_strided_slice %concatenate3A_562 {offsets = [20, 0, 0], sizes = [20, 4, 1000], strides = [1, 1, 1]} : vector<40x4x1000xf32> to vector<20x4x1000xf32>
    %add3A_565 = arith.addf %slice3A_563, %slice3A_564 : vector<20x4x1000xf32>
    %slice3A_566 = vector.extract_strided_slice %add3A_565 {offsets = [0, 0, 0], sizes = [10, 4, 1000], strides = [1, 1, 1]} : vector<20x4x1000xf32> to vector<10x4x1000xf32>
    %slice3A_567 = vector.extract_strided_slice %add3A_565 {offsets = [10, 0, 0], sizes = [10, 4, 1000], strides = [1, 1, 1]} : vector<20x4x1000xf32> to vector<10x4x1000xf32>
    %add3A_568 = arith.addf %slice3A_566, %slice3A_567 : vector<10x4x1000xf32>
    %slice3A_569 = vector.extract_strided_slice %add3A_568 {offsets = [0, 0, 0], sizes = [5, 4, 1000], strides = [1, 1, 1]} : vector<10x4x1000xf32> to vector<5x4x1000xf32>
    %slice3A_570 = vector.extract_strided_slice %add3A_568 {offsets = [5, 0, 0], sizes = [5, 4, 1000], strides = [1, 1, 1]} : vector<10x4x1000xf32> to vector<5x4x1000xf32>
    %add3A_571 = arith.addf %slice3A_569, %slice3A_570 : vector<5x4x1000xf32>
    %slice3A_572 = vector.extract_strided_slice %add3A_571 {offsets = [0, 0, 0], sizes = [2, 4, 1000], strides = [1, 1, 1]} : vector<5x4x1000xf32> to vector<2x4x1000xf32>
    %slice3A_573 = vector.extract_strided_slice %add3A_571 {offsets = [2, 0, 0], sizes = [2, 4, 1000], strides = [1, 1, 1]} : vector<5x4x1000xf32> to vector<2x4x1000xf32>
    %add3A_574 = arith.addf %slice3A_572, %slice3A_573 : vector<2x4x1000xf32>
    %slice3A_575 = vector.extract_strided_slice %add3A_574 {offsets = [0, 0, 0], sizes = [1, 4, 1000], strides = [1, 1, 1]} : vector<2x4x1000xf32> to vector<1x4x1000xf32>
    %slice3A_576 = vector.extract_strided_slice %add3A_571 {offsets = [4, 0, 0], sizes = [1, 4, 1000], strides = [1, 1, 1]} : vector<5x4x1000xf32> to vector<1x4x1000xf32>
    %add3A_577 = arith.addf %slice3A_575, %slice3A_576 : vector<1x4x1000xf32>
    %slice3A_578 = vector.extract_strided_slice %add3A_574 {offsets = [1, 0, 0], sizes = [1, 4, 1000], strides = [1, 1, 1]} : vector<2x4x1000xf32> to vector<1x4x1000xf32>
    %concatenate3A_579 = tpu.concatenate %add3A_577, %slice3A_578 in 0 : vector<1x4x1000xf32>, vector<1x4x1000xf32> -> vector<2x4x1000xf32>
    %slice3A_580 = vector.extract_strided_slice %concatenate3A_579 {offsets = [0, 0, 0], sizes = [1, 4, 1000], strides = [1, 1, 1]} : vector<2x4x1000xf32> to vector<1x4x1000xf32>
    %slice3A_581 = vector.extract_strided_slice %concatenate3A_579 {offsets = [1, 0, 0], sizes = [1, 4, 1000], strides = [1, 1, 1]} : vector<2x4x1000xf32> to vector<1x4x1000xf32>
    %add3A_582 = arith.addf %slice3A_580, %slice3A_581 : vector<1x4x1000xf32>
    %squeeze3A_583 = vector.shape_cast %add3A_582 : vector<1x4x1000xf32> to vector<4x1000xf32>
    %slice3A_584 = vector.extract_strided_slice %squeeze3A_583 {offsets = [0, 0], sizes = [1, 1000], strides = [1, 1]} : vector<4x1000xf32> to vector<1x1000xf32>
    %mul3A_585 = arith.constant 1.000000e-01 : f32
    %mul3A_586 = vector.broadcast %mul3A_585 : f32 to vector<1x1000xf32>
    %mul3A_587 = arith.mulf %slice3A_584, %mul3A_586 : vector<1x1000xf32>
    %slice3A_588 = vector.extract_strided_slice %squeeze3A_583 {offsets = [1, 0], sizes = [1, 1000], strides = [1, 1]} : vector<4x1000xf32> to vector<1x1000xf32>
    %mul3A_589 = arith.constant 1.000000e-01 : f32
    %mul3A_590 = vector.broadcast %mul3A_589 : f32 to vector<1x1000xf32>
    %mul3A_591 = arith.mulf %slice3A_588, %mul3A_590 : vector<1x1000xf32>
    %slice3A_592 = vector.extract_strided_slice %squeeze3A_583 {offsets = [2, 0], sizes = [1, 1000], strides = [1, 1]} : vector<4x1000xf32> to vector<1x1000xf32>
    %mul3A_593 = arith.constant 2.000000e-01 : f32
    %mul3A_594 = vector.broadcast %mul3A_593 : f32 to vector<1x1000xf32>
    %mul3A_595 = arith.mulf %slice3A_592, %mul3A_594 : vector<1x1000xf32>
    %slice3A_596 = vector.extract_strided_slice %squeeze3A_583 {offsets = [3, 0], sizes = [1, 1000], strides = [1, 1]} : vector<4x1000xf32> to vector<1x1000xf32>
    %mul3A_597 = arith.constant 2.000000e-01 : f32
    %mul3A_598 = vector.broadcast %mul3A_597 : f32 to vector<1x1000xf32>
    %mul3A_599 = arith.mulf %slice3A_596, %mul3A_598 : vector<1x1000xf32>
    %slice3A_600 = vector.extract_strided_slice %get3A_524 {offsets = [0, 0], sizes = [1, 1000], strides = [1, 1]} : vector<4x1000xf32> to vector<1x1000xf32>
    %slice3A_601 = vector.extract_strided_slice %get3A_524 {offsets = [1, 0], sizes = [1, 1000], strides = [1, 1]} : vector<4x1000xf32> to vector<1x1000xf32>
    %slice3A_602 = vector.extract_strided_slice %get3A_524 {offsets = [2, 0], sizes = [1, 1000], strides = [1, 1]} : vector<4x1000xf32> to vector<1x1000xf32>
    %slice3A_603 = vector.extract_strided_slice %get3A_524 {offsets = [3, 0], sizes = [1, 1000], strides = [1, 1]} : vector<4x1000xf32> to vector<1x1000xf32>
    %sub3A_604 = arith.subf %slice3A_602, %slice3A_600 : vector<1x1000xf32>
    %sub3A_605 = arith.subf %slice3A_603, %slice3A_601 : vector<1x1000xf32>
    %mul3A_606 = arith.constant 5.000000e-01 : f32
    %mul3A_607 = vector.broadcast %mul3A_606 : f32 to vector<1x1000xf32>
    %mul3A_608 = arith.mulf %mul3A_607, %sub3A_604 : vector<1x1000xf32>
    %add3A_609 = arith.addf %slice3A_600, %mul3A_608 : vector<1x1000xf32>
    %mul3A_610 = arith.constant 5.000000e-01 : f32
    %mul3A_611 = vector.broadcast %mul3A_610 : f32 to vector<1x1000xf32>
    %mul3A_612 = arith.mulf %mul3A_611, %sub3A_605 : vector<1x1000xf32>
    %add3A_613 = arith.addf %slice3A_601, %mul3A_612 : vector<1x1000xf32>
    %mul3A_614 = arith.mulf %mul3A_587, %sub3A_604 : vector<1x1000xf32>
    %add3A_615 = arith.addf %add3A_609, %mul3A_614 : vector<1x1000xf32>
    %mul3A_616 = arith.mulf %mul3A_591, %sub3A_605 : vector<1x1000xf32>
    %add3A_617 = arith.addf %add3A_613, %mul3A_616 : vector<1x1000xf32>
    %exp3A_618 = math.exp %mul3A_595 : vector<1x1000xf32>
    %mul3A_619 = arith.mulf %sub3A_604, %exp3A_618 : vector<1x1000xf32>
    %exp3A_620 = math.exp %mul3A_599 : vector<1x1000xf32>
    %mul3A_621 = arith.mulf %sub3A_605, %exp3A_620 : vector<1x1000xf32>
    %mul3A_622 = arith.constant 5.000000e-01 : f32
    %mul3A_623 = vector.broadcast %mul3A_622 : f32 to vector<1x1000xf32>
    %mul3A_624 = arith.mulf %mul3A_623, %mul3A_619 : vector<1x1000xf32>
    %sub3A_625 = arith.subf %add3A_615, %mul3A_624 : vector<1x1000xf32>
    %jit3A_626 = arith.constant 0.000000e+00 : f32
    %jit3A_627 = arith.constant 1.000000e+00 : f32
    %max3A_628 = vector.broadcast %jit3A_626 : f32 to vector<1x1000xf32>
    %max3A_629 = arith.maximumf %max3A_628, %sub3A_625 : vector<1x1000xf32>
    %min3A_630 = vector.broadcast %jit3A_627 : f32 to vector<1x1000xf32>
    %min3A_631 = arith.minimumf %min3A_630, %max3A_629 : vector<1x1000xf32>
    %mul3A_632 = arith.constant 5.000000e-01 : f32
    %mul3A_633 = vector.broadcast %mul3A_632 : f32 to vector<1x1000xf32>
    %mul3A_634 = arith.mulf %mul3A_633, %mul3A_621 : vector<1x1000xf32>
    %sub3A_635 = arith.subf %add3A_617, %mul3A_634 : vector<1x1000xf32>
    %jit3A_636 = arith.constant 0.000000e+00 : f32
    %jit3A_637 = arith.constant 1.000000e+00 : f32
    %max3A_638 = vector.broadcast %jit3A_636 : f32 to vector<1x1000xf32>
    %max3A_639 = arith.maximumf %max3A_638, %sub3A_635 : vector<1x1000xf32>
    %min3A_640 = vector.broadcast %jit3A_637 : f32 to vector<1x1000xf32>
    %min3A_641 = arith.minimumf %min3A_640, %max3A_639 : vector<1x1000xf32>
    %mul3A_642 = arith.constant 5.000000e-01 : f32
    %mul3A_643 = vector.broadcast %mul3A_642 : f32 to vector<1x1000xf32>
    %mul3A_644 = arith.mulf %mul3A_643, %mul3A_619 : vector<1x1000xf32>
    %add3A_645 = arith.addf %add3A_615, %mul3A_644 : vector<1x1000xf32>
    %jit3A_646 = arith.constant 0.000000e+00 : f32
    %jit3A_647 = arith.constant 1.000000e+00 : f32
    %max3A_648 = vector.broadcast %jit3A_646 : f32 to vector<1x1000xf32>
    %max3A_649 = arith.maximumf %max3A_648, %add3A_645 : vector<1x1000xf32>
    %min3A_650 = vector.broadcast %jit3A_647 : f32 to vector<1x1000xf32>
    %min3A_651 = arith.minimumf %min3A_650, %max3A_649 : vector<1x1000xf32>
    %mul3A_652 = arith.constant 5.000000e-01 : f32
    %mul3A_653 = vector.broadcast %mul3A_652 : f32 to vector<1x1000xf32>
    %mul3A_654 = arith.mulf %mul3A_653, %mul3A_621 : vector<1x1000xf32>
    %add3A_655 = arith.addf %add3A_617, %mul3A_654 : vector<1x1000xf32>
    %jit3A_656 = arith.constant 0.000000e+00 : f32
    %jit3A_657 = arith.constant 1.000000e+00 : f32
    %max3A_658 = vector.broadcast %jit3A_656 : f32 to vector<1x1000xf32>
    %max3A_659 = arith.maximumf %max3A_658, %add3A_655 : vector<1x1000xf32>
    %min3A_660 = vector.broadcast %jit3A_657 : f32 to vector<1x1000xf32>
    %min3A_661 = arith.minimumf %min3A_660, %max3A_659 : vector<1x1000xf32>
    %gt3A_662 = arith.constant 0 : i32
    %gt3A_663 = vector.broadcast %gt3A_662 : i32 to vector<1x1000xi32>
    %gt3A_664 = arith.cmpi sgt, %broadcast_in_dim3A_547, %gt3A_663 : vector<1x1000xi32>
    %ge3A_665 = arith.constant 0.699999988 : f32
    %ge3A_666 = vector.broadcast %ge3A_665 : f32 to vector<1x1000xf32>
    %ge3A_667 = arith.cmpf oge, %broadcast_in_dim3A_538, %ge3A_666 : vector<1x1000xf32>
    %and3A_668 = arith.andi %gt3A_664, %ge3A_667 : vector<1x1000xi1>
    %jit3A_669 = arith.constant -1.000000e+00 : f32
    %broadcast_in_dim3A_670 = vector.broadcast %jit3A_669 : f32 to vector<1x1000xf32>
    %select_n3A_671 = arith.select %and3A_668, %broadcast_in_dim3A_538, %broadcast_in_dim3A_670 : vector<1x1000xi1>, vector<1x1000xf32>
    %convert_element_type3A_672 = arith.sitofp %broadcast_in_dim3A_547 : vector<1x1000xi32> to vector<1x1000xf32>
    %broadcast_in_dim3A_673 = arith.constant -1.000000e+00 : f32
    %broadcast_in_dim3A_674 = vector.broadcast %broadcast_in_dim3A_673 : f32 to vector<24xf32>
    %broadcast_in_dim3A_675 = arith.constant 0.000000e+00 : f32
    %broadcast_in_dim3A_676 = vector.broadcast %broadcast_in_dim3A_675 : f32 to vector<24xf32>
    %reshape3A_677 = vector.shape_cast %select_n3A_671 : vector<1x1000xf32> to vector<1000xf32>
    %concatenate3A_678 = tpu.concatenate %reshape3A_677, %broadcast_in_dim3A_674 in 0 : vector<1000xf32>, vector<24xf32> -> vector<1024xf32>
    %swap3A_679 = arith.constant 3072 : index
    %swap3A_680 = vector.load %arg3[%swap3A_679] : memref<8192xf32, #tpu.memory_space<vmem>>, vector<1024xf32>
    tpu.vector_store %arg3[%swap3A_679], %concatenate3A_678 {strides = array<i32>} : memref<8192xf32, #tpu.memory_space<vmem>>, vector<1024xf32>,
    %reshape3A_681 = vector.shape_cast %min3A_631 : vector<1x1000xf32> to vector<1000xf32>
    %concatenate3A_682 = tpu.concatenate %reshape3A_681, %broadcast_in_dim3A_676 in 0 : vector<1000xf32>, vector<24xf32> -> vector<1024xf32>
    %swap3A_683 = arith.constant 3072 : index
    %swap3A_684 = vector.load %arg4[%swap3A_683] : memref<8192xf32, #tpu.memory_space<vmem>>, vector<1024xf32>
    tpu.vector_store %arg4[%swap3A_683], %concatenate3A_682 {strides = array<i32>} : memref<8192xf32, #tpu.memory_space<vmem>>, vector<1024xf32>,
    %reshape3A_685 = vector.shape_cast %min3A_641 : vector<1x1000xf32> to vector<1000xf32>
    %concatenate3A_686 = tpu.concatenate %reshape3A_685, %broadcast_in_dim3A_676 in 0 : vector<1000xf32>, vector<24xf32> -> vector<1024xf32>
    %swap3A_687 = arith.constant 3072 : index
    %swap3A_688 = vector.load %arg5[%swap3A_687] : memref<8192xf32, #tpu.memory_space<vmem>>, vector<1024xf32>
    tpu.vector_store %arg5[%swap3A_687], %concatenate3A_686 {strides = array<i32>} : memref<8192xf32, #tpu.memory_space<vmem>>, vector<1024xf32>,
    %reshape3A_689 = vector.shape_cast %min3A_651 : vector<1x1000xf32> to vector<1000xf32>
    %concatenate3A_690 = tpu.concatenate %reshape3A_689, %broadcast_in_dim3A_676 in 0 : vector<1000xf32>, vector<24xf32> -> vector<1024xf32>
    %swap3A_691 = arith.constant 3072 : index
    %swap3A_692 = vector.load %arg6[%swap3A_691] : memref<8192xf32, #tpu.memory_space<vmem>>, vector<1024xf32>
    tpu.vector_store %arg6[%swap3A_691], %concatenate3A_690 {strides = array<i32>} : memref<8192xf32, #tpu.memory_space<vmem>>, vector<1024xf32>,
    %reshape3A_693 = vector.shape_cast %min3A_661 : vector<1x1000xf32> to vector<1000xf32>
    %concatenate3A_694 = tpu.concatenate %reshape3A_693, %broadcast_in_dim3A_676 in 0 : vector<1000xf32>, vector<24xf32> -> vector<1024xf32>
    %swap3A_695 = arith.constant 3072 : index
    %swap3A_696 = vector.load %arg7[%swap3A_695] : memref<8192xf32, #tpu.memory_space<vmem>>, vector<1024xf32>
    tpu.vector_store %arg7[%swap3A_695], %concatenate3A_694 {strides = array<i32>} : memref<8192xf32, #tpu.memory_space<vmem>>, vector<1024xf32>,
    %reshape3A_697 = vector.shape_cast %convert_element_type3A_672 : vector<1x1000xf32> to vector<1000xf32>
    %concatenate3A_698 = tpu.concatenate %reshape3A_697, %broadcast_in_dim3A_676 in 0 : vector<1000xf32>, vector<24xf32> -> vector<1024xf32>
    %swap3A_699 = arith.constant 3072 : index
    %swap3A_700 = vector.load %arg8[%swap3A_699] : memref<8192xf32, #tpu.memory_space<vmem>>, vector<1024xf32>
    tpu.vector_store %arg8[%swap3A_699], %concatenate3A_698 {strides = array<i32>} : memref<8192xf32, #tpu.memory_space<vmem>>, vector<1024xf32>,
    %get3A_701 = arith.constant 4 : index
    %get3A_702 = arith.constant 0 : index
    %get3A_703 = arith.constant 0 : index
    %get3A_704 = vector.load %arg0[%get3A_701, %get3A_702, %get3A_703] : memref<8x4x1000xf32, #tpu.memory_space<vmem>>, vector<1x4x1000xf32>
    %get3A_705 = vector.shape_cast %get3A_704 : vector<1x4x1000xf32> to vector<4x1000xf32>
    %get3A_706 = arith.constant 0 : index
    %get3A_707 = arith.constant 4 : index
    %get3A_708 = arith.constant 0 : index
    %get3A_709 = vector.load %arg1[%get3A_706, %get3A_707, %get3A_708] : memref<81x8x1000xf32, #tpu.memory_space<vmem>>, vector<81x1x1000xf32>
    %get3A_710 = vector.shape_cast %get3A_709 : vector<81x1x1000xf32> to vector<81x1000xf32>
    %get3A_711 = arith.constant 4 : index
    %get3A_712 = arith.constant 0 : index
    %get3A_713 = arith.constant 0 : index
    %get3A_714 = arith.constant 0 : index
    %get3A_715 = vector.load %arg2[%get3A_711, %get3A_712, %get3A_713, %get3A_714] : memref<8x81x4x1000xf32, #tpu.memory_space<vmem>>, vector<1x81x4x1000xf32>
    %get3A_716 = vector.shape_cast %get3A_715 : vector<1x81x4x1000xf32> to vector<81x4x1000xf32>
    %reduce_max3A_717 = arith.constant dense<0xFF800000> : vector<1000xf32>
    %reduce_max3A_718 = vector.multi_reduction <maximumf>, %get3A_710, %reduce_max3A_717 [0] : vector<81x1000xf32> to vector<1000xf32>
    %broadcast_in_dim3A_719 = vector.shape_cast %reduce_max3A_718 : vector<1000xf32> to vector<1x1000xf32>
    %iota3A_720 = tpu.iota {dimensions = array<i32: 0>} : vector<81x1000xi32>
    %eq3A_721 = vector.broadcast %broadcast_in_dim3A_719 : vector<1x1000xf32> to vector<81x1000xf32>
    %eq3A_722 = arith.cmpf oeq, %get3A_710, %eq3A_721 : vector<81x1000xf32>
    %jit3A_723 = arith.constant 81 : i32
    %broadcast_in_dim3A_724 = vector.broadcast %jit3A_723 : i32 to vector<81x1000xi32>
    %select_n3A_725 = arith.select %eq3A_722, %iota3A_720, %broadcast_in_dim3A_724 : vector<81x1000xi1>, vector<81x1000xi32>
    %reduce_min3A_726 = arith.constant dense<2147483647> : vector<1000xi32>
    %reduce_min3A_727 = vector.multi_reduction <minsi>, %select_n3A_725, %reduce_min3A_726 [0] : vector<81x1000xi32> to vector<1000xi32>
    %broadcast_in_dim3A_728 = vector.shape_cast %reduce_min3A_727 : vector<1000xi32> to vector<1x1000xi32>
    %eq3A_729 = vector.broadcast %broadcast_in_dim3A_728 : vector<1x1000xi32> to vector<81x1000xi32>
    %eq3A_730 = arith.cmpi eq, %iota3A_720, %eq3A_729 : vector<81x1000xi32>
    %convert_element_type3A_731 = arith.extui %eq3A_730 : vector<81x1000xi1> to vector<81x1000xi32>
    %convert_element_type3A_732 = arith.sitofp %convert_element_type3A_731 : vector<81x1000xi32> to vector<81x1000xf32>
    %broadcast_in_dim3A_733 = vector.shape_cast %convert_element_type3A_732 : vector<81x1000xf32> to vector<81x1x1000xf32>
    %mul3A_734 = vector.broadcast %broadcast_in_dim3A_733 : vector<81x1x1000xf32> to vector<81x4x1000xf32>
    %mul3A_735 = arith.mulf %get3A_716, %mul3A_734 : vector<81x4x1000xf32>
    %slice3A_736 = vector.extract_strided_slice %mul3A_735 {offsets = [0, 0, 0], sizes = [40, 4, 1000], strides = [1, 1, 1]} : vector<81x4x1000xf32> to vector<40x4x1000xf32>
    %slice3A_737 = vector.extract_strided_slice %mul3A_735 {offsets = [40, 0, 0], sizes = [40, 4, 1000], strides = [1, 1, 1]} : vector<81x4x1000xf32> to vector<40x4x1000xf32>
    %add3A_738 = arith.addf %slice3A_736, %slice3A_737 : vector<40x4x1000xf32>
    %slice3A_739 = vector.extract_strided_slice %add3A_738 {offsets = [0, 0, 0], sizes = [1, 4, 1000], strides = [1, 1, 1]} : vector<40x4x1000xf32> to vector<1x4x1000xf32>
    %slice3A_740 = vector.extract_strided_slice %mul3A_735 {offsets = [80, 0, 0], sizes = [1, 4, 1000], strides = [1, 1, 1]} : vector<81x4x1000xf32> to vector<1x4x1000xf32>
    %add3A_741 = arith.addf %slice3A_739, %slice3A_740 : vector<1x4x1000xf32>
    %slice3A_742 = vector.extract_strided_slice %add3A_738 {offsets = [1, 0, 0], sizes = [39, 4, 1000], strides = [1, 1, 1]} : vector<40x4x1000xf32> to vector<39x4x1000xf32>
    %concatenate3A_743 = tpu.concatenate %add3A_741, %slice3A_742 in 0 : vector<1x4x1000xf32>, vector<39x4x1000xf32> -> vector<40x4x1000xf32>
    %slice3A_744 = vector.extract_strided_slice %concatenate3A_743 {offsets = [0, 0, 0], sizes = [20, 4, 1000], strides = [1, 1, 1]} : vector<40x4x1000xf32> to vector<20x4x1000xf32>
    %slice3A_745 = vector.extract_strided_slice %concatenate3A_743 {offsets = [20, 0, 0], sizes = [20, 4, 1000], strides = [1, 1, 1]} : vector<40x4x1000xf32> to vector<20x4x1000xf32>
    %add3A_746 = arith.addf %slice3A_744, %slice3A_745 : vector<20x4x1000xf32>
    %slice3A_747 = vector.extract_strided_slice %add3A_746 {offsets = [0, 0, 0], sizes = [10, 4, 1000], strides = [1, 1, 1]} : vector<20x4x1000xf32> to vector<10x4x1000xf32>
    %slice3A_748 = vector.extract_strided_slice %add3A_746 {offsets = [10, 0, 0], sizes = [10, 4, 1000], strides = [1, 1, 1]} : vector<20x4x1000xf32> to vector<10x4x1000xf32>
    %add3A_749 = arith.addf %slice3A_747, %slice3A_748 : vector<10x4x1000xf32>
    %slice3A_750 = vector.extract_strided_slice %add3A_749 {offsets = [0, 0, 0], sizes = [5, 4, 1000], strides = [1, 1, 1]} : vector<10x4x1000xf32> to vector<5x4x1000xf32>
    %slice3A_751 = vector.extract_strided_slice %add3A_749 {offsets = [5, 0, 0], sizes = [5, 4, 1000], strides = [1, 1, 1]} : vector<10x4x1000xf32> to vector<5x4x1000xf32>
    %add3A_752 = arith.addf %slice3A_750, %slice3A_751 : vector<5x4x1000xf32>
    %slice3A_753 = vector.extract_strided_slice %add3A_752 {offsets = [0, 0, 0], sizes = [2, 4, 1000], strides = [1, 1, 1]} : vector<5x4x1000xf32> to vector<2x4x1000xf32>
    %slice3A_754 = vector.extract_strided_slice %add3A_752 {offsets = [2, 0, 0], sizes = [2, 4, 1000], strides = [1, 1, 1]} : vector<5x4x1000xf32> to vector<2x4x1000xf32>
    %add3A_755 = arith.addf %slice3A_753, %slice3A_754 : vector<2x4x1000xf32>
    %slice3A_756 = vector.extract_strided_slice %add3A_755 {offsets = [0, 0, 0], sizes = [1, 4, 1000], strides = [1, 1, 1]} : vector<2x4x1000xf32> to vector<1x4x1000xf32>
    %slice3A_757 = vector.extract_strided_slice %add3A_752 {offsets = [4, 0, 0], sizes = [1, 4, 1000], strides = [1, 1, 1]} : vector<5x4x1000xf32> to vector<1x4x1000xf32>
    %add3A_758 = arith.addf %slice3A_756, %slice3A_757 : vector<1x4x1000xf32>
    %slice3A_759 = vector.extract_strided_slice %add3A_755 {offsets = [1, 0, 0], sizes = [1, 4, 1000], strides = [1, 1, 1]} : vector<2x4x1000xf32> to vector<1x4x1000xf32>
    %concatenate3A_760 = tpu.concatenate %add3A_758, %slice3A_759 in 0 : vector<1x4x1000xf32>, vector<1x4x1000xf32> -> vector<2x4x1000xf32>
    %slice3A_761 = vector.extract_strided_slice %concatenate3A_760 {offsets = [0, 0, 0], sizes = [1, 4, 1000], strides = [1, 1, 1]} : vector<2x4x1000xf32> to vector<1x4x1000xf32>
    %slice3A_762 = vector.extract_strided_slice %concatenate3A_760 {offsets = [1, 0, 0], sizes = [1, 4, 1000], strides = [1, 1, 1]} : vector<2x4x1000xf32> to vector<1x4x1000xf32>
    %add3A_763 = arith.addf %slice3A_761, %slice3A_762 : vector<1x4x1000xf32>
    %squeeze3A_764 = vector.shape_cast %add3A_763 : vector<1x4x1000xf32> to vector<4x1000xf32>
    %slice3A_765 = vector.extract_strided_slice %squeeze3A_764 {offsets = [0, 0], sizes = [1, 1000], strides = [1, 1]} : vector<4x1000xf32> to vector<1x1000xf32>
    %mul3A_766 = arith.constant 1.000000e-01 : f32
    %mul3A_767 = vector.broadcast %mul3A_766 : f32 to vector<1x1000xf32>
    %mul3A_768 = arith.mulf %slice3A_765, %mul3A_767 : vector<1x1000xf32>
    %slice3A_769 = vector.extract_strided_slice %squeeze3A_764 {offsets = [1, 0], sizes = [1, 1000], strides = [1, 1]} : vector<4x1000xf32> to vector<1x1000xf32>
    %mul3A_770 = arith.constant 1.000000e-01 : f32
    %mul3A_771 = vector.broadcast %mul3A_770 : f32 to vector<1x1000xf32>
    %mul3A_772 = arith.mulf %slice3A_769, %mul3A_771 : vector<1x1000xf32>
    %slice3A_773 = vector.extract_strided_slice %squeeze3A_764 {offsets = [2, 0], sizes = [1, 1000], strides = [1, 1]} : vector<4x1000xf32> to vector<1x1000xf32>
    %mul3A_774 = arith.constant 2.000000e-01 : f32
    %mul3A_775 = vector.broadcast %mul3A_774 : f32 to vector<1x1000xf32>
    %mul3A_776 = arith.mulf %slice3A_773, %mul3A_775 : vector<1x1000xf32>
    %slice3A_777 = vector.extract_strided_slice %squeeze3A_764 {offsets = [3, 0], sizes = [1, 1000], strides = [1, 1]} : vector<4x1000xf32> to vector<1x1000xf32>
    %mul3A_778 = arith.constant 2.000000e-01 : f32
    %mul3A_779 = vector.broadcast %mul3A_778 : f32 to vector<1x1000xf32>
    %mul3A_780 = arith.mulf %slice3A_777, %mul3A_779 : vector<1x1000xf32>
    %slice3A_781 = vector.extract_strided_slice %get3A_705 {offsets = [0, 0], sizes = [1, 1000], strides = [1, 1]} : vector<4x1000xf32> to vector<1x1000xf32>
    %slice3A_782 = vector.extract_strided_slice %get3A_705 {offsets = [1, 0], sizes = [1, 1000], strides = [1, 1]} : vector<4x1000xf32> to vector<1x1000xf32>
    %slice3A_783 = vector.extract_strided_slice %get3A_705 {offsets = [2, 0], sizes = [1, 1000], strides = [1, 1]} : vector<4x1000xf32> to vector<1x1000xf32>
    %slice3A_784 = vector.extract_strided_slice %get3A_705 {offsets = [3, 0], sizes = [1, 1000], strides = [1, 1]} : vector<4x1000xf32> to vector<1x1000xf32>
    %sub3A_785 = arith.subf %slice3A_783, %slice3A_781 : vector<1x1000xf32>
    %sub3A_786 = arith.subf %slice3A_784, %slice3A_782 : vector<1x1000xf32>
    %mul3A_787 = arith.constant 5.000000e-01 : f32
    %mul3A_788 = vector.broadcast %mul3A_787 : f32 to vector<1x1000xf32>
    %mul3A_789 = arith.mulf %mul3A_788, %sub3A_785 : vector<1x1000xf32>
    %add3A_790 = arith.addf %slice3A_781, %mul3A_789 : vector<1x1000xf32>
    %mul3A_791 = arith.constant 5.000000e-01 : f32
    %mul3A_792 = vector.broadcast %mul3A_791 : f32 to vector<1x1000xf32>
    %mul3A_793 = arith.mulf %mul3A_792, %sub3A_786 : vector<1x1000xf32>
    %add3A_794 = arith.addf %slice3A_782, %mul3A_793 : vector<1x1000xf32>
    %mul3A_795 = arith.mulf %mul3A_768, %sub3A_785 : vector<1x1000xf32>
    %add3A_796 = arith.addf %add3A_790, %mul3A_795 : vector<1x1000xf32>
    %mul3A_797 = arith.mulf %mul3A_772, %sub3A_786 : vector<1x1000xf32>
    %add3A_798 = arith.addf %add3A_794, %mul3A_797 : vector<1x1000xf32>
    %exp3A_799 = math.exp %mul3A_776 : vector<1x1000xf32>
    %mul3A_800 = arith.mulf %sub3A_785, %exp3A_799 : vector<1x1000xf32>
    %exp3A_801 = math.exp %mul3A_780 : vector<1x1000xf32>
    %mul3A_802 = arith.mulf %sub3A_786, %exp3A_801 : vector<1x1000xf32>
    %mul3A_803 = arith.constant 5.000000e-01 : f32
    %mul3A_804 = vector.broadcast %mul3A_803 : f32 to vector<1x1000xf32>
    %mul3A_805 = arith.mulf %mul3A_804, %mul3A_800 : vector<1x1000xf32>
    %sub3A_806 = arith.subf %add3A_796, %mul3A_805 : vector<1x1000xf32>
    %jit3A_807 = arith.constant 0.000000e+00 : f32
    %jit3A_808 = arith.constant 1.000000e+00 : f32
    %max3A_809 = vector.broadcast %jit3A_807 : f32 to vector<1x1000xf32>
    %max3A_810 = arith.maximumf %max3A_809, %sub3A_806 : vector<1x1000xf32>
    %min3A_811 = vector.broadcast %jit3A_808 : f32 to vector<1x1000xf32>
    %min3A_812 = arith.minimumf %min3A_811, %max3A_810 : vector<1x1000xf32>
    %mul3A_813 = arith.constant 5.000000e-01 : f32
    %mul3A_814 = vector.broadcast %mul3A_813 : f32 to vector<1x1000xf32>
    %mul3A_815 = arith.mulf %mul3A_814, %mul3A_802 : vector<1x1000xf32>
    %sub3A_816 = arith.subf %add3A_798, %mul3A_815 : vector<1x1000xf32>
    %jit3A_817 = arith.constant 0.000000e+00 : f32
    %jit3A_818 = arith.constant 1.000000e+00 : f32
    %max3A_819 = vector.broadcast %jit3A_817 : f32 to vector<1x1000xf32>
    %max3A_820 = arith.maximumf %max3A_819, %sub3A_816 : vector<1x1000xf32>
    %min3A_821 = vector.broadcast %jit3A_818 : f32 to vector<1x1000xf32>
    %min3A_822 = arith.minimumf %min3A_821, %max3A_820 : vector<1x1000xf32>
    %mul3A_823 = arith.constant 5.000000e-01 : f32
    %mul3A_824 = vector.broadcast %mul3A_823 : f32 to vector<1x1000xf32>
    %mul3A_825 = arith.mulf %mul3A_824, %mul3A_800 : vector<1x1000xf32>
    %add3A_826 = arith.addf %add3A_796, %mul3A_825 : vector<1x1000xf32>
    %jit3A_827 = arith.constant 0.000000e+00 : f32
    %jit3A_828 = arith.constant 1.000000e+00 : f32
    %max3A_829 = vector.broadcast %jit3A_827 : f32 to vector<1x1000xf32>
    %max3A_830 = arith.maximumf %max3A_829, %add3A_826 : vector<1x1000xf32>
    %min3A_831 = vector.broadcast %jit3A_828 : f32 to vector<1x1000xf32>
    %min3A_832 = arith.minimumf %min3A_831, %max3A_830 : vector<1x1000xf32>
    %mul3A_833 = arith.constant 5.000000e-01 : f32
    %mul3A_834 = vector.broadcast %mul3A_833 : f32 to vector<1x1000xf32>
    %mul3A_835 = arith.mulf %mul3A_834, %mul3A_802 : vector<1x1000xf32>
    %add3A_836 = arith.addf %add3A_798, %mul3A_835 : vector<1x1000xf32>
    %jit3A_837 = arith.constant 0.000000e+00 : f32
    %jit3A_838 = arith.constant 1.000000e+00 : f32
    %max3A_839 = vector.broadcast %jit3A_837 : f32 to vector<1x1000xf32>
    %max3A_840 = arith.maximumf %max3A_839, %add3A_836 : vector<1x1000xf32>
    %min3A_841 = vector.broadcast %jit3A_838 : f32 to vector<1x1000xf32>
    %min3A_842 = arith.minimumf %min3A_841, %max3A_840 : vector<1x1000xf32>
    %gt3A_843 = arith.constant 0 : i32
    %gt3A_844 = vector.broadcast %gt3A_843 : i32 to vector<1x1000xi32>
    %gt3A_845 = arith.cmpi sgt, %broadcast_in_dim3A_728, %gt3A_844 : vector<1x1000xi32>
    %ge3A_846 = arith.constant 0.699999988 : f32
    %ge3A_847 = vector.broadcast %ge3A_846 : f32 to vector<1x1000xf32>
    %ge3A_848 = arith.cmpf oge, %broadcast_in_dim3A_719, %ge3A_847 : vector<1x1000xf32>
    %and3A_849 = arith.andi %gt3A_845, %ge3A_848 : vector<1x1000xi1>
    %jit3A_850 = arith.constant -1.000000e+00 : f32
    %broadcast_in_dim3A_851 = vector.broadcast %jit3A_850 : f32 to vector<1x1000xf32>
    %select_n3A_852 = arith.select %and3A_849, %broadcast_in_dim3A_719, %broadcast_in_dim3A_851 : vector<1x1000xi1>, vector<1x1000xf32>
    %convert_element_type3A_853 = arith.sitofp %broadcast_in_dim3A_728 : vector<1x1000xi32> to vector<1x1000xf32>
    %broadcast_in_dim3A_854 = arith.constant -1.000000e+00 : f32
    %broadcast_in_dim3A_855 = vector.broadcast %broadcast_in_dim3A_854 : f32 to vector<24xf32>
    %broadcast_in_dim3A_856 = arith.constant 0.000000e+00 : f32
    %broadcast_in_dim3A_857 = vector.broadcast %broadcast_in_dim3A_856 : f32 to vector<24xf32>
    %reshape3A_858 = vector.shape_cast %select_n3A_852 : vector<1x1000xf32> to vector<1000xf32>
    %concatenate3A_859 = tpu.concatenate %reshape3A_858, %broadcast_in_dim3A_855 in 0 : vector<1000xf32>, vector<24xf32> -> vector<1024xf32>
    %swap3A_860 = arith.constant 4096 : index
    %swap3A_861 = vector.load %arg3[%swap3A_860] : memref<8192xf32, #tpu.memory_space<vmem>>, vector<1024xf32>
    tpu.vector_store %arg3[%swap3A_860], %concatenate3A_859 {strides = array<i32>} : memref<8192xf32, #tpu.memory_space<vmem>>, vector<1024xf32>,
    %reshape3A_862 = vector.shape_cast %min3A_812 : vector<1x1000xf32> to vector<1000xf32>
    %concatenate3A_863 = tpu.concatenate %reshape3A_862, %broadcast_in_dim3A_857 in 0 : vector<1000xf32>, vector<24xf32> -> vector<1024xf32>
    %swap3A_864 = arith.constant 4096 : index
    %swap3A_865 = vector.load %arg4[%swap3A_864] : memref<8192xf32, #tpu.memory_space<vmem>>, vector<1024xf32>
    tpu.vector_store %arg4[%swap3A_864], %concatenate3A_863 {strides = array<i32>} : memref<8192xf32, #tpu.memory_space<vmem>>, vector<1024xf32>,
    %reshape3A_866 = vector.shape_cast %min3A_822 : vector<1x1000xf32> to vector<1000xf32>
    %concatenate3A_867 = tpu.concatenate %reshape3A_866, %broadcast_in_dim3A_857 in 0 : vector<1000xf32>, vector<24xf32> -> vector<1024xf32>
    %swap3A_868 = arith.constant 4096 : index
    %swap3A_869 = vector.load %arg5[%swap3A_868] : memref<8192xf32, #tpu.memory_space<vmem>>, vector<1024xf32>
    tpu.vector_store %arg5[%swap3A_868], %concatenate3A_867 {strides = array<i32>} : memref<8192xf32, #tpu.memory_space<vmem>>, vector<1024xf32>,
    %reshape3A_870 = vector.shape_cast %min3A_832 : vector<1x1000xf32> to vector<1000xf32>
    %concatenate3A_871 = tpu.concatenate %reshape3A_870, %broadcast_in_dim3A_857 in 0 : vector<1000xf32>, vector<24xf32> -> vector<1024xf32>
    %swap3A_872 = arith.constant 4096 : index
    %swap3A_873 = vector.load %arg6[%swap3A_872] : memref<8192xf32, #tpu.memory_space<vmem>>, vector<1024xf32>
    tpu.vector_store %arg6[%swap3A_872], %concatenate3A_871 {strides = array<i32>} : memref<8192xf32, #tpu.memory_space<vmem>>, vector<1024xf32>,
    %reshape3A_874 = vector.shape_cast %min3A_842 : vector<1x1000xf32> to vector<1000xf32>
    %concatenate3A_875 = tpu.concatenate %reshape3A_874, %broadcast_in_dim3A_857 in 0 : vector<1000xf32>, vector<24xf32> -> vector<1024xf32>
    %swap3A_876 = arith.constant 4096 : index
    %swap3A_877 = vector.load %arg7[%swap3A_876] : memref<8192xf32, #tpu.memory_space<vmem>>, vector<1024xf32>
    tpu.vector_store %arg7[%swap3A_876], %concatenate3A_875 {strides = array<i32>} : memref<8192xf32, #tpu.memory_space<vmem>>, vector<1024xf32>,
    %reshape3A_878 = vector.shape_cast %convert_element_type3A_853 : vector<1x1000xf32> to vector<1000xf32>
    %concatenate3A_879 = tpu.concatenate %reshape3A_878, %broadcast_in_dim3A_857 in 0 : vector<1000xf32>, vector<24xf32> -> vector<1024xf32>
    %swap3A_880 = arith.constant 4096 : index
    %swap3A_881 = vector.load %arg8[%swap3A_880] : memref<8192xf32, #tpu.memory_space<vmem>>, vector<1024xf32>
    tpu.vector_store %arg8[%swap3A_880], %concatenate3A_879 {strides = array<i32>} : memref<8192xf32, #tpu.memory_space<vmem>>, vector<1024xf32>,
    %get3A_882 = arith.constant 5 : index
    %get3A_883 = arith.constant 0 : index
    %get3A_884 = arith.constant 0 : index
    %get3A_885 = vector.load %arg0[%get3A_882, %get3A_883, %get3A_884] : memref<8x4x1000xf32, #tpu.memory_space<vmem>>, vector<1x4x1000xf32>
    %get3A_886 = vector.shape_cast %get3A_885 : vector<1x4x1000xf32> to vector<4x1000xf32>
    %get3A_887 = arith.constant 0 : index
    %get3A_888 = arith.constant 5 : index
    %get3A_889 = arith.constant 0 : index
    %get3A_890 = vector.load %arg1[%get3A_887, %get3A_888, %get3A_889] : memref<81x8x1000xf32, #tpu.memory_space<vmem>>, vector<81x1x1000xf32>
    %get3A_891 = vector.shape_cast %get3A_890 : vector<81x1x1000xf32> to vector<81x1000xf32>
    %get3A_892 = arith.constant 5 : index
    %get3A_893 = arith.constant 0 : index
    %get3A_894 = arith.constant 0 : index
    %get3A_895 = arith.constant 0 : index
    %get3A_896 = vector.load %arg2[%get3A_892, %get3A_893, %get3A_894, %get3A_895] : memref<8x81x4x1000xf32, #tpu.memory_space<vmem>>, vector<1x81x4x1000xf32>
    %get3A_897 = vector.shape_cast %get3A_896 : vector<1x81x4x1000xf32> to vector<81x4x1000xf32>
    %reduce_max3A_898 = arith.constant dense<0xFF800000> : vector<1000xf32>
    %reduce_max3A_899 = vector.multi_reduction <maximumf>, %get3A_891, %reduce_max3A_898 [0] : vector<81x1000xf32> to vector<1000xf32>
    %broadcast_in_dim3A_900 = vector.shape_cast %reduce_max3A_899 : vector<1000xf32> to vector<1x1000xf32>
    %iota3A_901 = tpu.iota {dimensions = array<i32: 0>} : vector<81x1000xi32>
    %eq3A_902 = vector.broadcast %broadcast_in_dim3A_900 : vector<1x1000xf32> to vector<81x1000xf32>
    %eq3A_903 = arith.cmpf oeq, %get3A_891, %eq3A_902 : vector<81x1000xf32>
    %jit3A_904 = arith.constant 81 : i32
    %broadcast_in_dim3A_905 = vector.broadcast %jit3A_904 : i32 to vector<81x1000xi32>
    %select_n3A_906 = arith.select %eq3A_903, %iota3A_901, %broadcast_in_dim3A_905 : vector<81x1000xi1>, vector<81x1000xi32>
    %reduce_min3A_907 = arith.constant dense<2147483647> : vector<1000xi32>
    %reduce_min3A_908 = vector.multi_reduction <minsi>, %select_n3A_906, %reduce_min3A_907 [0] : vector<81x1000xi32> to vector<1000xi32>
    %broadcast_in_dim3A_909 = vector.shape_cast %reduce_min3A_908 : vector<1000xi32> to vector<1x1000xi32>
    %eq3A_910 = vector.broadcast %broadcast_in_dim3A_909 : vector<1x1000xi32> to vector<81x1000xi32>
    %eq3A_911 = arith.cmpi eq, %iota3A_901, %eq3A_910 : vector<81x1000xi32>
    %convert_element_type3A_912 = arith.extui %eq3A_911 : vector<81x1000xi1> to vector<81x1000xi32>
    %convert_element_type3A_913 = arith.sitofp %convert_element_type3A_912 : vector<81x1000xi32> to vector<81x1000xf32>
    %broadcast_in_dim3A_914 = vector.shape_cast %convert_element_type3A_913 : vector<81x1000xf32> to vector<81x1x1000xf32>
    %mul3A_915 = vector.broadcast %broadcast_in_dim3A_914 : vector<81x1x1000xf32> to vector<81x4x1000xf32>
    %mul3A_916 = arith.mulf %get3A_897, %mul3A_915 : vector<81x4x1000xf32>
    %slice3A_917 = vector.extract_strided_slice %mul3A_916 {offsets = [0, 0, 0], sizes = [40, 4, 1000], strides = [1, 1, 1]} : vector<81x4x1000xf32> to vector<40x4x1000xf32>
    %slice3A_918 = vector.extract_strided_slice %mul3A_916 {offsets = [40, 0, 0], sizes = [40, 4, 1000], strides = [1, 1, 1]} : vector<81x4x1000xf32> to vector<40x4x1000xf32>
    %add3A_919 = arith.addf %slice3A_917, %slice3A_918 : vector<40x4x1000xf32>
    %slice3A_920 = vector.extract_strided_slice %add3A_919 {offsets = [0, 0, 0], sizes = [1, 4, 1000], strides = [1, 1, 1]} : vector<40x4x1000xf32> to vector<1x4x1000xf32>
    %slice3A_921 = vector.extract_strided_slice %mul3A_916 {offsets = [80, 0, 0], sizes = [1, 4, 1000], strides = [1, 1, 1]} : vector<81x4x1000xf32> to vector<1x4x1000xf32>
    %add3A_922 = arith.addf %slice3A_920, %slice3A_921 : vector<1x4x1000xf32>
    %slice3A_923 = vector.extract_strided_slice %add3A_919 {offsets = [1, 0, 0], sizes = [39, 4, 1000], strides = [1, 1, 1]} : vector<40x4x1000xf32> to vector<39x4x1000xf32>
    %concatenate3A_924 = tpu.concatenate %add3A_922, %slice3A_923 in 0 : vector<1x4x1000xf32>, vector<39x4x1000xf32> -> vector<40x4x1000xf32>
    %slice3A_925 = vector.extract_strided_slice %concatenate3A_924 {offsets = [0, 0, 0], sizes = [20, 4, 1000], strides = [1, 1, 1]} : vector<40x4x1000xf32> to vector<20x4x1000xf32>
    %slice3A_926 = vector.extract_strided_slice %concatenate3A_924 {offsets = [20, 0, 0], sizes = [20, 4, 1000], strides = [1, 1, 1]} : vector<40x4x1000xf32> to vector<20x4x1000xf32>
    %add3A_927 = arith.addf %slice3A_925, %slice3A_926 : vector<20x4x1000xf32>
    %slice3A_928 = vector.extract_strided_slice %add3A_927 {offsets = [0, 0, 0], sizes = [10, 4, 1000], strides = [1, 1, 1]} : vector<20x4x1000xf32> to vector<10x4x1000xf32>
    %slice3A_929 = vector.extract_strided_slice %add3A_927 {offsets = [10, 0, 0], sizes = [10, 4, 1000], strides = [1, 1, 1]} : vector<20x4x1000xf32> to vector<10x4x1000xf32>
    %add3A_930 = arith.addf %slice3A_928, %slice3A_929 : vector<10x4x1000xf32>
    %slice3A_931 = vector.extract_strided_slice %add3A_930 {offsets = [0, 0, 0], sizes = [5, 4, 1000], strides = [1, 1, 1]} : vector<10x4x1000xf32> to vector<5x4x1000xf32>
    %slice3A_932 = vector.extract_strided_slice %add3A_930 {offsets = [5, 0, 0], sizes = [5, 4, 1000], strides = [1, 1, 1]} : vector<10x4x1000xf32> to vector<5x4x1000xf32>
    %add3A_933 = arith.addf %slice3A_931, %slice3A_932 : vector<5x4x1000xf32>
    %slice3A_934 = vector.extract_strided_slice %add3A_933 {offsets = [0, 0, 0], sizes = [2, 4, 1000], strides = [1, 1, 1]} : vector<5x4x1000xf32> to vector<2x4x1000xf32>
    %slice3A_935 = vector.extract_strided_slice %add3A_933 {offsets = [2, 0, 0], sizes = [2, 4, 1000], strides = [1, 1, 1]} : vector<5x4x1000xf32> to vector<2x4x1000xf32>
    %add3A_936 = arith.addf %slice3A_934, %slice3A_935 : vector<2x4x1000xf32>
    %slice3A_937 = vector.extract_strided_slice %add3A_936 {offsets = [0, 0, 0], sizes = [1, 4, 1000], strides = [1, 1, 1]} : vector<2x4x1000xf32> to vector<1x4x1000xf32>
    %slice3A_938 = vector.extract_strided_slice %add3A_933 {offsets = [4, 0, 0], sizes = [1, 4, 1000], strides = [1, 1, 1]} : vector<5x4x1000xf32> to vector<1x4x1000xf32>
    %add3A_939 = arith.addf %slice3A_937, %slice3A_938 : vector<1x4x1000xf32>
    %slice3A_940 = vector.extract_strided_slice %add3A_936 {offsets = [1, 0, 0], sizes = [1, 4, 1000], strides = [1, 1, 1]} : vector<2x4x1000xf32> to vector<1x4x1000xf32>
    %concatenate3A_941 = tpu.concatenate %add3A_939, %slice3A_940 in 0 : vector<1x4x1000xf32>, vector<1x4x1000xf32> -> vector<2x4x1000xf32>
    %slice3A_942 = vector.extract_strided_slice %concatenate3A_941 {offsets = [0, 0, 0], sizes = [1, 4, 1000], strides = [1, 1, 1]} : vector<2x4x1000xf32> to vector<1x4x1000xf32>
    %slice3A_943 = vector.extract_strided_slice %concatenate3A_941 {offsets = [1, 0, 0], sizes = [1, 4, 1000], strides = [1, 1, 1]} : vector<2x4x1000xf32> to vector<1x4x1000xf32>
    %add3A_944 = arith.addf %slice3A_942, %slice3A_943 : vector<1x4x1000xf32>
    %squeeze3A_945 = vector.shape_cast %add3A_944 : vector<1x4x1000xf32> to vector<4x1000xf32>
    %slice3A_946 = vector.extract_strided_slice %squeeze3A_945 {offsets = [0, 0], sizes = [1, 1000], strides = [1, 1]} : vector<4x1000xf32> to vector<1x1000xf32>
    %mul3A_947 = arith.constant 1.000000e-01 : f32
    %mul3A_948 = vector.broadcast %mul3A_947 : f32 to vector<1x1000xf32>
    %mul3A_949 = arith.mulf %slice3A_946, %mul3A_948 : vector<1x1000xf32>
    %slice3A_950 = vector.extract_strided_slice %squeeze3A_945 {offsets = [1, 0], sizes = [1, 1000], strides = [1, 1]} : vector<4x1000xf32> to vector<1x1000xf32>
    %mul3A_951 = arith.constant 1.000000e-01 : f32
    %mul3A_952 = vector.broadcast %mul3A_951 : f32 to vector<1x1000xf32>
    %mul3A_953 = arith.mulf %slice3A_950, %mul3A_952 : vector<1x1000xf32>
    %slice3A_954 = vector.extract_strided_slice %squeeze3A_945 {offsets = [2, 0], sizes = [1, 1000], strides = [1, 1]} : vector<4x1000xf32> to vector<1x1000xf32>
    %mul3A_955 = arith.constant 2.000000e-01 : f32
    %mul3A_956 = vector.broadcast %mul3A_955 : f32 to vector<1x1000xf32>
    %mul3A_957 = arith.mulf %slice3A_954, %mul3A_956 : vector<1x1000xf32>
    %slice3A_958 = vector.extract_strided_slice %squeeze3A_945 {offsets = [3, 0], sizes = [1, 1000], strides = [1, 1]} : vector<4x1000xf32> to vector<1x1000xf32>
    %mul3A_959 = arith.constant 2.000000e-01 : f32
    %mul3A_960 = vector.broadcast %mul3A_959 : f32 to vector<1x1000xf32>
    %mul3A_961 = arith.mulf %slice3A_958, %mul3A_960 : vector<1x1000xf32>
    %slice3A_962 = vector.extract_strided_slice %get3A_886 {offsets = [0, 0], sizes = [1, 1000], strides = [1, 1]} : vector<4x1000xf32> to vector<1x1000xf32>
    %slice3A_963 = vector.extract_strided_slice %get3A_886 {offsets = [1, 0], sizes = [1, 1000], strides = [1, 1]} : vector<4x1000xf32> to vector<1x1000xf32>
    %slice3A_964 = vector.extract_strided_slice %get3A_886 {offsets = [2, 0], sizes = [1, 1000], strides = [1, 1]} : vector<4x1000xf32> to vector<1x1000xf32>
    %slice3A_965 = vector.extract_strided_slice %get3A_886 {offsets = [3, 0], sizes = [1, 1000], strides = [1, 1]} : vector<4x1000xf32> to vector<1x1000xf32>
    %sub3A_966 = arith.subf %slice3A_964, %slice3A_962 : vector<1x1000xf32>
    %sub3A_967 = arith.subf %slice3A_965, %slice3A_963 : vector<1x1000xf32>
    %mul3A_968 = arith.constant 5.000000e-01 : f32
    %mul3A_969 = vector.broadcast %mul3A_968 : f32 to vector<1x1000xf32>
    %mul3A_970 = arith.mulf %mul3A_969, %sub3A_966 : vector<1x1000xf32>
    %add3A_971 = arith.addf %slice3A_962, %mul3A_970 : vector<1x1000xf32>
    %mul3A_972 = arith.constant 5.000000e-01 : f32
    %mul3A_973 = vector.broadcast %mul3A_972 : f32 to vector<1x1000xf32>
    %mul3A_974 = arith.mulf %mul3A_973, %sub3A_967 : vector<1x1000xf32>
    %add3A_975 = arith.addf %slice3A_963, %mul3A_974 : vector<1x1000xf32>
    %mul3A_976 = arith.mulf %mul3A_949, %sub3A_966 : vector<1x1000xf32>
    %add3A_977 = arith.addf %add3A_971, %mul3A_976 : vector<1x1000xf32>
    %mul3A_978 = arith.mulf %mul3A_953, %sub3A_967 : vector<1x1000xf32>
    %add3A_979 = arith.addf %add3A_975, %mul3A_978 : vector<1x1000xf32>
    %exp3A_980 = math.exp %mul3A_957 : vector<1x1000xf32>
    %mul3A_981 = arith.mulf %sub3A_966, %exp3A_980 : vector<1x1000xf32>
    %exp3A_982 = math.exp %mul3A_961 : vector<1x1000xf32>
    %mul3A_983 = arith.mulf %sub3A_967, %exp3A_982 : vector<1x1000xf32>
    %mul3A_984 = arith.constant 5.000000e-01 : f32
    %mul3A_985 = vector.broadcast %mul3A_984 : f32 to vector<1x1000xf32>
    %mul3A_986 = arith.mulf %mul3A_985, %mul3A_981 : vector<1x1000xf32>
    %sub3A_987 = arith.subf %add3A_977, %mul3A_986 : vector<1x1000xf32>
    %jit3A_988 = arith.constant 0.000000e+00 : f32
    %jit3A_989 = arith.constant 1.000000e+00 : f32
    %max3A_990 = vector.broadcast %jit3A_988 : f32 to vector<1x1000xf32>
    %max3A_991 = arith.maximumf %max3A_990, %sub3A_987 : vector<1x1000xf32>
    %min3A_992 = vector.broadcast %jit3A_989 : f32 to vector<1x1000xf32>
    %min3A_993 = arith.minimumf %min3A_992, %max3A_991 : vector<1x1000xf32>
    %mul3A_994 = arith.constant 5.000000e-01 : f32
    %mul3A_995 = vector.broadcast %mul3A_994 : f32 to vector<1x1000xf32>
    %mul3A_996 = arith.mulf %mul3A_995, %mul3A_983 : vector<1x1000xf32>
    %sub3A_997 = arith.subf %add3A_979, %mul3A_996 : vector<1x1000xf32>
    %jit3A_998 = arith.constant 0.000000e+00 : f32
    %jit3A_999 = arith.constant 1.000000e+00 : f32
    %max3A_1000 = vector.broadcast %jit3A_998 : f32 to vector<1x1000xf32>
    %max3A_1001 = arith.maximumf %max3A_1000, %sub3A_997 : vector<1x1000xf32>
    %min3A_1002 = vector.broadcast %jit3A_999 : f32 to vector<1x1000xf32>
    %min3A_1003 = arith.minimumf %min3A_1002, %max3A_1001 : vector<1x1000xf32>
    %mul3A_1004 = arith.constant 5.000000e-01 : f32
    %mul3A_1005 = vector.broadcast %mul3A_1004 : f32 to vector<1x1000xf32>
    %mul3A_1006 = arith.mulf %mul3A_1005, %mul3A_981 : vector<1x1000xf32>
    %add3A_1007 = arith.addf %add3A_977, %mul3A_1006 : vector<1x1000xf32>
    %jit3A_1008 = arith.constant 0.000000e+00 : f32
    %jit3A_1009 = arith.constant 1.000000e+00 : f32
    %max3A_1010 = vector.broadcast %jit3A_1008 : f32 to vector<1x1000xf32>
    %max3A_1011 = arith.maximumf %max3A_1010, %add3A_1007 : vector<1x1000xf32>
    %min3A_1012 = vector.broadcast %jit3A_1009 : f32 to vector<1x1000xf32>
    %min3A_1013 = arith.minimumf %min3A_1012, %max3A_1011 : vector<1x1000xf32>
    %mul3A_1014 = arith.constant 5.000000e-01 : f32
    %mul3A_1015 = vector.broadcast %mul3A_1014 : f32 to vector<1x1000xf32>
    %mul3A_1016 = arith.mulf %mul3A_1015, %mul3A_983 : vector<1x1000xf32>
    %add3A_1017 = arith.addf %add3A_979, %mul3A_1016 : vector<1x1000xf32>
    %jit3A_1018 = arith.constant 0.000000e+00 : f32
    %jit3A_1019 = arith.constant 1.000000e+00 : f32
    %max3A_1020 = vector.broadcast %jit3A_1018 : f32 to vector<1x1000xf32>
    %max3A_1021 = arith.maximumf %max3A_1020, %add3A_1017 : vector<1x1000xf32>
    %min3A_1022 = vector.broadcast %jit3A_1019 : f32 to vector<1x1000xf32>
    %min3A_1023 = arith.minimumf %min3A_1022, %max3A_1021 : vector<1x1000xf32>
    %gt3A_1024 = arith.constant 0 : i32
    %gt3A_1025 = vector.broadcast %gt3A_1024 : i32 to vector<1x1000xi32>
    %gt3A_1026 = arith.cmpi sgt, %broadcast_in_dim3A_909, %gt3A_1025 : vector<1x1000xi32>
    %ge3A_1027 = arith.constant 0.699999988 : f32
    %ge3A_1028 = vector.broadcast %ge3A_1027 : f32 to vector<1x1000xf32>
    %ge3A_1029 = arith.cmpf oge, %broadcast_in_dim3A_900, %ge3A_1028 : vector<1x1000xf32>
    %and3A_1030 = arith.andi %gt3A_1026, %ge3A_1029 : vector<1x1000xi1>
    %jit3A_1031 = arith.constant -1.000000e+00 : f32
    %broadcast_in_dim3A_1032 = vector.broadcast %jit3A_1031 : f32 to vector<1x1000xf32>
    %select_n3A_1033 = arith.select %and3A_1030, %broadcast_in_dim3A_900, %broadcast_in_dim3A_1032 : vector<1x1000xi1>, vector<1x1000xf32>
    %convert_element_type3A_1034 = arith.sitofp %broadcast_in_dim3A_909 : vector<1x1000xi32> to vector<1x1000xf32>
    %broadcast_in_dim3A_1035 = arith.constant -1.000000e+00 : f32
    %broadcast_in_dim3A_1036 = vector.broadcast %broadcast_in_dim3A_1035 : f32 to vector<24xf32>
    %broadcast_in_dim3A_1037 = arith.constant 0.000000e+00 : f32
    %broadcast_in_dim3A_1038 = vector.broadcast %broadcast_in_dim3A_1037 : f32 to vector<24xf32>
    %reshape3A_1039 = vector.shape_cast %select_n3A_1033 : vector<1x1000xf32> to vector<1000xf32>
    %concatenate3A_1040 = tpu.concatenate %reshape3A_1039, %broadcast_in_dim3A_1036 in 0 : vector<1000xf32>, vector<24xf32> -> vector<1024xf32>
    %swap3A_1041 = arith.constant 5120 : index
    %swap3A_1042 = vector.load %arg3[%swap3A_1041] : memref<8192xf32, #tpu.memory_space<vmem>>, vector<1024xf32>
    tpu.vector_store %arg3[%swap3A_1041], %concatenate3A_1040 {strides = array<i32>} : memref<8192xf32, #tpu.memory_space<vmem>>, vector<1024xf32>,
    %reshape3A_1043 = vector.shape_cast %min3A_993 : vector<1x1000xf32> to vector<1000xf32>
    %concatenate3A_1044 = tpu.concatenate %reshape3A_1043, %broadcast_in_dim3A_1038 in 0 : vector<1000xf32>, vector<24xf32> -> vector<1024xf32>
    %swap3A_1045 = arith.constant 5120 : index
    %swap3A_1046 = vector.load %arg4[%swap3A_1045] : memref<8192xf32, #tpu.memory_space<vmem>>, vector<1024xf32>
    tpu.vector_store %arg4[%swap3A_1045], %concatenate3A_1044 {strides = array<i32>} : memref<8192xf32, #tpu.memory_space<vmem>>, vector<1024xf32>,
    %reshape3A_1047 = vector.shape_cast %min3A_1003 : vector<1x1000xf32> to vector<1000xf32>
    %concatenate3A_1048 = tpu.concatenate %reshape3A_1047, %broadcast_in_dim3A_1038 in 0 : vector<1000xf32>, vector<24xf32> -> vector<1024xf32>
    %swap3A_1049 = arith.constant 5120 : index
    %swap3A_1050 = vector.load %arg5[%swap3A_1049] : memref<8192xf32, #tpu.memory_space<vmem>>, vector<1024xf32>
    tpu.vector_store %arg5[%swap3A_1049], %concatenate3A_1048 {strides = array<i32>} : memref<8192xf32, #tpu.memory_space<vmem>>, vector<1024xf32>,
    %reshape3A_1051 = vector.shape_cast %min3A_1013 : vector<1x1000xf32> to vector<1000xf32>
    %concatenate3A_1052 = tpu.concatenate %reshape3A_1051, %broadcast_in_dim3A_1038 in 0 : vector<1000xf32>, vector<24xf32> -> vector<1024xf32>
    %swap3A_1053 = arith.constant 5120 : index
    %swap3A_1054 = vector.load %arg6[%swap3A_1053] : memref<8192xf32, #tpu.memory_space<vmem>>, vector<1024xf32>
    tpu.vector_store %arg6[%swap3A_1053], %concatenate3A_1052 {strides = array<i32>} : memref<8192xf32, #tpu.memory_space<vmem>>, vector<1024xf32>,
    %reshape3A_1055 = vector.shape_cast %min3A_1023 : vector<1x1000xf32> to vector<1000xf32>
    %concatenate3A_1056 = tpu.concatenate %reshape3A_1055, %broadcast_in_dim3A_1038 in 0 : vector<1000xf32>, vector<24xf32> -> vector<1024xf32>
    %swap3A_1057 = arith.constant 5120 : index
    %swap3A_1058 = vector.load %arg7[%swap3A_1057] : memref<8192xf32, #tpu.memory_space<vmem>>, vector<1024xf32>
    tpu.vector_store %arg7[%swap3A_1057], %concatenate3A_1056 {strides = array<i32>} : memref<8192xf32, #tpu.memory_space<vmem>>, vector<1024xf32>,
    %reshape3A_1059 = vector.shape_cast %convert_element_type3A_1034 : vector<1x1000xf32> to vector<1000xf32>
    %concatenate3A_1060 = tpu.concatenate %reshape3A_1059, %broadcast_in_dim3A_1038 in 0 : vector<1000xf32>, vector<24xf32> -> vector<1024xf32>
    %swap3A_1061 = arith.constant 5120 : index
    %swap3A_1062 = vector.load %arg8[%swap3A_1061] : memref<8192xf32, #tpu.memory_space<vmem>>, vector<1024xf32>
    tpu.vector_store %arg8[%swap3A_1061], %concatenate3A_1060 {strides = array<i32>} : memref<8192xf32, #tpu.memory_space<vmem>>, vector<1024xf32>,
    %get3A_1063 = arith.constant 6 : index
    %get3A_1064 = arith.constant 0 : index
    %get3A_1065 = arith.constant 0 : index
    %get3A_1066 = vector.load %arg0[%get3A_1063, %get3A_1064, %get3A_1065] : memref<8x4x1000xf32, #tpu.memory_space<vmem>>, vector<1x4x1000xf32>
    %get3A_1067 = vector.shape_cast %get3A_1066 : vector<1x4x1000xf32> to vector<4x1000xf32>
    %get3A_1068 = arith.constant 0 : index
    %get3A_1069 = arith.constant 6 : index
    %get3A_1070 = arith.constant 0 : index
    %get3A_1071 = vector.load %arg1[%get3A_1068, %get3A_1069, %get3A_1070] : memref<81x8x1000xf32, #tpu.memory_space<vmem>>, vector<81x1x1000xf32>
    %get3A_1072 = vector.shape_cast %get3A_1071 : vector<81x1x1000xf32> to vector<81x1000xf32>
    %get3A_1073 = arith.constant 6 : index
    %get3A_1074 = arith.constant 0 : index
    %get3A_1075 = arith.constant 0 : index
    %get3A_1076 = arith.constant 0 : index
    %get3A_1077 = vector.load %arg2[%get3A_1073, %get3A_1074, %get3A_1075, %get3A_1076] : memref<8x81x4x1000xf32, #tpu.memory_space<vmem>>, vector<1x81x4x1000xf32>
    %get3A_1078 = vector.shape_cast %get3A_1077 : vector<1x81x4x1000xf32> to vector<81x4x1000xf32>
    %reduce_max3A_1079 = arith.constant dense<0xFF800000> : vector<1000xf32>
    %reduce_max3A_1080 = vector.multi_reduction <maximumf>, %get3A_1072, %reduce_max3A_1079 [0] : vector<81x1000xf32> to vector<1000xf32>
    %broadcast_in_dim3A_1081 = vector.shape_cast %reduce_max3A_1080 : vector<1000xf32> to vector<1x1000xf32>
    %iota3A_1082 = tpu.iota {dimensions = array<i32: 0>} : vector<81x1000xi32>
    %eq3A_1083 = vector.broadcast %broadcast_in_dim3A_1081 : vector<1x1000xf32> to vector<81x1000xf32>
    %eq3A_1084 = arith.cmpf oeq, %get3A_1072, %eq3A_1083 : vector<81x1000xf32>
    %jit3A_1085 = arith.constant 81 : i32
    %broadcast_in_dim3A_1086 = vector.broadcast %jit3A_1085 : i32 to vector<81x1000xi32>
    %select_n3A_1087 = arith.select %eq3A_1084, %iota3A_1082, %broadcast_in_dim3A_1086 : vector<81x1000xi1>, vector<81x1000xi32>
    %reduce_min3A_1088 = arith.constant dense<2147483647> : vector<1000xi32>
    %reduce_min3A_1089 = vector.multi_reduction <minsi>, %select_n3A_1087, %reduce_min3A_1088 [0] : vector<81x1000xi32> to vector<1000xi32>
    %broadcast_in_dim3A_1090 = vector.shape_cast %reduce_min3A_1089 : vector<1000xi32> to vector<1x1000xi32>
    %eq3A_1091 = vector.broadcast %broadcast_in_dim3A_1090 : vector<1x1000xi32> to vector<81x1000xi32>
    %eq3A_1092 = arith.cmpi eq, %iota3A_1082, %eq3A_1091 : vector<81x1000xi32>
    %convert_element_type3A_1093 = arith.extui %eq3A_1092 : vector<81x1000xi1> to vector<81x1000xi32>
    %convert_element_type3A_1094 = arith.sitofp %convert_element_type3A_1093 : vector<81x1000xi32> to vector<81x1000xf32>
    %broadcast_in_dim3A_1095 = vector.shape_cast %convert_element_type3A_1094 : vector<81x1000xf32> to vector<81x1x1000xf32>
    %mul3A_1096 = vector.broadcast %broadcast_in_dim3A_1095 : vector<81x1x1000xf32> to vector<81x4x1000xf32>
    %mul3A_1097 = arith.mulf %get3A_1078, %mul3A_1096 : vector<81x4x1000xf32>
    %slice3A_1098 = vector.extract_strided_slice %mul3A_1097 {offsets = [0, 0, 0], sizes = [40, 4, 1000], strides = [1, 1, 1]} : vector<81x4x1000xf32> to vector<40x4x1000xf32>
    %slice3A_1099 = vector.extract_strided_slice %mul3A_1097 {offsets = [40, 0, 0], sizes = [40, 4, 1000], strides = [1, 1, 1]} : vector<81x4x1000xf32> to vector<40x4x1000xf32>
    %add3A_1100 = arith.addf %slice3A_1098, %slice3A_1099 : vector<40x4x1000xf32>
    %slice3A_1101 = vector.extract_strided_slice %add3A_1100 {offsets = [0, 0, 0], sizes = [1, 4, 1000], strides = [1, 1, 1]} : vector<40x4x1000xf32> to vector<1x4x1000xf32>
    %slice3A_1102 = vector.extract_strided_slice %mul3A_1097 {offsets = [80, 0, 0], sizes = [1, 4, 1000], strides = [1, 1, 1]} : vector<81x4x1000xf32> to vector<1x4x1000xf32>
    %add3A_1103 = arith.addf %slice3A_1101, %slice3A_1102 : vector<1x4x1000xf32>
    %slice3A_1104 = vector.extract_strided_slice %add3A_1100 {offsets = [1, 0, 0], sizes = [39, 4, 1000], strides = [1, 1, 1]} : vector<40x4x1000xf32> to vector<39x4x1000xf32>
    %concatenate3A_1105 = tpu.concatenate %add3A_1103, %slice3A_1104 in 0 : vector<1x4x1000xf32>, vector<39x4x1000xf32> -> vector<40x4x1000xf32>
    %slice3A_1106 = vector.extract_strided_slice %concatenate3A_1105 {offsets = [0, 0, 0], sizes = [20, 4, 1000], strides = [1, 1, 1]} : vector<40x4x1000xf32> to vector<20x4x1000xf32>
    %slice3A_1107 = vector.extract_strided_slice %concatenate3A_1105 {offsets = [20, 0, 0], sizes = [20, 4, 1000], strides = [1, 1, 1]} : vector<40x4x1000xf32> to vector<20x4x1000xf32>
    %add3A_1108 = arith.addf %slice3A_1106, %slice3A_1107 : vector<20x4x1000xf32>
    %slice3A_1109 = vector.extract_strided_slice %add3A_1108 {offsets = [0, 0, 0], sizes = [10, 4, 1000], strides = [1, 1, 1]} : vector<20x4x1000xf32> to vector<10x4x1000xf32>
    %slice3A_1110 = vector.extract_strided_slice %add3A_1108 {offsets = [10, 0, 0], sizes = [10, 4, 1000], strides = [1, 1, 1]} : vector<20x4x1000xf32> to vector<10x4x1000xf32>
    %add3A_1111 = arith.addf %slice3A_1109, %slice3A_1110 : vector<10x4x1000xf32>
    %slice3A_1112 = vector.extract_strided_slice %add3A_1111 {offsets = [0, 0, 0], sizes = [5, 4, 1000], strides = [1, 1, 1]} : vector<10x4x1000xf32> to vector<5x4x1000xf32>
    %slice3A_1113 = vector.extract_strided_slice %add3A_1111 {offsets = [5, 0, 0], sizes = [5, 4, 1000], strides = [1, 1, 1]} : vector<10x4x1000xf32> to vector<5x4x1000xf32>
    %add3A_1114 = arith.addf %slice3A_1112, %slice3A_1113 : vector<5x4x1000xf32>
    %slice3A_1115 = vector.extract_strided_slice %add3A_1114 {offsets = [0, 0, 0], sizes = [2, 4, 1000], strides = [1, 1, 1]} : vector<5x4x1000xf32> to vector<2x4x1000xf32>
    %slice3A_1116 = vector.extract_strided_slice %add3A_1114 {offsets = [2, 0, 0], sizes = [2, 4, 1000], strides = [1, 1, 1]} : vector<5x4x1000xf32> to vector<2x4x1000xf32>
    %add3A_1117 = arith.addf %slice3A_1115, %slice3A_1116 : vector<2x4x1000xf32>
    %slice3A_1118 = vector.extract_strided_slice %add3A_1117 {offsets = [0, 0, 0], sizes = [1, 4, 1000], strides = [1, 1, 1]} : vector<2x4x1000xf32> to vector<1x4x1000xf32>
    %slice3A_1119 = vector.extract_strided_slice %add3A_1114 {offsets = [4, 0, 0], sizes = [1, 4, 1000], strides = [1, 1, 1]} : vector<5x4x1000xf32> to vector<1x4x1000xf32>
    %add3A_1120 = arith.addf %slice3A_1118, %slice3A_1119 : vector<1x4x1000xf32>
    %slice3A_1121 = vector.extract_strided_slice %add3A_1117 {offsets = [1, 0, 0], sizes = [1, 4, 1000], strides = [1, 1, 1]} : vector<2x4x1000xf32> to vector<1x4x1000xf32>
    %concatenate3A_1122 = tpu.concatenate %add3A_1120, %slice3A_1121 in 0 : vector<1x4x1000xf32>, vector<1x4x1000xf32> -> vector<2x4x1000xf32>
    %slice3A_1123 = vector.extract_strided_slice %concatenate3A_1122 {offsets = [0, 0, 0], sizes = [1, 4, 1000], strides = [1, 1, 1]} : vector<2x4x1000xf32> to vector<1x4x1000xf32>
    %slice3A_1124 = vector.extract_strided_slice %concatenate3A_1122 {offsets = [1, 0, 0], sizes = [1, 4, 1000], strides = [1, 1, 1]} : vector<2x4x1000xf32> to vector<1x4x1000xf32>
    %add3A_1125 = arith.addf %slice3A_1123, %slice3A_1124 : vector<1x4x1000xf32>
    %squeeze3A_1126 = vector.shape_cast %add3A_1125 : vector<1x4x1000xf32> to vector<4x1000xf32>
    %slice3A_1127 = vector.extract_strided_slice %squeeze3A_1126 {offsets = [0, 0], sizes = [1, 1000], strides = [1, 1]} : vector<4x1000xf32> to vector<1x1000xf32>
    %mul3A_1128 = arith.constant 1.000000e-01 : f32
    %mul3A_1129 = vector.broadcast %mul3A_1128 : f32 to vector<1x1000xf32>
    %mul3A_1130 = arith.mulf %slice3A_1127, %mul3A_1129 : vector<1x1000xf32>
    %slice3A_1131 = vector.extract_strided_slice %squeeze3A_1126 {offsets = [1, 0], sizes = [1, 1000], strides = [1, 1]} : vector<4x1000xf32> to vector<1x1000xf32>
    %mul3A_1132 = arith.constant 1.000000e-01 : f32
    %mul3A_1133 = vector.broadcast %mul3A_1132 : f32 to vector<1x1000xf32>
    %mul3A_1134 = arith.mulf %slice3A_1131, %mul3A_1133 : vector<1x1000xf32>
    %slice3A_1135 = vector.extract_strided_slice %squeeze3A_1126 {offsets = [2, 0], sizes = [1, 1000], strides = [1, 1]} : vector<4x1000xf32> to vector<1x1000xf32>
    %mul3A_1136 = arith.constant 2.000000e-01 : f32
    %mul3A_1137 = vector.broadcast %mul3A_1136 : f32 to vector<1x1000xf32>
    %mul3A_1138 = arith.mulf %slice3A_1135, %mul3A_1137 : vector<1x1000xf32>
    %slice3A_1139 = vector.extract_strided_slice %squeeze3A_1126 {offsets = [3, 0], sizes = [1, 1000], strides = [1, 1]} : vector<4x1000xf32> to vector<1x1000xf32>
    %mul3A_1140 = arith.constant 2.000000e-01 : f32
    %mul3A_1141 = vector.broadcast %mul3A_1140 : f32 to vector<1x1000xf32>
    %mul3A_1142 = arith.mulf %slice3A_1139, %mul3A_1141 : vector<1x1000xf32>
    %slice3A_1143 = vector.extract_strided_slice %get3A_1067 {offsets = [0, 0], sizes = [1, 1000], strides = [1, 1]} : vector<4x1000xf32> to vector<1x1000xf32>
    %slice3A_1144 = vector.extract_strided_slice %get3A_1067 {offsets = [1, 0], sizes = [1, 1000], strides = [1, 1]} : vector<4x1000xf32> to vector<1x1000xf32>
    %slice3A_1145 = vector.extract_strided_slice %get3A_1067 {offsets = [2, 0], sizes = [1, 1000], strides = [1, 1]} : vector<4x1000xf32> to vector<1x1000xf32>
    %slice3A_1146 = vector.extract_strided_slice %get3A_1067 {offsets = [3, 0], sizes = [1, 1000], strides = [1, 1]} : vector<4x1000xf32> to vector<1x1000xf32>
    %sub3A_1147 = arith.subf %slice3A_1145, %slice3A_1143 : vector<1x1000xf32>
    %sub3A_1148 = arith.subf %slice3A_1146, %slice3A_1144 : vector<1x1000xf32>
    %mul3A_1149 = arith.constant 5.000000e-01 : f32
    %mul3A_1150 = vector.broadcast %mul3A_1149 : f32 to vector<1x1000xf32>
    %mul3A_1151 = arith.mulf %mul3A_1150, %sub3A_1147 : vector<1x1000xf32>
    %add3A_1152 = arith.addf %slice3A_1143, %mul3A_1151 : vector<1x1000xf32>
    %mul3A_1153 = arith.constant 5.000000e-01 : f32
    %mul3A_1154 = vector.broadcast %mul3A_1153 : f32 to vector<1x1000xf32>
    %mul3A_1155 = arith.mulf %mul3A_1154, %sub3A_1148 : vector<1x1000xf32>
    %add3A_1156 = arith.addf %slice3A_1144, %mul3A_1155 : vector<1x1000xf32>
    %mul3A_1157 = arith.mulf %mul3A_1130, %sub3A_1147 : vector<1x1000xf32>
    %add3A_1158 = arith.addf %add3A_1152, %mul3A_1157 : vector<1x1000xf32>
    %mul3A_1159 = arith.mulf %mul3A_1134, %sub3A_1148 : vector<1x1000xf32>
    %add3A_1160 = arith.addf %add3A_1156, %mul3A_1159 : vector<1x1000xf32>
    %exp3A_1161 = math.exp %mul3A_1138 : vector<1x1000xf32>
    %mul3A_1162 = arith.mulf %sub3A_1147, %exp3A_1161 : vector<1x1000xf32>
    %exp3A_1163 = math.exp %mul3A_1142 : vector<1x1000xf32>
    %mul3A_1164 = arith.mulf %sub3A_1148, %exp3A_1163 : vector<1x1000xf32>
    %mul3A_1165 = arith.constant 5.000000e-01 : f32
    %mul3A_1166 = vector.broadcast %mul3A_1165 : f32 to vector<1x1000xf32>
    %mul3A_1167 = arith.mulf %mul3A_1166, %mul3A_1162 : vector<1x1000xf32>
    %sub3A_1168 = arith.subf %add3A_1158, %mul3A_1167 : vector<1x1000xf32>
    %jit3A_1169 = arith.constant 0.000000e+00 : f32
    %jit3A_1170 = arith.constant 1.000000e+00 : f32
    %max3A_1171 = vector.broadcast %jit3A_1169 : f32 to vector<1x1000xf32>
    %max3A_1172 = arith.maximumf %max3A_1171, %sub3A_1168 : vector<1x1000xf32>
    %min3A_1173 = vector.broadcast %jit3A_1170 : f32 to vector<1x1000xf32>
    %min3A_1174 = arith.minimumf %min3A_1173, %max3A_1172 : vector<1x1000xf32>
    %mul3A_1175 = arith.constant 5.000000e-01 : f32
    %mul3A_1176 = vector.broadcast %mul3A_1175 : f32 to vector<1x1000xf32>
    %mul3A_1177 = arith.mulf %mul3A_1176, %mul3A_1164 : vector<1x1000xf32>
    %sub3A_1178 = arith.subf %add3A_1160, %mul3A_1177 : vector<1x1000xf32>
    %jit3A_1179 = arith.constant 0.000000e+00 : f32
    %jit3A_1180 = arith.constant 1.000000e+00 : f32
    %max3A_1181 = vector.broadcast %jit3A_1179 : f32 to vector<1x1000xf32>
    %max3A_1182 = arith.maximumf %max3A_1181, %sub3A_1178 : vector<1x1000xf32>
    %min3A_1183 = vector.broadcast %jit3A_1180 : f32 to vector<1x1000xf32>
    %min3A_1184 = arith.minimumf %min3A_1183, %max3A_1182 : vector<1x1000xf32>
    %mul3A_1185 = arith.constant 5.000000e-01 : f32
    %mul3A_1186 = vector.broadcast %mul3A_1185 : f32 to vector<1x1000xf32>
    %mul3A_1187 = arith.mulf %mul3A_1186, %mul3A_1162 : vector<1x1000xf32>
    %add3A_1188 = arith.addf %add3A_1158, %mul3A_1187 : vector<1x1000xf32>
    %jit3A_1189 = arith.constant 0.000000e+00 : f32
    %jit3A_1190 = arith.constant 1.000000e+00 : f32
    %max3A_1191 = vector.broadcast %jit3A_1189 : f32 to vector<1x1000xf32>
    %max3A_1192 = arith.maximumf %max3A_1191, %add3A_1188 : vector<1x1000xf32>
    %min3A_1193 = vector.broadcast %jit3A_1190 : f32 to vector<1x1000xf32>
    %min3A_1194 = arith.minimumf %min3A_1193, %max3A_1192 : vector<1x1000xf32>
    %mul3A_1195 = arith.constant 5.000000e-01 : f32
    %mul3A_1196 = vector.broadcast %mul3A_1195 : f32 to vector<1x1000xf32>
    %mul3A_1197 = arith.mulf %mul3A_1196, %mul3A_1164 : vector<1x1000xf32>
    %add3A_1198 = arith.addf %add3A_1160, %mul3A_1197 : vector<1x1000xf32>
    %jit3A_1199 = arith.constant 0.000000e+00 : f32
    %jit3A_1200 = arith.constant 1.000000e+00 : f32
    %max3A_1201 = vector.broadcast %jit3A_1199 : f32 to vector<1x1000xf32>
    %max3A_1202 = arith.maximumf %max3A_1201, %add3A_1198 : vector<1x1000xf32>
    %min3A_1203 = vector.broadcast %jit3A_1200 : f32 to vector<1x1000xf32>
    %min3A_1204 = arith.minimumf %min3A_1203, %max3A_1202 : vector<1x1000xf32>
    %gt3A_1205 = arith.constant 0 : i32
    %gt3A_1206 = vector.broadcast %gt3A_1205 : i32 to vector<1x1000xi32>
    %gt3A_1207 = arith.cmpi sgt, %broadcast_in_dim3A_1090, %gt3A_1206 : vector<1x1000xi32>
    %ge3A_1208 = arith.constant 0.699999988 : f32
    %ge3A_1209 = vector.broadcast %ge3A_1208 : f32 to vector<1x1000xf32>
    %ge3A_1210 = arith.cmpf oge, %broadcast_in_dim3A_1081, %ge3A_1209 : vector<1x1000xf32>
    %and3A_1211 = arith.andi %gt3A_1207, %ge3A_1210 : vector<1x1000xi1>
    %jit3A_1212 = arith.constant -1.000000e+00 : f32
    %broadcast_in_dim3A_1213 = vector.broadcast %jit3A_1212 : f32 to vector<1x1000xf32>
    %select_n3A_1214 = arith.select %and3A_1211, %broadcast_in_dim3A_1081, %broadcast_in_dim3A_1213 : vector<1x1000xi1>, vector<1x1000xf32>
    %convert_element_type3A_1215 = arith.sitofp %broadcast_in_dim3A_1090 : vector<1x1000xi32> to vector<1x1000xf32>
    %broadcast_in_dim3A_1216 = arith.constant -1.000000e+00 : f32
    %broadcast_in_dim3A_1217 = vector.broadcast %broadcast_in_dim3A_1216 : f32 to vector<24xf32>
    %broadcast_in_dim3A_1218 = arith.constant 0.000000e+00 : f32
    %broadcast_in_dim3A_1219 = vector.broadcast %broadcast_in_dim3A_1218 : f32 to vector<24xf32>
    %reshape3A_1220 = vector.shape_cast %select_n3A_1214 : vector<1x1000xf32> to vector<1000xf32>
    %concatenate3A_1221 = tpu.concatenate %reshape3A_1220, %broadcast_in_dim3A_1217 in 0 : vector<1000xf32>, vector<24xf32> -> vector<1024xf32>
    %swap3A_1222 = arith.constant 6144 : index
    %swap3A_1223 = vector.load %arg3[%swap3A_1222] : memref<8192xf32, #tpu.memory_space<vmem>>, vector<1024xf32>
    tpu.vector_store %arg3[%swap3A_1222], %concatenate3A_1221 {strides = array<i32>} : memref<8192xf32, #tpu.memory_space<vmem>>, vector<1024xf32>,
    %reshape3A_1224 = vector.shape_cast %min3A_1174 : vector<1x1000xf32> to vector<1000xf32>
    %concatenate3A_1225 = tpu.concatenate %reshape3A_1224, %broadcast_in_dim3A_1219 in 0 : vector<1000xf32>, vector<24xf32> -> vector<1024xf32>
    %swap3A_1226 = arith.constant 6144 : index
    %swap3A_1227 = vector.load %arg4[%swap3A_1226] : memref<8192xf32, #tpu.memory_space<vmem>>, vector<1024xf32>
    tpu.vector_store %arg4[%swap3A_1226], %concatenate3A_1225 {strides = array<i32>} : memref<8192xf32, #tpu.memory_space<vmem>>, vector<1024xf32>,
    %reshape3A_1228 = vector.shape_cast %min3A_1184 : vector<1x1000xf32> to vector<1000xf32>
    %concatenate3A_1229 = tpu.concatenate %reshape3A_1228, %broadcast_in_dim3A_1219 in 0 : vector<1000xf32>, vector<24xf32> -> vector<1024xf32>
    %swap3A_1230 = arith.constant 6144 : index
    %swap3A_1231 = vector.load %arg5[%swap3A_1230] : memref<8192xf32, #tpu.memory_space<vmem>>, vector<1024xf32>
    tpu.vector_store %arg5[%swap3A_1230], %concatenate3A_1229 {strides = array<i32>} : memref<8192xf32, #tpu.memory_space<vmem>>, vector<1024xf32>,
    %reshape3A_1232 = vector.shape_cast %min3A_1194 : vector<1x1000xf32> to vector<1000xf32>
    %concatenate3A_1233 = tpu.concatenate %reshape3A_1232, %broadcast_in_dim3A_1219 in 0 : vector<1000xf32>, vector<24xf32> -> vector<1024xf32>
    %swap3A_1234 = arith.constant 6144 : index
    %swap3A_1235 = vector.load %arg6[%swap3A_1234] : memref<8192xf32, #tpu.memory_space<vmem>>, vector<1024xf32>
    tpu.vector_store %arg6[%swap3A_1234], %concatenate3A_1233 {strides = array<i32>} : memref<8192xf32, #tpu.memory_space<vmem>>, vector<1024xf32>,
    %reshape3A_1236 = vector.shape_cast %min3A_1204 : vector<1x1000xf32> to vector<1000xf32>
    %concatenate3A_1237 = tpu.concatenate %reshape3A_1236, %broadcast_in_dim3A_1219 in 0 : vector<1000xf32>, vector<24xf32> -> vector<1024xf32>
    %swap3A_1238 = arith.constant 6144 : index
    %swap3A_1239 = vector.load %arg7[%swap3A_1238] : memref<8192xf32, #tpu.memory_space<vmem>>, vector<1024xf32>
    tpu.vector_store %arg7[%swap3A_1238], %concatenate3A_1237 {strides = array<i32>} : memref<8192xf32, #tpu.memory_space<vmem>>, vector<1024xf32>,
    %reshape3A_1240 = vector.shape_cast %convert_element_type3A_1215 : vector<1x1000xf32> to vector<1000xf32>
    %concatenate3A_1241 = tpu.concatenate %reshape3A_1240, %broadcast_in_dim3A_1219 in 0 : vector<1000xf32>, vector<24xf32> -> vector<1024xf32>
    %swap3A_1242 = arith.constant 6144 : index
    %swap3A_1243 = vector.load %arg8[%swap3A_1242] : memref<8192xf32, #tpu.memory_space<vmem>>, vector<1024xf32>
    tpu.vector_store %arg8[%swap3A_1242], %concatenate3A_1241 {strides = array<i32>} : memref<8192xf32, #tpu.memory_space<vmem>>, vector<1024xf32>,
    %get3A_1244 = arith.constant 7 : index
    %get3A_1245 = arith.constant 0 : index
    %get3A_1246 = arith.constant 0 : index
    %get3A_1247 = vector.load %arg0[%get3A_1244, %get3A_1245, %get3A_1246] : memref<8x4x1000xf32, #tpu.memory_space<vmem>>, vector<1x4x1000xf32>
    %get3A_1248 = vector.shape_cast %get3A_1247 : vector<1x4x1000xf32> to vector<4x1000xf32>
    %get3A_1249 = arith.constant 0 : index
    %get3A_1250 = arith.constant 7 : index
    %get3A_1251 = arith.constant 0 : index
    %get3A_1252 = vector.load %arg1[%get3A_1249, %get3A_1250, %get3A_1251] : memref<81x8x1000xf32, #tpu.memory_space<vmem>>, vector<81x1x1000xf32>
    %get3A_1253 = vector.shape_cast %get3A_1252 : vector<81x1x1000xf32> to vector<81x1000xf32>
    %get3A_1254 = arith.constant 7 : index
    %get3A_1255 = arith.constant 0 : index
    %get3A_1256 = arith.constant 0 : index
    %get3A_1257 = arith.constant 0 : index
    %get3A_1258 = vector.load %arg2[%get3A_1254, %get3A_1255, %get3A_1256, %get3A_1257] : memref<8x81x4x1000xf32, #tpu.memory_space<vmem>>, vector<1x81x4x1000xf32>
    %get3A_1259 = vector.shape_cast %get3A_1258 : vector<1x81x4x1000xf32> to vector<81x4x1000xf32>
    %reduce_max3A_1260 = arith.constant dense<0xFF800000> : vector<1000xf32>
    %reduce_max3A_1261 = vector.multi_reduction <maximumf>, %get3A_1253, %reduce_max3A_1260 [0] : vector<81x1000xf32> to vector<1000xf32>
    %broadcast_in_dim3A_1262 = vector.shape_cast %reduce_max3A_1261 : vector<1000xf32> to vector<1x1000xf32>
    %iota3A_1263 = tpu.iota {dimensions = array<i32: 0>} : vector<81x1000xi32>
    %eq3A_1264 = vector.broadcast %broadcast_in_dim3A_1262 : vector<1x1000xf32> to vector<81x1000xf32>
    %eq3A_1265 = arith.cmpf oeq, %get3A_1253, %eq3A_1264 : vector<81x1000xf32>
    %jit3A_1266 = arith.constant 81 : i32
    %broadcast_in_dim3A_1267 = vector.broadcast %jit3A_1266 : i32 to vector<81x1000xi32>
    %select_n3A_1268 = arith.select %eq3A_1265, %iota3A_1263, %broadcast_in_dim3A_1267 : vector<81x1000xi1>, vector<81x1000xi32>
    %reduce_min3A_1269 = arith.constant dense<2147483647> : vector<1000xi32>
    %reduce_min3A_1270 = vector.multi_reduction <minsi>, %select_n3A_1268, %reduce_min3A_1269 [0] : vector<81x1000xi32> to vector<1000xi32>
    %broadcast_in_dim3A_1271 = vector.shape_cast %reduce_min3A_1270 : vector<1000xi32> to vector<1x1000xi32>
    %eq3A_1272 = vector.broadcast %broadcast_in_dim3A_1271 : vector<1x1000xi32> to vector<81x1000xi32>
    %eq3A_1273 = arith.cmpi eq, %iota3A_1263, %eq3A_1272 : vector<81x1000xi32>
    %convert_element_type3A_1274 = arith.extui %eq3A_1273 : vector<81x1000xi1> to vector<81x1000xi32>
    %convert_element_type3A_1275 = arith.sitofp %convert_element_type3A_1274 : vector<81x1000xi32> to vector<81x1000xf32>
    %broadcast_in_dim3A_1276 = vector.shape_cast %convert_element_type3A_1275 : vector<81x1000xf32> to vector<81x1x1000xf32>
    %mul3A_1277 = vector.broadcast %broadcast_in_dim3A_1276 : vector<81x1x1000xf32> to vector<81x4x1000xf32>
    %mul3A_1278 = arith.mulf %get3A_1259, %mul3A_1277 : vector<81x4x1000xf32>
    %slice3A_1279 = vector.extract_strided_slice %mul3A_1278 {offsets = [0, 0, 0], sizes = [40, 4, 1000], strides = [1, 1, 1]} : vector<81x4x1000xf32> to vector<40x4x1000xf32>
    %slice3A_1280 = vector.extract_strided_slice %mul3A_1278 {offsets = [40, 0, 0], sizes = [40, 4, 1000], strides = [1, 1, 1]} : vector<81x4x1000xf32> to vector<40x4x1000xf32>
    %add3A_1281 = arith.addf %slice3A_1279, %slice3A_1280 : vector<40x4x1000xf32>
    %slice3A_1282 = vector.extract_strided_slice %add3A_1281 {offsets = [0, 0, 0], sizes = [1, 4, 1000], strides = [1, 1, 1]} : vector<40x4x1000xf32> to vector<1x4x1000xf32>
    %slice3A_1283 = vector.extract_strided_slice %mul3A_1278 {offsets = [80, 0, 0], sizes = [1, 4, 1000], strides = [1, 1, 1]} : vector<81x4x1000xf32> to vector<1x4x1000xf32>
    %add3A_1284 = arith.addf %slice3A_1282, %slice3A_1283 : vector<1x4x1000xf32>
    %slice3A_1285 = vector.extract_strided_slice %add3A_1281 {offsets = [1, 0, 0], sizes = [39, 4, 1000], strides = [1, 1, 1]} : vector<40x4x1000xf32> to vector<39x4x1000xf32>
    %concatenate3A_1286 = tpu.concatenate %add3A_1284, %slice3A_1285 in 0 : vector<1x4x1000xf32>, vector<39x4x1000xf32> -> vector<40x4x1000xf32>
    %slice3A_1287 = vector.extract_strided_slice %concatenate3A_1286 {offsets = [0, 0, 0], sizes = [20, 4, 1000], strides = [1, 1, 1]} : vector<40x4x1000xf32> to vector<20x4x1000xf32>
    %slice3A_1288 = vector.extract_strided_slice %concatenate3A_1286 {offsets = [20, 0, 0], sizes = [20, 4, 1000], strides = [1, 1, 1]} : vector<40x4x1000xf32> to vector<20x4x1000xf32>
    %add3A_1289 = arith.addf %slice3A_1287, %slice3A_1288 : vector<20x4x1000xf32>
    %slice3A_1290 = vector.extract_strided_slice %add3A_1289 {offsets = [0, 0, 0], sizes = [10, 4, 1000], strides = [1, 1, 1]} : vector<20x4x1000xf32> to vector<10x4x1000xf32>
    %slice3A_1291 = vector.extract_strided_slice %add3A_1289 {offsets = [10, 0, 0], sizes = [10, 4, 1000], strides = [1, 1, 1]} : vector<20x4x1000xf32> to vector<10x4x1000xf32>
    %add3A_1292 = arith.addf %slice3A_1290, %slice3A_1291 : vector<10x4x1000xf32>
    %slice3A_1293 = vector.extract_strided_slice %add3A_1292 {offsets = [0, 0, 0], sizes = [5, 4, 1000], strides = [1, 1, 1]} : vector<10x4x1000xf32> to vector<5x4x1000xf32>
    %slice3A_1294 = vector.extract_strided_slice %add3A_1292 {offsets = [5, 0, 0], sizes = [5, 4, 1000], strides = [1, 1, 1]} : vector<10x4x1000xf32> to vector<5x4x1000xf32>
    %add3A_1295 = arith.addf %slice3A_1293, %slice3A_1294 : vector<5x4x1000xf32>
    %slice3A_1296 = vector.extract_strided_slice %add3A_1295 {offsets = [0, 0, 0], sizes = [2, 4, 1000], strides = [1, 1, 1]} : vector<5x4x1000xf32> to vector<2x4x1000xf32>
    %slice3A_1297 = vector.extract_strided_slice %add3A_1295 {offsets = [2, 0, 0], sizes = [2, 4, 1000], strides = [1, 1, 1]} : vector<5x4x1000xf32> to vector<2x4x1000xf32>
    %add3A_1298 = arith.addf %slice3A_1296, %slice3A_1297 : vector<2x4x1000xf32>
    %slice3A_1299 = vector.extract_strided_slice %add3A_1298 {offsets = [0, 0, 0], sizes = [1, 4, 1000], strides = [1, 1, 1]} : vector<2x4x1000xf32> to vector<1x4x1000xf32>
    %slice3A_1300 = vector.extract_strided_slice %add3A_1295 {offsets = [4, 0, 0], sizes = [1, 4, 1000], strides = [1, 1, 1]} : vector<5x4x1000xf32> to vector<1x4x1000xf32>
    %add3A_1301 = arith.addf %slice3A_1299, %slice3A_1300 : vector<1x4x1000xf32>
    %slice3A_1302 = vector.extract_strided_slice %add3A_1298 {offsets = [1, 0, 0], sizes = [1, 4, 1000], strides = [1, 1, 1]} : vector<2x4x1000xf32> to vector<1x4x1000xf32>
    %concatenate3A_1303 = tpu.concatenate %add3A_1301, %slice3A_1302 in 0 : vector<1x4x1000xf32>, vector<1x4x1000xf32> -> vector<2x4x1000xf32>
    %slice3A_1304 = vector.extract_strided_slice %concatenate3A_1303 {offsets = [0, 0, 0], sizes = [1, 4, 1000], strides = [1, 1, 1]} : vector<2x4x1000xf32> to vector<1x4x1000xf32>
    %slice3A_1305 = vector.extract_strided_slice %concatenate3A_1303 {offsets = [1, 0, 0], sizes = [1, 4, 1000], strides = [1, 1, 1]} : vector<2x4x1000xf32> to vector<1x4x1000xf32>
    %add3A_1306 = arith.addf %slice3A_1304, %slice3A_1305 : vector<1x4x1000xf32>
    %squeeze3A_1307 = vector.shape_cast %add3A_1306 : vector<1x4x1000xf32> to vector<4x1000xf32>
    %slice3A_1308 = vector.extract_strided_slice %squeeze3A_1307 {offsets = [0, 0], sizes = [1, 1000], strides = [1, 1]} : vector<4x1000xf32> to vector<1x1000xf32>
    %mul3A_1309 = arith.constant 1.000000e-01 : f32
    %mul3A_1310 = vector.broadcast %mul3A_1309 : f32 to vector<1x1000xf32>
    %mul3A_1311 = arith.mulf %slice3A_1308, %mul3A_1310 : vector<1x1000xf32>
    %slice3A_1312 = vector.extract_strided_slice %squeeze3A_1307 {offsets = [1, 0], sizes = [1, 1000], strides = [1, 1]} : vector<4x1000xf32> to vector<1x1000xf32>
    %mul3A_1313 = arith.constant 1.000000e-01 : f32
    %mul3A_1314 = vector.broadcast %mul3A_1313 : f32 to vector<1x1000xf32>
    %mul3A_1315 = arith.mulf %slice3A_1312, %mul3A_1314 : vector<1x1000xf32>
    %slice3A_1316 = vector.extract_strided_slice %squeeze3A_1307 {offsets = [2, 0], sizes = [1, 1000], strides = [1, 1]} : vector<4x1000xf32> to vector<1x1000xf32>
    %mul3A_1317 = arith.constant 2.000000e-01 : f32
    %mul3A_1318 = vector.broadcast %mul3A_1317 : f32 to vector<1x1000xf32>
    %mul3A_1319 = arith.mulf %slice3A_1316, %mul3A_1318 : vector<1x1000xf32>
    %slice3A_1320 = vector.extract_strided_slice %squeeze3A_1307 {offsets = [3, 0], sizes = [1, 1000], strides = [1, 1]} : vector<4x1000xf32> to vector<1x1000xf32>
    %mul3A_1321 = arith.constant 2.000000e-01 : f32
    %mul3A_1322 = vector.broadcast %mul3A_1321 : f32 to vector<1x1000xf32>
    %mul3A_1323 = arith.mulf %slice3A_1320, %mul3A_1322 : vector<1x1000xf32>
    %slice3A_1324 = vector.extract_strided_slice %get3A_1248 {offsets = [0, 0], sizes = [1, 1000], strides = [1, 1]} : vector<4x1000xf32> to vector<1x1000xf32>
    %slice3A_1325 = vector.extract_strided_slice %get3A_1248 {offsets = [1, 0], sizes = [1, 1000], strides = [1, 1]} : vector<4x1000xf32> to vector<1x1000xf32>
    %slice3A_1326 = vector.extract_strided_slice %get3A_1248 {offsets = [2, 0], sizes = [1, 1000], strides = [1, 1]} : vector<4x1000xf32> to vector<1x1000xf32>
    %slice3A_1327 = vector.extract_strided_slice %get3A_1248 {offsets = [3, 0], sizes = [1, 1000], strides = [1, 1]} : vector<4x1000xf32> to vector<1x1000xf32>
    %sub3A_1328 = arith.subf %slice3A_1326, %slice3A_1324 : vector<1x1000xf32>
    %sub3A_1329 = arith.subf %slice3A_1327, %slice3A_1325 : vector<1x1000xf32>
    %mul3A_1330 = arith.constant 5.000000e-01 : f32
    %mul3A_1331 = vector.broadcast %mul3A_1330 : f32 to vector<1x1000xf32>
    %mul3A_1332 = arith.mulf %mul3A_1331, %sub3A_1328 : vector<1x1000xf32>
    %add3A_1333 = arith.addf %slice3A_1324, %mul3A_1332 : vector<1x1000xf32>
    %mul3A_1334 = arith.constant 5.000000e-01 : f32
    %mul3A_1335 = vector.broadcast %mul3A_1334 : f32 to vector<1x1000xf32>
    %mul3A_1336 = arith.mulf %mul3A_1335, %sub3A_1329 : vector<1x1000xf32>
    %add3A_1337 = arith.addf %slice3A_1325, %mul3A_1336 : vector<1x1000xf32>
    %mul3A_1338 = arith.mulf %mul3A_1311, %sub3A_1328 : vector<1x1000xf32>
    %add3A_1339 = arith.addf %add3A_1333, %mul3A_1338 : vector<1x1000xf32>
    %mul3A_1340 = arith.mulf %mul3A_1315, %sub3A_1329 : vector<1x1000xf32>
    %add3A_1341 = arith.addf %add3A_1337, %mul3A_1340 : vector<1x1000xf32>
    %exp3A_1342 = math.exp %mul3A_1319 : vector<1x1000xf32>
    %mul3A_1343 = arith.mulf %sub3A_1328, %exp3A_1342 : vector<1x1000xf32>
    %exp3A_1344 = math.exp %mul3A_1323 : vector<1x1000xf32>
    %mul3A_1345 = arith.mulf %sub3A_1329, %exp3A_1344 : vector<1x1000xf32>
    %mul3A_1346 = arith.constant 5.000000e-01 : f32
    %mul3A_1347 = vector.broadcast %mul3A_1346 : f32 to vector<1x1000xf32>
    %mul3A_1348 = arith.mulf %mul3A_1347, %mul3A_1343 : vector<1x1000xf32>
    %sub3A_1349 = arith.subf %add3A_1339, %mul3A_1348 : vector<1x1000xf32>
    %jit3A_1350 = arith.constant 0.000000e+00 : f32
    %jit3A_1351 = arith.constant 1.000000e+00 : f32
    %max3A_1352 = vector.broadcast %jit3A_1350 : f32 to vector<1x1000xf32>
    %max3A_1353 = arith.maximumf %max3A_1352, %sub3A_1349 : vector<1x1000xf32>
    %min3A_1354 = vector.broadcast %jit3A_1351 : f32 to vector<1x1000xf32>
    %min3A_1355 = arith.minimumf %min3A_1354, %max3A_1353 : vector<1x1000xf32>
    %mul3A_1356 = arith.constant 5.000000e-01 : f32
    %mul3A_1357 = vector.broadcast %mul3A_1356 : f32 to vector<1x1000xf32>
    %mul3A_1358 = arith.mulf %mul3A_1357, %mul3A_1345 : vector<1x1000xf32>
    %sub3A_1359 = arith.subf %add3A_1341, %mul3A_1358 : vector<1x1000xf32>
    %jit3A_1360 = arith.constant 0.000000e+00 : f32
    %jit3A_1361 = arith.constant 1.000000e+00 : f32
    %max3A_1362 = vector.broadcast %jit3A_1360 : f32 to vector<1x1000xf32>
    %max3A_1363 = arith.maximumf %max3A_1362, %sub3A_1359 : vector<1x1000xf32>
    %min3A_1364 = vector.broadcast %jit3A_1361 : f32 to vector<1x1000xf32>
    %min3A_1365 = arith.minimumf %min3A_1364, %max3A_1363 : vector<1x1000xf32>
    %mul3A_1366 = arith.constant 5.000000e-01 : f32
    %mul3A_1367 = vector.broadcast %mul3A_1366 : f32 to vector<1x1000xf32>
    %mul3A_1368 = arith.mulf %mul3A_1367, %mul3A_1343 : vector<1x1000xf32>
    %add3A_1369 = arith.addf %add3A_1339, %mul3A_1368 : vector<1x1000xf32>
    %jit3A_1370 = arith.constant 0.000000e+00 : f32
    %jit3A_1371 = arith.constant 1.000000e+00 : f32
    %max3A_1372 = vector.broadcast %jit3A_1370 : f32 to vector<1x1000xf32>
    %max3A_1373 = arith.maximumf %max3A_1372, %add3A_1369 : vector<1x1000xf32>
    %min3A_1374 = vector.broadcast %jit3A_1371 : f32 to vector<1x1000xf32>
    %min3A_1375 = arith.minimumf %min3A_1374, %max3A_1373 : vector<1x1000xf32>
    %mul3A_1376 = arith.constant 5.000000e-01 : f32
    %mul3A_1377 = vector.broadcast %mul3A_1376 : f32 to vector<1x1000xf32>
    %mul3A_1378 = arith.mulf %mul3A_1377, %mul3A_1345 : vector<1x1000xf32>
    %add3A_1379 = arith.addf %add3A_1341, %mul3A_1378 : vector<1x1000xf32>
    %jit3A_1380 = arith.constant 0.000000e+00 : f32
    %jit3A_1381 = arith.constant 1.000000e+00 : f32
    %max3A_1382 = vector.broadcast %jit3A_1380 : f32 to vector<1x1000xf32>
    %max3A_1383 = arith.maximumf %max3A_1382, %add3A_1379 : vector<1x1000xf32>
    %min3A_1384 = vector.broadcast %jit3A_1381 : f32 to vector<1x1000xf32>
    %min3A_1385 = arith.minimumf %min3A_1384, %max3A_1383 : vector<1x1000xf32>
    %gt3A_1386 = arith.constant 0 : i32
    %gt3A_1387 = vector.broadcast %gt3A_1386 : i32 to vector<1x1000xi32>
    %gt3A_1388 = arith.cmpi sgt, %broadcast_in_dim3A_1271, %gt3A_1387 : vector<1x1000xi32>
    %ge3A_1389 = arith.constant 0.699999988 : f32
    %ge3A_1390 = vector.broadcast %ge3A_1389 : f32 to vector<1x1000xf32>
    %ge3A_1391 = arith.cmpf oge, %broadcast_in_dim3A_1262, %ge3A_1390 : vector<1x1000xf32>
    %and3A_1392 = arith.andi %gt3A_1388, %ge3A_1391 : vector<1x1000xi1>
    %jit3A_1393 = arith.constant -1.000000e+00 : f32
    %broadcast_in_dim3A_1394 = vector.broadcast %jit3A_1393 : f32 to vector<1x1000xf32>
    %select_n3A_1395 = arith.select %and3A_1392, %broadcast_in_dim3A_1262, %broadcast_in_dim3A_1394 : vector<1x1000xi1>, vector<1x1000xf32>
    %convert_element_type3A_1396 = arith.sitofp %broadcast_in_dim3A_1271 : vector<1x1000xi32> to vector<1x1000xf32>
    %broadcast_in_dim3A_1397 = arith.constant -1.000000e+00 : f32
    %broadcast_in_dim3A_1398 = vector.broadcast %broadcast_in_dim3A_1397 : f32 to vector<24xf32>
    %broadcast_in_dim3A_1399 = arith.constant 0.000000e+00 : f32
    %broadcast_in_dim3A_1400 = vector.broadcast %broadcast_in_dim3A_1399 : f32 to vector<24xf32>
    %reshape3A_1401 = vector.shape_cast %select_n3A_1395 : vector<1x1000xf32> to vector<1000xf32>
    %concatenate3A_1402 = tpu.concatenate %reshape3A_1401, %broadcast_in_dim3A_1398 in 0 : vector<1000xf32>, vector<24xf32> -> vector<1024xf32>
    %swap3A_1403 = arith.constant 7168 : index
    %swap3A_1404 = vector.load %arg3[%swap3A_1403] : memref<8192xf32, #tpu.memory_space<vmem>>, vector<1024xf32>
    tpu.vector_store %arg3[%swap3A_1403], %concatenate3A_1402 {strides = array<i32>} : memref<8192xf32, #tpu.memory_space<vmem>>, vector<1024xf32>,
    %reshape3A_1405 = vector.shape_cast %min3A_1355 : vector<1x1000xf32> to vector<1000xf32>
    %concatenate3A_1406 = tpu.concatenate %reshape3A_1405, %broadcast_in_dim3A_1400 in 0 : vector<1000xf32>, vector<24xf32> -> vector<1024xf32>
    %swap3A_1407 = arith.constant 7168 : index
    %swap3A_1408 = vector.load %arg4[%swap3A_1407] : memref<8192xf32, #tpu.memory_space<vmem>>, vector<1024xf32>
    tpu.vector_store %arg4[%swap3A_1407], %concatenate3A_1406 {strides = array<i32>} : memref<8192xf32, #tpu.memory_space<vmem>>, vector<1024xf32>,
    %reshape3A_1409 = vector.shape_cast %min3A_1365 : vector<1x1000xf32> to vector<1000xf32>
    %concatenate3A_1410 = tpu.concatenate %reshape3A_1409, %broadcast_in_dim3A_1400 in 0 : vector<1000xf32>, vector<24xf32> -> vector<1024xf32>
    %swap3A_1411 = arith.constant 7168 : index
    %swap3A_1412 = vector.load %arg5[%swap3A_1411] : memref<8192xf32, #tpu.memory_space<vmem>>, vector<1024xf32>
    tpu.vector_store %arg5[%swap3A_1411], %concatenate3A_1410 {strides = array<i32>} : memref<8192xf32, #tpu.memory_space<vmem>>, vector<1024xf32>,
    %reshape3A_1413 = vector.shape_cast %min3A_1375 : vector<1x1000xf32> to vector<1000xf32>
    %concatenate3A_1414 = tpu.concatenate %reshape3A_1413, %broadcast_in_dim3A_1400 in 0 : vector<1000xf32>, vector<24xf32> -> vector<1024xf32>
    %swap3A_1415 = arith.constant 7168 : index
    %swap3A_1416 = vector.load %arg6[%swap3A_1415] : memref<8192xf32, #tpu.memory_space<vmem>>, vector<1024xf32>
    tpu.vector_store %arg6[%swap3A_1415], %concatenate3A_1414 {strides = array<i32>} : memref<8192xf32, #tpu.memory_space<vmem>>, vector<1024xf32>,
    %reshape3A_1417 = vector.shape_cast %min3A_1385 : vector<1x1000xf32> to vector<1000xf32>
    %concatenate3A_1418 = tpu.concatenate %reshape3A_1417, %broadcast_in_dim3A_1400 in 0 : vector<1000xf32>, vector<24xf32> -> vector<1024xf32>
    %swap3A_1419 = arith.constant 7168 : index
    %swap3A_1420 = vector.load %arg7[%swap3A_1419] : memref<8192xf32, #tpu.memory_space<vmem>>, vector<1024xf32>
    tpu.vector_store %arg7[%swap3A_1419], %concatenate3A_1418 {strides = array<i32>} : memref<8192xf32, #tpu.memory_space<vmem>>, vector<1024xf32>,
    %reshape3A_1421 = vector.shape_cast %convert_element_type3A_1396 : vector<1x1000xf32> to vector<1000xf32>
    %concatenate3A_1422 = tpu.concatenate %reshape3A_1421, %broadcast_in_dim3A_1400 in 0 : vector<1000xf32>, vector<24xf32> -> vector<1024xf32>
    %swap3A_1423 = arith.constant 7168 : index
    %swap3A_1424 = vector.load %arg8[%swap3A_1423] : memref<8192xf32, #tpu.memory_space<vmem>>, vector<1024xf32>
    tpu.vector_store %arg8[%swap3A_1423], %concatenate3A_1422 {strides = array<i32>} : memref<8192xf32, #tpu.memory_space<vmem>>, vector<1024xf32>,
    return
  }
}

</mosaic_0001>

<sc_bundles>
// kernel: kernel.4.cloned.1.call-start
scs
__scs_entry_jumppad:
0x0: {  	(pc) =	sbr.rel $0x88, $3  }
0x1: {  	(tag) =	ssettag $0x0;
	lr =	simm.s32 $0x1  }
0x2: {  	[smem:$0x3F9E] =	sst lr;
	_ =	strace $0xD0000000  }
0x3: {  	_ = 	snop  }
0x4: {  	_ = 	snop  }
0x5: {  	_ = 	snop  }
0x6: {  	_ = 	snop  }
0x7: {  	_ = 	snop  }
__scs_overlays_trampoline_lowered:
0x8: {  	[smem:$0x3FAD] =	sst s0  }
0x9: {  	[smem:$0x3FAE] =	sst s1  }
0xa: {  	[smem:$0x3FAF] =	sst s2  }
0xb: {  	[smem:$0x3FB0] =	sst s3  }
0xc: {  	[smem:$0x3FB1] =	sst s4  }
0xd: {  	[smem:$0x3FB2] =	sst s5  }
0xe: {  	[smem:$0x3FB3] =	sst s6  }
0xf: {  	[smem:$0x3FB4] =	sst s7  }
0x10: {  	[smem:$0x3FB5] =	sst s8  }
0x11: {  	[smem:$0x3FB6] =	sst s9;
	s0 =	simm.s32 @!p0 $0x0  }
0x12: {  	s1 =	sld [smem:$0x3F9C];
	s0 =	simm.s32 @p0 $0x1  }
0x13: {  	[smem:$0x3FB7] =	sst s0;
	s0 =	simm.s32 @!p1 $0x0  }
0x14: {  	s2 =	sld [smem:$0x3F9B];
	s0 =	simm.s32 @p1 $0x1  }
0x15: {  	[smem:$0x3FB8] =	sst s0;
	s0 =	simm.s32 @!p2 $0x0  }
0x16: {  	s3 =	sld [smem:$0x3FDB];
	s0 =	simm.s32 @p2 $0x1  }
0x17: {  	s4 =	simm.s32 $0x1BF5;
	[smem:$0x3FBA] =	sst s0  }
0x18: {  	s0 =	sld [smem:$0x3F9D];
	_ =	swait.ge [sflag:s4], $0x0  }
0x19: {  	s7 =	sld [smem:$0x3F9E]  }
0x1a: {  	s8 =	sadd.s32 $0xFFFFE003, lr  }
0x1b: {  	s9 =	sadd.s32 $0xFFFFFEF7, lr;
	s5 =	simm.s32 $0xFFFFFFFF;
	p2 =	slt.u32 s8, $0xFFFFF086  }
0x1c: {  	p1 =	slt.u32 s9, $0xF7A;
	s5 =	simm.s32 @!p2 $0x0  }
0x1d: {  	s5 =	simm.s32 @p1 $0x1;
	p0 =	seq.s32 s7, s2  }
0x1e: {  	s7 =	smul.u32 @!p0 $0xF7A, s2;
	p2 =	seq.s32 @!p0 s5, $0x0  }
0x1f: {  	s9 =	smul.u32 $0xF7A, s1;
	s8 =	simm.s32 @!p0 $0x1BF5;
	p2 =	por !p2, p0  }
0x20: {  	[sflag:s8] =	ssyncset.s32 @!p0 $0xFFFFF086;
	s6 =	sadd.s32 @!p0 s3, s7;
	s7 =	simm.s32 @!p0 $0x108  }
0x21: {  	s3 =	sadd.s32 s3, s9;
	s6 =	sadd.s32 @!p0 $0x88, s6;
	s7 =	simm.s32 @p2 $0x1082  }
0x22: {  	[simem:s7], [sflag:s8] =	dma.local @!p0 [hbm:s6], $0xF7A  }
0x23: {  	s9 =	sor.u32 $0xD0000000, s2;
	s6 =	simm.s32 $0x108;
	_ =	swait.ge @!p0 [sflag:s8], $0x0  }
0x24: {  	s3 =	sadd.s32 $0x88, s3;
	s6 =	simm.s32 @!p1 $0x1082;
	[sflag:s4] =	ssyncset.s32 $0xFFFFF086  }
0x25: {  	[simem:s6], [sflag:s4] =	dma.local [hbm:s3], $0xF7A  }
0x26: {  	[smem:$0x3F9E] =	sst s1;
	(tag) =	ssettag s2;
	_ =	strace s9  }
0x27: {  	s1 =	sld [smem:$0x3FAE]  }
0x28: {  	s2 =	sld [smem:$0x3FAF]  }
0x29: {  	s4 =	sld [smem:$0x3FB1]  }
0x2a: {  	p0 =	seq.s32 s5, $0x0;
	s5 =	sld [smem:$0x3FB2]  }
0x2b: {  	s6 =	sld [smem:$0x3FB3]  }
0x2c: {  	s7 =	sld [smem:$0x3FB4]  }
0x2d: {  	s3 =	simm.s32 $0x108;
	s8 =	sld [smem:$0x3FB5]  }
0x2e: {  	s3 =	simm.s32 @!p0 $0x1082;
	s9 =	sld [smem:$0x3FB6]  }
0x2f: {  	lr =	sadd.s32 s0, s3;
	s0 =	sld [smem:$0x3FAD]  }
0x30: {  	s3 =	sld [smem:$0x3FB0]  }
0x31: {  	[smem:$0x3FB9] =	sst s10  }
0x32: {  	s10 =	sld [smem:$0x3FB7];
	_ =	sdelay $0x3  }
0x33: {  	p0 =	seq.s32 s10, $0x1;
	s10 =	sld [smem:$0x3FB9];
	_ =	sdelay $0x3  }
0x34: {  	[smem:$0x3FB9] =	sst s10  }
0x35: {  	s10 =	sld [smem:$0x3FB8];
	_ =	sdelay $0x3  }
0x36: {  	p1 =	seq.s32 s10, $0x1;
	s10 =	sld [smem:$0x3FB9];
	_ =	sdelay $0x3  }
0x37: {  	[smem:$0x3FB9] =	sst s10  }
0x38: {  	s10 =	sld [smem:$0x3FBA]  }
0x39: {  	_ = 	snop;
	(pc) =	sbr.ind lr, $3  }
0x3a: {  	_ = 	snop  }
0x3b: {  	_ = 	snop  }
0x3c: {  	p2 =	seq.s32 s10, $0x1;
	s10 =	sld [smem:$0x3FB9]  }
0x3d: {  	_ =	shalt  }
0x3e: {  	_ =	shalt  }
0x3f: {  	_ =	shalt  }
0x40: {  	_ =	shalt  }
0x41: {  	_ =	shalt  }
0x42: {  	_ =	shalt  }
0x43: {  	_ =	shalt  }
0x44: {  	_ =	shalt  }
0x45: {  	_ =	shalt  }
0x46: {  	_ =	shalt  }
0x47: {  	_ =	shalt  }
0x48: {  	_ =	shalt  }
0x49: {  	_ =	shalt  }
0x4a: {  	_ =	shalt  }
0x4b: {  	_ =	shalt  }
0x4c: {  	_ =	shalt  }
0x4d: {  	_ =	shalt  }
0x4e: {  	_ =	shalt  }
0x4f: {  	_ =	shalt  }
0x50: {  	_ =	shalt  }
0x51: {  	_ =	shalt  }
0x52: {  	_ =	shalt  }
0x53: {  	_ =	shalt  }
0x54: {  	_ =	shalt  }
0x55: {  	_ =	shalt  }
0x56: {  	_ =	shalt  }
0x57: {  	_ =	shalt  }
0x58: {  	_ =	shalt  }
0x59: {  	_ =	shalt  }
0x5a: {  	_ =	shalt  }
0x5b: {  	_ =	shalt  }
0x5c: {  	_ =	shalt  }
0x5d: {  	_ =	shalt  }
0x5e: {  	_ =	shalt  }
0x5f: {  	_ =	shalt  }
0x60: {  	_ =	shalt  }
0x61: {  	_ =	shalt  }
0x62: {  	_ =	shalt  }
0x63: {  	_ =	shalt  }
0x64: {  	_ =	shalt  }
0x65: {  	_ =	shalt  }
0x66: {  	_ =	shalt  }
0x67: {  	_ =	shalt  }
0x68: {  	_ =	shalt  }
0x69: {  	_ =	shalt  }
0x6a: {  	_ =	shalt  }
0x6b: {  	_ =	shalt  }
0x6c: {  	_ =	shalt  }
0x6d: {  	_ =	shalt  }
0x6e: {  	_ =	shalt  }
0x6f: {  	_ =	shalt  }
0x70: {  	_ =	shalt  }
0x71: {  	_ =	shalt  }
0x72: {  	_ =	shalt  }
0x73: {  	_ =	shalt  }
0x74: {  	_ =	shalt  }
0x75: {  	_ =	shalt  }
0x76: {  	_ =	shalt  }
0x77: {  	_ =	shalt  }
0x78: {  	_ =	shalt  }
0x79: {  	_ =	shalt  }
0x7a: {  	_ =	shalt  }
0x7b: {  	_ =	shalt  }
0x7c: {  	_ =	shalt  }
0x7d: {  	_ =	shalt  }
0x7e: {  	_ =	shalt  }
0x7f: {  	_ =	shalt  }
0x80: {  	_ =	shalt  }
0x81: {  	_ =	shalt  }
0x82: {  	_ =	shalt  }
0x83: {  	_ =	shalt  }
0x84: {  	_ =	shalt  }
0x85: {  	_ =	shalt  }
0x86: {  	_ =	shalt  }
0x87: {  	_ =	shalt  }
.Lfunc_end0:
.L_simem_size_0:
called_computation_lowered:
.L_overlay_start_0:
0x88: {  	s2 =	sld [smem:$0x3FD9]  }
0x89: {  	s3 =	sld [smem:$0x3FFE];
	_ =	sdelay $0x1  }
0x8a: {  	s1 =	srdreg.scid  }
0x8b: {  	s0 =	sand.u32 $0x1, s1  }
0x8c: {  	s16 =	sshll.u32 s0, $0xA;
	s2 =	sadd.s32 s3, s2  }
0x8d: {  	s2 =	sadd.s32 s2, s16  }
0x8e: {  	[smem:$0x3FC5] =	sst s2  }
0x8f: {  	_ = 	snop  }
0x90: {  	(tm) =	ssettm $0x1  }
0x91: {  	s17 =	sld [smem:$0x3FFB];
	_ =	sdelay $0x3  }
0x92: {  	_ =	strace s17  }
0x93: {  	s2 =	sld [smem:$0x3FFC];
	_ =	sdelay $0x3  }
0x94: {  	_ =	strace s2  }
0x95: {  	s2 =	sld [smem:$0x3FFD];
	_ =	sdelay $0x3  }
0x96: {  	_ =	strace s2  }
0x97: {  	_ =	strace $0x8FFFFFFF  }
0x98: {  	s18 =	sld [smem:$0x3FDB];
	_ =	sdelay $0x1  }
0x99: {  	s19 =	simm.s32 $_scs_section_size  }
0x9a: {  	s4 =	simm.s32 $_size__tile_overlayer_lowered;
	s5 =	simm.s32 $_tile_overlayer_lowered  }
0x9b: {  	s22 =	simm.s32 $0x1BFF;
	s21 =	sshll.u32 s5, $0x1;
	s2 =	sadd.s32 s19, s18  }
0x9c: {  	s6 =	simm.s32 $0x0;
	s20 =	sshll.u32 s4, $0x1;
	s4 =	sadd.s32 s21, s2  }
0x9d: {  	[timem:s6], [sflag:s22] =	dma.local [hbm:s4], s20  }
0x9e: {  	_ =	swait.ge [sflag:s22], s20  }
0x9f: {  	s3 =	ssub.s32 $0x0, s20;
	[sflag:s22] =	ssyncset.done $0x0  }
0xa0: {  	[sflag:s22] =	ssyncadd.s32 s3;
	_ =	sdelay $0x1  }
0xa1: {  	s23 =	simm.s32 $0x1B8B  }
0xa2: {  	_ =	swait.ge [sflag:s23], $0x1  }
0xa3: {  	[sflag:s23] =	ssyncset.done $0x0  }
0xa4: {  	s25 =	simm.s32 $0x1B8E;
	s24 =	sld [smem:$0x3FFE];
	[sflag:s23] =	ssyncadd.s32 $0xFFFFFFFF  }
0xa5: {  	s26 =	simm.s32 $execute0_lowered;
	[smem:$0x3FD2] =	sst s25  }
0xa6: {  	s4 =	sshll.u32 s26, $0x1;
	_ =	strace $0x80000046;
	[dreg:$0x1] =	wrdreg $0xFFFFFFFF  }
0xa7: {  	s28 =	simm.s32 $_size_execute0_lowered;
	s2 =	sadd.s32 s2, s4;
	[dreg:$0x0] =	wrdreg $0x0  }
0xa8: {  	s4 =	sshll.u32 s28, $0x1;
	[dreg:$0x2] =	wrdreg s2  }
0xa9: {  	[dreg:$0x3] =	wrdreg s4  }
0xaa: {  	[dreg:$0x4] =	wrdreg $0xC0  }
0xab: {  	_ =	task [dreg:s6], $0x5FFFF  }
0xac: {  	[dreg:$0x1] =	wrdreg $0xFFFFFFFF  }
0xad: {  	[dreg:$0x0] =	wrdreg $0x60  }
0xae: {  	[dreg:$0x2] =	wrdreg s24  }
0xaf: {  	[dreg:$0x3] =	wrdreg $0x9  }
0xb0: {  	_ =	task.clear_ibuf [dreg:s6], $0x4FFFF;
	_ =	strace $0x90000046  }
0xb1: {  	s29 =	simm.s32 $0x9;
	_ =	strace $0x80000048  }
0xb2: {  	_ =	swait.ge [sflag:s29], $0x1  }
0xb3: {  	[sflag:s29] =	ssyncadd.s32 $0xFFFFFFFF  }
0xb4: {  	_ =	strace $0x90000048  }
0xb5: {  	_ =	sfence  }
0xb6: {  	s30 =	sld [smem:$0x0];
	_ =	sdelay $0x2  }
0xb7: {  	s31 =	sshll.u32 s1, $0xD;
	s1 =	sshrl.u32 s1, $0x2  }
0xb8: {  	s3 =	sand.u32 $0x4000, s31;
	s1 =	sadd.s32 s1, s30  }
0xb9: {  	s0 =	sor.u32 s3, s0;
	s1 =	sshll.u32 s1, $0x11  }
0xba: {  	s0 =	sor.u32 s1, s0  }
0xbb: {  	s0 =	sadd.s32 $0x8F2B, s0  }
0xbc: {  	[sflag:s0] =	ssyncadd.remote.s32 $0x1  }
0xbd: {  	_ =	sfence.sel $0xFFFF  }
0xbe: {  	[dreg:$0x0] =	wrdreg $0xFFFFFFFF;
	(pc) =	sbr.abs _section_cstart, $3  }
0xbf: {  	[dreg:$0x1] =	wrdreg $0xFFFFFFFF  }
0xc0: {  	_ =	task.clear_ibuf [dreg:s6], $0x2FFFF;
	_ =	strace $0x9FFFFFFF  }
0xc1: {  	(tm) =	ssettm $0x7FFFFFFF  }
tec
execute0_lowered:
.L_overlay_start_1:
0x0: {  	(tag) =	ssettag $0x1  }
0x1: {  	s1 =	stileid.u32  }
0x2: {  	p0 =	sgt.u32 s1, $0x3  }
.Ltmp0:
0x3: {  	_ = 	snop;
	(pc) =	sbr.rel @p0 .LBB2_18-.Ltmp0, $4  }
0x4: {  	_ = 	snop  }
0x5: {  	s2 =	simm.s32 $0x0  }
0x6: {  	[smem:$0x7FF] =	sst s2  }
0x7: {  	s0 =	rddreg [dreg:$0x0];
	_ =	strace $0x80000047  }
0x8: {  	s1 =	srdreg.scid;
	s3 =	sadd.s32 $0x1800, s0  }
0x9: {  	s4 =	stileid.u32;
	s5 =	sadd.s32 $0x1C00, s0;
	s6 =	sadd.s32 $0x2000, s0  }
0xa: {  	s7 =	sadd.s32 $0x2400, s0;
	s8 =	sadd.s32 $0x2800, s0;
	s10 =	sadd.s32 $0x2C00, s0  }
0xb: {  	s12 =	simm.s32 $0x800;
	s13 =	simm.s32 $0xC00;
	s14 =	simm.s32 $0x1000  }
0xc: {  	s28 =	simm.s32 $0x1400;
	s16 =	simm.s32 $0x4000;
	s17 =	simm.s32 $0x4100  }
0xd: {  	s18 =	simm.s32 $0x1;
	s19 =	simm.s32 $0x2800;
	s20 =	simm.s32 $0x2C00  }
0xe: {  	s21 =	simm.s32 $0x3000;
	s22 =	simm.s32 $0x3400;
	s23 =	simm.s32 $0x3800  }
0xf: {  	s24 =	simm.s32 $0x4180;
	s1 =	sand.u32 $0x1, s1;
	s4 =	sshll.u32 s4, $0x1  }
0x10: {  	s31 =	simm.s32 $0x80;
	s4 =	sor.u32 s1, s4;
	s1 =	ssub.s32 $0x2, s1  }
0x11: {  	s9 =	sshll.u32 s4, $0x4;
	s26 =	sshrl.u32 s1, $0x1;
	s4 =	sshll.u32 s4, $0x7  }
0x12: {  	v0 =	vlaneseq.u32;
	s25 =	sadd.s32 s9, s0;
	s0 =	ssub.s32 s1, s26;
	s9 =	sadd.s32 s10, s4  }
.Ltmp1:
0x13: {  	v1 =	vimm.s32 $0x0;
	vm0 =	vmmov $0x1;
	vm1 =	vcmask $0x318;
	s15 =	sadd.s32 s8, s4;
	s6 =	sadd.s32 s6, s4;
	(pc) =	sbr.rel .LBB2_2-.Ltmp1, $4  }
0x14: {  	vm2 =	vcmask $0x718;
	vm3 =	vcmask $0xB18;
	vm4 =	vcmask $0xF18;
	s30 =	sadd.s32 s7, s4;
	s7 =	sadd.s32 s5, s4;
	[dreg:$0x2] =	wrdreg s6  }
0x15: {  	vm5 =	vcmask $0x1318;
	v2 =	vor.u32 $0x80000030, v0;
	v3 =	vor.u32 $0x80000020, v0;
	s8 =	sadd.s32 s3, s4;
	s10 =	simm.s32 $0x400;
	[dreg:$0x3] =	wrdreg s7  }
0x16: {  	v9 =	vimm.f32 $0.0e+00;
	v4 =	vor.u32 $0x80000010, v0;
	v5 =	vor.u32 $0x80000000, v0;
	s26 =	simm.s32 $0x4080;
	s29 =	smax.u32 s0, $0x1;
	[dreg:$0x4] =	wrdreg s8  }
0x17: {  	v6 =	vor.u32 $0x10, v0;
	v7 =	vor.u32 $0x20, v0;
	v8 =	vor.u32 $0x30, v0;
	s11 =	sadd.s32 $0x3000, s25;
	s25 =	simm.s32 $0x4200;
	[dreg:$0x5] =	wrdreg s29  }
.LBB2_16:
0x18: {  	[tilespmem:s1+$0x4280] =	vst v9  }
.LBB2_17:
0x19: {  	s2 =	sadd.s32 $0x1, s2  }
0x1a: {  	p0 =	sne.s32 s2, s29  }
.Ltmp2:
0x1b: {  	s0 =	simm.s32 $0x4280;
	s5 =	simm.s32 $0x2;
	(pc) =	sbr.rel @!p0 .LBB2_18-.Ltmp2, $4  }
0x1c: {  	[hbm4b:s11+s31] =	stream.strided.scatter [tilespmem:s0], [sflag:$0x2], $0x680, s10, s31, $0x38;
	[tilespmem:$0x4900] =	vst v63  }
0x1d: {  	_ =	swait.ge [sflag:s5], $0x680  }
0x1e: {  	[sflag:s5] =	ssyncset.done $0x0  }
0x1f: {  	[sflag:s5] =	ssyncadd.s32 $0xFFFFF980  }
.LBB2_2:
0x20: {  	s0 =	simm.s32 $0x0  }
0x21: {  	[tilespmem:s0], [sflag:$0x1] =	stream.linear.gather [hbm4b:s8+s0], $0x400, $0x38;
	[tilespmem:$0x4900] =	vst v63  }
0x22: {  	_ = 	snop  }
0x23: {  	[tilespmem:s10], [sflag:$0x1] =	stream.linear.gather [hbm4b:s7+s0], $0x400, $0x38;
	[tilespmem:$0x4900] =	vst v63  }
0x24: {  	_ = 	snop  }
0x25: {  	[tilespmem:s12], [sflag:$0x1] =	stream.linear.gather [hbm4b:s6+s0], $0x400, $0x38;
	[tilespmem:$0x4900] =	vst v63  }
0x26: {  	_ = 	snop  }
0x27: {  	[tilespmem:s13], [sflag:$0x1] =	stream.linear.gather [hbm4b:s30+s0], $0x400, $0x38;
	[tilespmem:$0x4900] =	vst v63  }
0x28: {  	_ = 	snop  }
0x29: {  	[tilespmem:s14], [sflag:$0x1] =	stream.linear.gather [hbm4b:s15+s0], $0x400, $0x38;
	[tilespmem:$0x4900] =	vst v63  }
0x2a: {  	_ = 	snop  }
0x2b: {  	[tilespmem:s28], [sflag:$0x1] =	stream.linear.gather [hbm4b:s9+s0], $0x400, $0x38;
	[tilespmem:$0x4900] =	vst v63  }
0x2c: {  	_ =	swait.ge [sflag:s18], $0x400  }
0x2d: {  	[sflag:s18] =	ssyncset.done $0x0  }
0x2e: {  	[sflag:s18] =	ssyncadd.s32 $0xFFFFFC00  }
0x2f: {  	_ =	swait.ge [sflag:s18], $0x400  }
0x30: {  	[sflag:s18] =	ssyncset.done $0x0  }
0x31: {  	[sflag:s18] =	ssyncadd.s32 $0xFFFFFC00  }
0x32: {  	_ =	swait.ge [sflag:s18], $0x400  }
0x33: {  	[sflag:s18] =	ssyncset.done $0x0  }
0x34: {  	[sflag:s18] =	ssyncadd.s32 $0xFFFFFC00  }
0x35: {  	_ =	swait.ge [sflag:s18], $0x400  }
0x36: {  	[sflag:s18] =	ssyncset.done $0x0  }
0x37: {  	[sflag:s18] =	ssyncadd.s32 $0xFFFFFC00  }
0x38: {  	_ =	swait.ge [sflag:s18], $0x400  }
0x39: {  	[sflag:s18] =	ssyncset.done $0x0  }
0x3a: {  	[sflag:s18] =	ssyncadd.s32 $0xFFFFFC00  }
0x3b: {  	_ =	swait.ge [sflag:s18], $0x400  }
0x3c: {  	[sflag:s18] =	ssyncset.done $0x0  }
0x3d: {  	[sflag:s18] =	ssyncadd.s32 $0xFFFFFC00  }
0x3e: {  	[tilespmem:$0x4000] =	vst v1  }
0x3f: {  	[tilespmem:$0x4010] =	vst v1  }
0x40: {  	[tilespmem:$0x4020] =	vst v1  }
0x41: {  	[tilespmem:$0x4030] =	vst v1  }
0x42: {  	[tilespmem:$0x4040] =	vst v1  }
0x43: {  	s1 =	simm.s32 $0x40;
	s0 =	simm.s32 $0x0;
	[tilespmem:$0x4050] =	vst v1  }
.LBB2_3:
0x44: {  	p0 =	sne.s32 s1, $0xFC0;
	v10 =	vld [tilespmem:s0+$0x1400];
	_ =	sdelay $0x4  }
0x45: {  	v10 =	vtrunc.f32 v10  }
0x46: {  	v10 =	vcvt.f32.s32 v10;
	_ =	sdelay $0x1  }
0x47: {  	(xrf1) =	vunique.msk.u32 $0xffff, v10;
	_ =	sdelay $0xd  }
0x48: {  	_, v11, vm6 =	vpop (xrf1);
	_ =	sdelay $0x1  }
.Ltmp3:
0x49: {  	(pc) =	sbr.rel @p0 .LBB2_3-.Ltmp3, $4  }
0x4a: {  	v12 =	vadd.s32 $0xFFFFFFFF, v11;
	[tilespmem:s0+$0x1800] =	vst v10  }
0x4b: {  	[tilespmem:s0+$0x1C00] =	vst v12;
	v12 =	vsel vm6, $0x1, v1  }
0x4c: {  	[tilespmem:s0+$0x2000] =	vst v12  }
0x4d: {  	s0 =	sshra.s32 s1, $0x2;
	s1 =	sadd.s32 $0x40, s1;
	[tilespmem:v10+s16+$0x0] =	vst.idx.add.s32.msk vm6, v11  }
0x4e: {  	v10 =	vld [tilespmem:s0+$0x1400];
	_ =	sdelay $0x4  }
0x4f: {  	v10 =	vtrunc.f32 v10  }
0x50: {  	v10 =	vcvt.f32.s32 v10;
	_ =	sdelay $0x1  }
0x51: {  	(xrf1) =	vunique.msk.u32 $0xffff, v10;
	_ =	sdelay $0xd  }
0x52: {  	_, v11, vm6 =	vpop (xrf1);
	_ =	sdelay $0x2  }
0x53: {  	[tilespmem:s0+$0x1800] =	vst v10;
	v12 =	vadd.s32 $0xFFFFFFFF, v11  }
0x54: {  	v57 =	vsel vm6, $0x1, v1;
	[tilespmem:s0+$0x1C00] =	vst v12  }
0x55: {  	[tilespmem:s0+$0x2000] =	vst v57  }
0x56: {  	[tilespmem:v10+s16+$0x0] =	vst.idx.add.s32.msk vm6, v11  }
0x57: {  	v10 =	vld [tilespmem:$0x4000];
	_ =	sdelay $0x4  }
0x58: {  	(xrf0) =	vadd.scan.msk.s32 $0xffff, v10;
	_ =	sdelay $0x3  }
0x59: {  	v11 =	vld [tilespmem:$0x4010];
	_ =	sdelay $0x1  }
0x5a: {  	v58, _, _ =	vpop (xrf0)  }
0x5b: {  	v13 =	vxor.u32 $0x80000000, v58  }
0x5c: {  	(xrf0) =	vmax.scan.msk.u32 $0xffff, v13  }
0x5d: {  	(xrf0) =	vadd.scan.msk.s32 $0xffff, v11;
	_ =	sdelay $0x3  }
0x5e: {  	v59 =	vld [tilespmem:$0x4020]  }
0x5f: {  	v14, _, _ =	vpop (xrf0)  }
0x60: {  	v15, _, _ =	vpop (xrf0)  }
0x61: {  	v16 =	vxor.u32 $0x80000000, v15  }
0x62: {  	(xrf0) =	vmax.scan.msk.u32 $0xffff, v16  }
0x63: {  	(xrf0) =	vadd.scan.msk.s32 $0xffff, v59;
	_ =	sdelay $0x3  }
0x64: {  	v60 =	vld [tilespmem:$0x4030]  }
0x65: {  	v17, _, _ =	vpop (xrf0)  }
0x66: {  	v18, _, _ =	vpop (xrf0)  }
0x67: {  	v19 =	vxor.u32 $0x80000000, v18  }
0x68: {  	(xrf0) =	vmax.scan.msk.u32 $0xffff, v19  }
0x69: {  	(xrf0) =	vadd.scan.msk.s32 $0xffff, v60;
	_ =	sdelay $0x3  }
0x6a: {  	v61 =	vld [tilespmem:$0x4040]  }
0x6b: {  	v20, _, _ =	vpop (xrf0)  }
0x6c: {  	v21, _, _ =	vpop (xrf0)  }
0x6d: {  	v22 =	vxor.u32 $0x80000000, v21  }
0x6e: {  	(xrf0) =	vmax.scan.msk.u32 $0xffff, v22  }
0x6f: {  	(xrf0) =	vadd.scan.msk.s32 $0xffff, v61;
	_ =	sdelay $0x4  }
0x70: {  	v22, _, _ =	vpop (xrf0)  }
0x71: {  	v23, _, _ =	vpop (xrf0)  }
0x72: {  	(v2sf) =	vpush v14, $0xF;
	v24 =	vxor.u32 $0x80000000, v23  }
0x73: {  	(v2sf) =	vpush v17, $0xF;
	(xrf0) =	vmax.scan.msk.u32 $0xffff, v24;
	_ =	sdelay $0x1  }
0x74: {  	(v2sf) =	vpush v20, $0xF;
	_ =	sdelay $0x2  }
0x75: {  	(v2sf) =	vpush v22, $0xF  }
0x76: {  	v62, _, _ =	vpop (xrf0)  }
0x77: {  	(v2sf) =	vpush v62, $0xF;
	_ =	sdelay $0x4  }
0x78: {  	v63 =	vld [tilespmem:$0x4050];
	_ =	sdelay $0x1  }
0x79: {  	v10 =	vsub.s32 v58, v10;
	s5 =	spop (v2sf)  }
0x7a: {  	[tilespmem:$0x4080] =	vst v10;
	v11 =	vsub.s32 v15, v11;
	s0 =	sxor.u32 $0x80000000, s5;
	s1 =	spop (v2sf)  }
0x7b: {  	[tilespmem:$0x4100] =	vst v10;
	v10 =	vadd.s32 s0, v11;
	s0 =	sadd.s32 s1, s0  }
0x7c: {  	v11 =	vsub.s32 v18, v59;
	[tilespmem:$0x4090] =	vst v10;
	s0 =	sadd.s32 $0x80000000, s0;
	s3 =	spop (v2sf);
	(xrf0) =	vadd.scan.msk.s32 $0xffff, v63  }
0x7d: {  	[tilespmem:$0x4110] =	vst v10;
	v10 =	vadd.s32 s0, v11;
	s0 =	sadd.s32 s3, s0  }
0x7e: {  	v11 =	vsub.s32 v21, v60;
	[tilespmem:$0x40A0] =	vst v10;
	s0 =	sadd.s32 $0x80000000, s0  }
0x7f: {  	[tilespmem:$0x4120] =	vst v10;
	v10 =	vadd.s32 s0, v11;
	v11 =	vsub.s32 v23, v61;
	s4 =	spop (v2sf)  }
0x80: {  	s0 =	sadd.s32 s4, s0  }
0x81: {  	[tilespmem:$0x40B0] =	vst v10;
	s0 =	sadd.s32 $0x80000000, s0;
	s5 =	spop (v2sf)  }
0x82: {  	[tilespmem:$0x4130] =	vst v10;
	v10 =	vadd.s32 s0, v11;
	v11, _, _ =	vpop (xrf0);
	s0 =	sadd.s32 s5, s0  }
0x83: {  	[tilespmem:$0x40C0] =	vst v10;
	v11 =	vsub.s32 v11, v63;
	s0 =	sadd.s32 $0x80000000, s0  }
0x84: {  	[tilespmem:$0x4140] =	vst v10;
	v10 =	vadd.s32 s0, v11  }
0x85: {  	[tilespmem:$0x40D0] =	vst v10  }
0x86: {  	s1 =	simm.s32 $0x0;
	s3 =	simm.s32 $0x0;
	s4 =	simm.s32 $0x0;
	[tilespmem:$0x4150] =	vst v10  }
.LBB2_5:
0x87: {  	s0 =	sshra.s32 s4, $0x2  }
0x88: {  	v10 =	vld [tilespmem:s0+$0x1800];
	_ =	sdelay $0x6  }
0x89: {  	v11 =	vld [tilespmem:s0+$0x1C00]  }
0x8a: {  	v12 =	vld.idx.msk [tilespmem:v10+s17+$0x0], $0xffff;
	_ =	sdelay $0x4  }
0x8b: {  	v13 =	vld [tilespmem:s0+$0x0];
	v12 =	vadd.s32 v11, v12;
	_ =	sdelay $0x3  }
0x8c: {  	s5 =	simm.s32 $0x2400  }
0x8d: {  	v14 =	vld [tilespmem:s0+$0x2000];
	[tilespmem:v12+s5+$0x0] =	vst.idx.msk $0xffff, v13  }
0x8e: {  	v13 =	vld [tilespmem:s0+$0x400];
	_ =	sdelay $0x4  }
0x8f: {  	[tilespmem:v12+s19+$0x0] =	vst.idx.msk $0xffff, v13  }
0x90: {  	v13 =	vld [tilespmem:s0+$0x800];
	_ =	sdelay $0x4  }
0x91: {  	[tilespmem:v12+s20+$0x0] =	vst.idx.msk $0xffff, v13  }
0x92: {  	v13 =	vld [tilespmem:s0+$0xC00];
	_ =	sdelay $0x4  }
0x93: {  	[tilespmem:v12+s21+$0x0] =	vst.idx.msk $0xffff, v13  }
0x94: {  	v13 =	vld [tilespmem:s0+$0x1000];
	_ =	sdelay $0x4  }
0x95: {  	[tilespmem:v12+s22+$0x0] =	vst.idx.msk $0xffff, v13  }
0x96: {  	v13 =	vld [tilespmem:s0+$0x1400]  }
0x97: {  	vm6 =	veq.s32 v14, $0x1  }
0x98: {  	p0 =	sne.s32 s4, $0xFC0  }
.Ltmp4:
0x99: {  	_ = 	snop;
	(pc) =	sbr.rel @p0 .LBB2_5-.Ltmp4, $4  }
0x9a: {  	_ = 	snop  }
0x9b: {  	v63 =	vor.u32 s3, v0;
	s0 =	simm.s32 $0x3C00;
	[tilespmem:v12+s23+$0x0] =	vst.idx.msk $0xffff, v13  }
0x9c: {  	v11 =	vadd.s32 $0x1, v11;
	[tilespmem:v12+s0+$0x0] =	vst.idx.msk $0xffff, v63  }
0x9d: {  	s3 =	sadd.s32 $0x10, s3;
	s4 =	sadd.s32 $0x40, s4;
	[tilespmem:v10+s17+$0x0] =	vst.idx.add.s32.msk vm6, v11  }
0x9e: {  	v10 =	vld [tilespmem:s5+$0x0];
	_ =	sdelay $0x4  }
0x9f: {  	(xrf0) =	vmax.scan.msk.f32 $0xffff, v10;
	_ =	sdelay $0x3  }
0xa0: {  	v11 =	vld [tilespmem:s0+$0x0];
	_ =	sdelay $0x1  }
0xa1: {  	v12, _, _ =	vpop (xrf0)  }
0xa2: {  	v12 =	vbroadcast v12, $0xF;
	_ =	sdelay $0x1  }
0xa3: {  	vm6 =	veq.f32 v10, v12;
	v10 =	vxor.u32 $0x80000000, v11  }
0xa4: {  	v10 =	vnsel vm6, $0xC0000000, v10  }
0xa5: {  	(xrf0) =	vmin.scan.msk.u32 $0xffff, v10;
	_ =	sdelay $0x5  }
0xa6: {  	v10, _, _ =	vpop (xrf0)  }
0xa7: {  	(v2sf) =	vpush v10, $0xF;
	_ =	sdelay $0xb  }
0xa8: {  	v10 =	vmov s1;
	_ =	sdelay $0x2  }
0xa9: {  	s5 =	spop (v2sf)  }
0xaa: {  	s1 =	sxor.u32 $0x80000000, s5  }
0xab: {  	[tilespmem:v10+s24+$0x0] =	vst.idx.msk $0x1, v12;
	v11 =	vmov s1  }
0xac: {  	s3 =	simm.s32 $0x2410;
	[tilespmem:v10+s25+$0x0] =	vst.idx.msk $0x1, v11  }
0xad: {  	s4 =	simm.s32 $0x2;
	s1 =	simm.s32 $0x1;
	v10 =	vld [tilespmem:s3+$0x0]  }
.LBB2_7:
0xae: {  	p0 =	sne.s32 s4, $0x3F;
	_ =	sdelay $0x3  }
0xaf: {  	(xrf0) =	vmax.scan.msk.f32 $0xffff, v10;
	_ =	sdelay $0x2  }
0xb0: {  	s0 =	sadd.s32 $0x10, s0  }
0xb1: {  	v11 =	vld [tilespmem:s0+$0x0];
	_ =	sdelay $0x1  }
0xb2: {  	v12, _, _ =	vpop (xrf0)  }
0xb3: {  	v12 =	vbroadcast v12, $0xF;
	_ =	sdelay $0x1  }
0xb4: {  	vm6 =	veq.f32 v10, v12;
	v10 =	vxor.u32 $0x80000000, v11  }
0xb5: {  	v10 =	vnsel vm6, $0xC0000000, v10  }
0xb6: {  	(xrf0) =	vmin.scan.msk.u32 $0xffff, v10;
	_ =	sdelay $0x5  }
0xb7: {  	v10, _, _ =	vpop (xrf0)  }
0xb8: {  	(v2sf) =	vpush v10, $0xF;
	_ =	sdelay $0xb  }
0xb9: {  	v10 =	vmov s1;
	s1 =	smov.u32 s4;
	_ =	sdelay $0x2  }
.Ltmp5:
0xba: {  	s5 =	spop (v2sf);
	(pc) =	sbr.rel @p0 .LBB2_7-.Ltmp5, $4  }
0xbb: {  	s5 =	sxor.u32 $0x80000000, s5  }
0xbc: {  	[tilespmem:v10+s24+$0x0] =	vst.idx.msk $0x1, v12;
	v11 =	vmov s5  }
0xbd: {  	s3 =	sadd.s32 $0x10, s3;
	[tilespmem:v10+s25+$0x0] =	vst.idx.msk $0x1, v11  }
0xbe: {  	s4 =	sadd.s32 $0x1, s4;
	v10 =	vld [tilespmem:s3+$0x0]  }
0xbf: {  	_ =	sdelay $0x3  }
0xc0: {  	(xrf0) =	vmax.scan.msk.f32 $0xffff, v10;
	_ =	sdelay $0x2  }
0xc1: {  	s0 =	sadd.s32 $0x10, s0  }
0xc2: {  	v11 =	vld [tilespmem:s0+$0x0];
	_ =	sdelay $0x1  }
0xc3: {  	v12, _, _ =	vpop (xrf0)  }
0xc4: {  	v12 =	vbroadcast v12, $0xF;
	_ =	sdelay $0x1  }
0xc5: {  	vm6 =	veq.f32 v10, v12;
	v10 =	vxor.u32 $0x80000000, v11  }
0xc6: {  	v10 =	vnsel vm6, $0xC0000000, v10  }
0xc7: {  	(xrf0) =	vmin.scan.msk.u32 $0xffff, v10;
	_ =	sdelay $0x5  }
0xc8: {  	v10, _, _ =	vpop (xrf0)  }
0xc9: {  	(v2sf) =	vpush v10, $0xF;
	_ =	sdelay $0xb  }
0xca: {  	v10 =	vmov s1;
	_ =	sdelay $0x2  }
0xcb: {  	s5 =	spop (v2sf)  }
0xcc: {  	s0 =	sxor.u32 $0x80000000, s5  }
0xcd: {  	[tilespmem:v10+s24+$0x0] =	vst.idx.msk $0x1, v12;
	v11 =	vmov s0  }
0xce: {  	[tilespmem:v10+s25+$0x0] =	vst.idx.msk $0x1, v11  }
0xcf: {  	v10 =	vld [tilespmem:$0x4180]  }
0xd0: {  	v11 =	vld [tilespmem:$0x4190]  }
0xd1: {  	v12 =	vld [tilespmem:$0x41A0]  }
0xd2: {  	v13 =	vld [tilespmem:$0x41B0];
	_ =	sdelay $0x4  }
0xd3: {  	v14 =	vmax.f32 v10, v11;
	v15 =	vmax.f32 v12, v13  }
0xd4: {  	v14 =	vmax.f32 v14, v15  }
0xd5: {  	(xrf0) =	vmax.scan.msk.f32 $0xffff, v14;
	_ =	sdelay $0x5  }
0xd6: {  	v14, _, _ =	vpop (xrf0)  }
0xd7: {  	(v2sf) =	vpush v14, $0xF;
	_ =	sdelay $0xe  }
0xd8: {  	s1 =	spop (v2sf)  }
0xd9: {  	p0 =	sgt.f32 s1, $0.0e+00  }
.Ltmp6:
0xda: {  	_ = 	snop;
	(pc) =	sbr.rel @!p0 .LBB2_14-.Ltmp6, $2  }
0xdb: {  	_ =	sdelay $0x2  }
0xdc: {  	s0 =	simm.s32 $0x0  }
.Ltmp7:
0xdd: {  	(pc) =	sbr.rel .LBB2_10-.Ltmp7, $4  }
0xde: {  	v14 =	vld [tilespmem:$0x4230]  }
0xdf: {  	v15 =	vld [tilespmem:$0x4220]  }
0xe0: {  	v16 =	vld [tilespmem:$0x4210]  }
0xe1: {  	s8 =	smov.u32 s11;
	s31 =	simm.s32 $0x0;
	v17 =	vld [tilespmem:$0x4200]  }
.LBB2_12:
0xe2: {  	v27 =	vmovc v17;
	v28 =	vmov v16;
	v29 =	vmov v15;
	v30 =	vmov v14;
	s5 =	simm.s32 $0x3C20  }
.LBB2_23:
0xe3: {  	_ =	sdelay $0x1  }
0xe4: {  	s0 =	sadd.s32 @p0 $0x10, s5  }
0xe5: {  	s1 =	smov.u32 @p0 s0  }
0xe6: {  	v18 =	vld.idx.msk [tilespmem:v24+s1+$0x0 ss:$0x1], $0xffff;
	_ =	sdelay $0x1  }
0xe7: {  	v19, _, _ =	vpop (xrf0)  }
0xe8: {  	v19 =	vbroadcast v19, $0xF;
	_ =	sdelay $0x1  }
0xe9: {  	vm10 =	veq.f32 v31, v19;
	v18 =	vxor.u32 $0x80000000, v18  }
0xea: {  	v18 =	vnsel vm10, $0xC0000000, v18  }
0xeb: {  	(xrf0) =	vmin.scan.msk.u32 $0xffff, v18;
	_ =	sdelay $0x5  }
0xec: {  	v18, _, _ =	vpop (xrf0)  }
0xed: {  	(v2sf) =	vpush v18, $0xF;
	_ =	sdelay $0xb  }
0xee: {  	v20 =	vsel @p0 vm7, s6, v28;
	v21 =	vmov s3;
	v22 =	vsel @p0 vm9, s6, v29  }
0xef: {  	v23 =	vsel @p0 vm8, s6, v30;
	vm7 =	veq.s32 v21, v6;
	vm14 =	veq.s32 v21, v7  }
0xf0: {  	vm15 =	veq.s32 v21, v8;
	v16 =	vpsel p0, v20, v16;
	v15 =	vpsel p0, v22, v15  }
0xf1: {  	v14 =	vpsel p0, v23, v14;
	v11 =	vsel vm7, v19, v11;
	v18 =	vsel @p0 vm6, s6, v27;
	s29 =	spop (v2sf)  }
0xf2: {  	v12 =	vsel vm14, v19, v12;
	vm6 =	veq.s32 v21, v0;
	v17 =	vpsel p0, v18, v17;
	s0 =	sxor.u32 $0x80000000, s29  }
0xf3: {  	v13 =	vsel vm15, v19, v13;
	v10 =	vsel vm6, v19, v10;
	v17 =	vsel vm6, s0, v17  }
0xf4: {  	v16 =	vsel vm7, s0, v16;
	v15 =	vsel vm14, s0, v15;
	v14 =	vsel vm15, s0, v14  }
.LBB2_24:
0xf5: {  	v18 =	vmax.f32 v10, v11;
	v19 =	vmax.f32 v12, v13  }
0xf6: {  	v18 =	vmax.f32 v18, v19  }
0xf7: {  	(xrf0) =	vmax.scan.msk.f32 $0xffff, v18;
	_ =	sdelay $0x5  }
0xf8: {  	v18, _, _ =	vpop (xrf0)  }
0xf9: {  	(v2sf) =	vpush v18, $0xF;
	_ =	sdelay $0xe  }
0xfa: {  	p0 =	sgt.u32 s31, $0x62;
	s1 =	spop (v2sf)  }
0xfb: {  	p1 =	sgt.f32 @!p0 s1, $0.0e+00;
	_ =	sdelay $0x1  }
0xfc: {  	p1 =	por p0, !p1  }
.Ltmp8:
0xfd: {  	_ = 	snop;
	(pc) =	sbr.rel @p1 .LBB2_13-.Ltmp8, $3  }
0xfe: {  	_ =	sdelay $0x1  }
0xff: {  	s0 =	sadd.s32 $0x1, s31  }
0x100: {  	s31 =	smov.u32 s0  }
.LBB2_10:
0x101: {  	_ =	sdelay $0x1  }
0x102: {  	vm6 =	veq.f32 v10, s1;
	vm9 =	veq.f32 v13, s1  }
0x103: {  	vm7 =	veq.f32 v11, s1;
	vm8 =	veq.f32 v12, s1;
	v21 =	vnsel vm9, $0x40000000, v14  }
0x104: {  	v20 =	vnsel vm8, $0x40000000, v15;
	v19 =	vnsel vm7, $0x40000000, v16;
	v18 =	vnsel vm6, $0x40000000, v17  }
0x105: {  	vm11 =	vlt.s32 v20, v21;
	vm10 =	vlt.s32 v18, v19  }
0x106: {  	v18 =	vsel vm10, v18, v19;
	v19 =	vsel vm11, v20, v21  }
0x107: {  	vm10 =	vlt.s32 v18, v19  }
0x108: {  	v18 =	vsel vm10, v18, v19  }
0x109: {  	v18 =	vxor.u32 $0x80000000, v18  }
0x10a: {  	(xrf0) =	vmin.scan.msk.u32 $0xffff, v18;
	_ =	sdelay $0x5  }
0x10b: {  	v18, _, _ =	vpop (xrf0)  }
0x10c: {  	(v2sf) =	vpush v18, $0xF;
	_ =	sdelay $0xe  }
0x10d: {  	s0 =	spop (v2sf)  }
0x10e: {  	s0 =	sxor.u32 $0x80000000, s0  }
0x10f: {  	vm14 =	veq.s32 v14, s0  }
0x110: {  	vm15 =	veq.s32 v15, s0;
	vm9 =	vmand vm9, vm14  }
0x111: {  	vm12 =	veq.s32 v16, s0;
	vm8 =	vmand vm8, vm15;
	v18 =	vnsel vm9, $0xC0000000, v2  }
0x112: {  	vm13 =	veq.s32 v17, s0;
	vm7 =	vmand vm7, vm12;
	v18 =	vsel vm8, v3, v18  }
0x113: {  	vm6 =	vmand vm6, vm13;
	v18 =	vsel vm7, v4, v18  }
0x114: {  	v18 =	vsel vm6, v5, v18  }
0x115: {  	(xrf0) =	vmin.scan.msk.u32 $0xffff, v18;
	_ =	sdelay $0x5  }
0x116: {  	v18, _, _ =	vpop (xrf0)  }
0x117: {  	(v2sf) =	vpush v18, $0xF;
	_ =	sdelay $0xe  }
0x118: {  	s3 =	spop (v2sf)  }
0x119: {  	s3 =	sxor.u32 $0x80000000, s3  }
0x11a: {  	p0 =	sgt.s32 s3, $0x0  }
0x11b: {  	s3 =	simm.s32 @!p0 $0x0  }
0x11c: {  	s3 =	smin.u32 s3, $0x3F  }
0x11d: {  	s3 =	sshll.u32 s3, $0x4  }
0x11e: {  	v18 =	vld [tilespmem:s3+$0x2400]  }
0x11f: {  	v19 =	vld [tilespmem:s3+$0x3C00];
	_ =	sdelay $0x4  }
0x120: {  	vm6 =	veq.f32 v18, s1;
	vm7 =	veq.s32 v19, s0  }
0x121: {  	vm6 =	vmand vm6, vm7  }
0x122: {  	v18 =	vnsel vm6, $0x8000000F, v5  }
0x123: {  	(xrf0) =	vmin.scan.msk.u32 $0xffff, v18;
	_ =	sdelay $0x5  }
0x124: {  	v18, _, _ =	vpop (xrf0)  }
0x125: {  	(v2sf) =	vpush v18, $0xF;
	_ =	sdelay $0xe  }
0x126: {  	s28 =	spop (v2sf)  }
0x127: {  	s0 =	sadd.s32 s28, s3  }
0x128: {  	s0 =	sadd.s32 $0x80000000, s0  }
0x129: {  	v18 =	vmov s0;
	_ =	sdelay $0x4  }
0x12a: {  	v19 =	vld.idx.msk [tilespmem:v18+s23+$0x0], $0xffff;
	_ =	sdelay $0x2  }
0x12b: {  	v20 =	vld.idx.msk [tilespmem:v18+s19+$0x0], $0xffff  }
0x12c: {  	v21 =	vld.idx.msk [tilespmem:v18+s20+$0x0], $0xffff  }
0x12d: {  	v22 =	vld.idx.msk [tilespmem:v18+s21+$0x0], $0xffff;
	v23 =	vtrunc.f32 v19  }
0x12e: {  	v24 =	vld.idx.msk [tilespmem:v18+s22+$0x0], $0xffff;
	v23 =	vcvt.f32.s32 v23;
	_ =	sdelay $0x1  }
0x12f: {  	v25 =	vnsel vm0, $0x0, v20;
	vm6 =	vgt.s32 v23, $0x0  }
0x130: {  	v25 =	vsel vm1, v25, v21;
	v23 =	vnsel vm6, $0x0, v23  }
0x131: {  	v25 =	vsel vm2, v25, v22;
	v23 =	vmin.u32 v23, $0x5F  }
0x132: {  	v25 =	vsel vm3, v25, v24  }
0x133: {  	s29 =	sshll.u32 s31, $0x4;
	v25 =	vsel vm4, v25, v19  }
0x134: {  	s4 =	sand.u32 $0x3FFFFFF0, s29;
	v25 =	vnsel vm5, s1, v25  }
0x135: {  	[tilespmem:s4+$0x4280] =	vst v25  }
0x136: {  	v25 =	vld.idx.msk [tilespmem:v23+s26+$0x0], $0xffff;
	_ =	sdelay $0x4  }
0x137: {  	v25 =	vxor.u32 $0x80000000, v25  }
0x138: {  	(xrf0) =	vmax.scan.msk.u32 $0xffff, v25;
	_ =	sdelay $0x5  }
0x139: {  	v25, _, _ =	vpop (xrf0)  }
0x13a: {  	(v2sf) =	vpush v25, $0xF;
	_ =	sdelay $0xe  }
0x13b: {  	s5 =	spop (v2sf)  }
0x13c: {  	s1 =	sxor.u32 $0x80000000, s5  }
0x13d: {  	s6 =	sshra.s32 s1, $0x1F  }
0x13e: {  	s3 =	sshrl.u32 s6, $0x1C  }
0x13f: {  	s3 =	sadd.s32 s3, s1  }
0x140: {  	s3 =	sshra.s32 s3, $0x4  }
0x141: {  	p0 =	sgt.s32 s3, $0x0  }
0x142: {  	s3 =	simm.s32 @!p0 $0x0  }
0x143: {  	s12 =	smin.u32 s3, $0x3F  }
0x144: {  	v23 =	vld.idx.msk [tilespmem:v23+s16+$0x0], $0xffff;
	s11 =	sshll.u32 s12, $0x4  }
0x145: {  	v61 =	vld [tilespmem:s11+$0x3800]  }
0x146: {  	v26 =	vld [tilespmem:s11+$0x2800]  }
0x147: {  	v27 =	vld [tilespmem:s11+$0x2C00]  }
0x148: {  	v28 =	vld [tilespmem:s11+$0x3000]  }
0x149: {  	v29 =	vmul.f32 $1.000000000e+01, v19;
	v30 =	vld [tilespmem:s11+$0x3400];
	_ =	sdelay $0x1  }
0x14a: {  	v19 =	vadd.f32 v29, v20;
	v20 =	vadd.f32 v29, v21;
	v25 =	vmul.f32 $1.000000000e+01, v61  }
0x14b: {  	v21 =	vadd.f32 v29, v22;
	v22 =	vadd.f32 v29, v24;
	v23 =	vxor.u32 $0x80000000, v23  }
0x14c: {  	(xrf0) =	vmax.scan.msk.u32 $0xffff, v23;
	v23 =	vadd.f32 v25, v26;
	v62 =	vadd.f32 v27, v25  }
0x14d: {  	v63 =	vadd.f32 v28, v25;
	v25 =	vadd.f32 v30, v25  }
0x14e: {  	v33 =	vsub.f32 v21, v19;
	v34 =	vsub.f32 v22, v20  }
0x14f: {  	v35 =	vsub.f32 v63, v23;
	v30 =	vsub.f32 v25, v62;
	v23 =	vmax.f32 v23, v19  }
0x150: {  	v24 =	vmax.f32 v62, v20;
	v26 =	vmin.f32 v63, v21;
	v25 =	vmin.f32 v25, v22  }
0x151: {  	v26 =	vsub.f32 v26, v23;
	v24 =	vsub.f32 v25, v24  }
0x152: {  	v36, _, _ =	vpop (xrf0);
	v23 =	vmul.f32 v34, v33;
	v37 =	vmul.f32 v30, v35  }
0x153: {  	(v2sf) =	vpush v36, $0xF;
	v38 =	vmax.f32 v26, $0.0e+00;
	v24 =	vmax.f32 v24, $0.0e+00  }
0x154: {  	v24 =	vmul.f32 v24, v38;
	v39 =	vadd.f32 v37, v23;
	_ =	sdelay $0x1  }
0x155: {  	v25 =	vsub.f32 v39, v24;
	_ =	sdelay $0x1  }
0x156: {  	v25 =	vmax.f32 v25, $9.999999930e-09  }
0x157: {  	(erf) = vrcp.f32 v25;
	_ =	sdelay $0x8  }
0x158: {  	s4 =	spop (v2sf);
	v25 =	vpop (erf)  }
0x159: {  	v40 =	vor.u32 s11, v0;
	v41 =	vld [tilespmem:s11+$0x2400];
	s5 =	sadd.s32 s4, s1;
	v24 =	vmul.f32 v25, v24  }
0x15a: {  	vm6 =	vge.s32 v40, s1;
	s13 =	sadd.s32 $0x80000000, s5  }
0x15b: {  	vm15 =	veq.s32 v40, s0;
	vm7 =	vlt.s32 v40, s13;
	vm14 =	vgt.f32 v24, $3.000000120e-01  }
0x15c: {  	vm6 =	vmand vm6, vm7;
	vm7 =	vmor vm15, vm14  }
0x15d: {  	s3 =	smin.u32 s3, $0x3E;
	vm6 =	vmand vm6, vm7  }
0x15e: {  	s3 =	sadd.s32 $0x1, s3;
	v42 =	vsel vm6, $0xBF800000, v41  }
0x15f: {  	s7 =	sshll.u32 s3, $0x4;
	[tilespmem:s11+$0x2400] =	vst v42  }
0x160: {  	v43 =	vld [tilespmem:s7+$0x3800]  }
0x161: {  	v44 =	vld [tilespmem:s7+$0x2800]  }
0x162: {  	v45 =	vld [tilespmem:s7+$0x2C00]  }
0x163: {  	v46 =	vld [tilespmem:s7+$0x3000]  }
0x164: {  	v47 =	vld [tilespmem:s7+$0x3400];
	_ =	sdelay $0x1  }
0x165: {  	v25 =	vmul.f32 $1.000000000e+01, v43;
	_ =	sdelay $0x1  }
0x166: {  	v26 =	vadd.f32 v25, v44;
	v27 =	vadd.f32 v45, v25  }
0x167: {  	v28 =	vadd.f32 v46, v25;
	v25 =	vadd.f32 v47, v25;
	_ =	sdelay $0x1  }
0x168: {  	v48 =	vsub.f32 v28, v26;
	v49 =	vsub.f32 v25, v27;
	v26 =	vmax.f32 v26, v19  }
0x169: {  	v27 =	vmax.f32 v27, v20;
	v28 =	vmin.f32 v28, v21;
	v25 =	vmin.f32 v25, v22  }
0x16a: {  	v26 =	vsub.f32 v28, v26;
	v25 =	vsub.f32 v25, v27  }
0x16b: {  	v50 =	vmul.f32 v49, v48  }
0x16c: {  	v26 =	vmax.f32 v26, $0.0e+00;
	v25 =	vmax.f32 v25, $0.0e+00  }
0x16d: {  	v25 =	vmul.f32 v25, v26;
	v51 =	vadd.f32 v50, v23;
	_ =	sdelay $0x1  }
0x16e: {  	v26 =	vsub.f32 v51, v25;
	_ =	sdelay $0x1  }
0x16f: {  	v26 =	vmax.f32 v26, $9.999999930e-09  }
0x170: {  	(erf) = vrcp.f32 v26;
	_ =	sdelay $0x3  }
0x171: {  	(xrf0) =	vmax.scan.msk.f32 $0xffff, v42;
	_ =	sdelay $0x1  }
0x172: {  	v53 =	vld [tilespmem:s11+$0x3C00];
	_ =	sdelay $0x2  }
0x173: {  	v54 =	vpop (erf)  }
0x174: {  	v55 =	vor.u32 s7, v0;
	v56 =	vld [tilespmem:s7+$0x2400];
	v52, _, _ =	vpop (xrf0);
	v25 =	vmul.f32 v54, v25  }
0x175: {  	v57 =	vxor.u32 $0x80000000, v53;
	vm12 =	vlt.s32 v55, s13;
	v26 =	vbroadcast v52, $0xF  }
0x176: {  	vm14 =	veq.s32 v55, s0;
	vm7 =	vge.s32 v55, s1;
	vm13 =	vgt.f32 v25, $3.000000120e-01  }
0x177: {  	vm7 =	vmand vm7, vm12;
	vm6 =	veq.f32 v42, v26;
	vm15 =	vmor vm14, vm13  }
0x178: {  	v24 =	vnsel vm6, $0xC0000000, v57;
	vm6 =	vmand vm7, vm15  }
0x179: {  	(xrf0) =	vmin.scan.msk.u32 $0xffff, v24;
	v58 =	vsel vm6, $0xBF800000, v56  }
0x17a: {  	(xrf0) =	vmax.scan.msk.f32 $0xffff, v58;
	_ =	sdelay $0x3  }
0x17b: {  	v59 =	vld [tilespmem:s7+$0x3C00]  }
0x17c: {  	v60, _, _ =	vpop (xrf0)  }
0x17d: {  	v61, _, _ =	vpop (xrf0)  }
0x17e: {  	v28 =	vbroadcast v61, $0xF;
	_ =	sdelay $0x1  }
0x17f: {  	v25 =	vxor.u32 $0x80000000, v59;
	vm6 =	veq.f32 v58, v28  }
0x180: {  	v25 =	vnsel vm6, $0xC0000000, v25  }
0x181: {  	(xrf0) =	vmin.scan.msk.u32 $0xffff, v25;
	_ =	sdelay $0x4  }
0x182: {  	(v2sf) =	vpush v60, $0xF  }
0x183: {  	v25, _, _ =	vpop (xrf0)  }
0x184: {  	(v2sf) =	vpush v25, $0xF;
	_ =	sdelay $0x4  }
0x185: {  	s10 =	sadd.s32 $0x8000000F, s5  }
0x186: {  	s5 =	sshra.s32 s10, $0x1F  }
0x187: {  	s5 =	sshrl.u32 s5, $0x1C  }
0x188: {  	s0 =	sadd.s32 s5, s10  }
0x189: {  	v62 =	vmov s12;
	s0 =	sshra.s32 s0, $0x4  }
0x18a: {  	vm12 =	veq.s32 v62, v7;
	p0 =	sgt.s32 s0, $0x0  }
0x18b: {  	v63 =	vmov s3;
	s0 =	simm.s32 @!p0 $0x0;
	v12 =	vsel vm12, v26, v12;
	vm13 =	veq.s32 v62, v8  }
0x18c: {  	s3 =	sadd.s32 $0x2, s12;
	s0 =	smin.u32 s0, $0x40;
	vm14 =	veq.s32 v63, v7;
	vm7 =	veq.s32 v62, v6;
	v13 =	vsel vm13, v26, v13  }
0x18d: {  	p0 =	sge.u32 s3, s0;
	vm15 =	veq.s32 v63, v8;
	v11 =	vsel vm7, v26, v11;
	vm6 =	veq.s32 v62, v0;
	s6 =	spop (v2sf)  }
.Ltmp9:
0x18e: {  	v12 =	vsel vm14, v28, v12;
	v13 =	vsel vm15, v28, v13;
	s14 =	sxor.u32 $0x80000000, s6;
	v10 =	vsel vm6, v26, v10;
	(pc) =	sbr.rel @p0 .LBB2_24-.Ltmp9, $4  }
0x18f: {  	v17 =	vsel vm6, s14, v17;
	v16 =	vsel vm7, s14, v16;
	v15 =	vsel vm12, s14, v15;
	s28 =	spop (v2sf)  }
0x190: {  	v14 =	vsel vm13, s14, v14;
	vm6 =	veq.s32 v63, v0;
	vm7 =	veq.s32 v63, v6;
	s29 =	sxor.u32 $0x80000000, s28  }
0x191: {  	v10 =	vsel vm6, v28, v10;
	v11 =	vsel vm7, v28, v11;
	v17 =	vsel vm6, s29, v17  }
0x192: {  	[tilespmem:s7+$0x2400] =	vst v58;
	v16 =	vsel vm7, s29, v16;
	v15 =	vsel vm14, s29, v15;
	v14 =	vsel vm15, s29, v14  }
0x193: {  	s4 =	sshll.u32 s12, $0x6  }
0x194: {  	s4 =	sshrl.u32 s4, $0x2  }
0x195: {  	v24 =	vmov s4;
	_ =	sdelay $0x3  }
0x196: {  	s10 =	simm.s32 $0x2820  }
0x197: {  	s5 =	simm.s32 $0x3820;
	v25 =	vld.idx.msk [tilespmem:v24+s10+$0x0 ss:$0x1], $0xffff  }
0x198: {  	s12 =	simm.s32 $0x3020;
	v26 =	vld.idx.msk [tilespmem:v24+s5+$0x0 ss:$0x1], $0xffff  }
0x199: {  	s14 =	simm.s32 $0x2C20;
	v27 =	vld.idx.msk [tilespmem:v24+s12+$0x0 ss:$0x1], $0xffff  }
0x19a: {  	s28 =	simm.s32 $0x3420;
	v28 =	vld.idx.msk [tilespmem:v24+s14+$0x0 ss:$0x1], $0xffff  }
0x19b: {  	v29 =	vld.idx.msk [tilespmem:v24+s28+$0x0 ss:$0x1], $0xffff;
	_ =	sdelay $0x1  }
0x19c: {  	v26 =	vmul.f32 $1.000000000e+01, v26;
	_ =	sdelay $0x1  }
0x19d: {  	v25 =	vadd.f32 v26, v25;
	v28 =	vadd.f32 v28, v26  }
0x19e: {  	v27 =	vadd.f32 v27, v26;
	v26 =	vadd.f32 v29, v26;
	_ =	sdelay $0x1  }
0x19f: {  	v29 =	vsub.f32 v27, v25;
	v30 =	vsub.f32 v26, v28;
	v25 =	vmax.f32 v25, v19  }
0x1a0: {  	v28 =	vmax.f32 v28, v20;
	v27 =	vmin.f32 v27, v21;
	v26 =	vmin.f32 v26, v22  }
0x1a1: {  	v25 =	vsub.f32 v27, v25;
	v26 =	vsub.f32 v26, v28  }
0x1a2: {  	v27 =	vmul.f32 v30, v29  }
0x1a3: {  	v25 =	vmax.f32 v25, $0.0e+00;
	v26 =	vmax.f32 v26, $0.0e+00  }
0x1a4: {  	v26 =	vmul.f32 v26, v25;
	v25 =	vadd.f32 v27, v23;
	_ =	sdelay $0x1  }
0x1a5: {  	v25 =	vsub.f32 v25, v26;
	_ =	sdelay $0x1  }
0x1a6: {  	v25 =	vmax.f32 v25, $9.999999930e-09  }
0x1a7: {  	(erf) = vrcp.f32 v25;
	_ =	sdelay $0x8  }
0x1a8: {  	s29 =	simm.s32 $0x2420;
	s4 =	sadd.s32 $0x20, s11;
	v27 =	vpop (erf)  }
0x1a9: {  	s11 =	sadd.s32 $0x1, s3;
	v28 =	vld.idx.msk [tilespmem:v24+s29+$0x0 ss:$0x1], $0xffff;
	v29 =	vor.u32 s4, v0;
	v27 =	vmul.f32 v27, v26  }
0x1aa: {  	p1 =	sne.s32 s0, s11;
	vm9 =	veq.s32 v29, v18;
	v25 =	vmov s1;
	v26 =	vmov s13  }
.Ltmp10:
0x1ab: {  	vm6 =	vge.s32 v29, v25;
	vm7 =	vlt.s32 v29, v26;
	vm8 =	vgt.f32 v27, $3.000000120e-01;
	(pc) =	sbr.rel @!p1 .LBB2_12-.Ltmp10, $4  }
0x1ac: {  	vm6 =	vmand vm6, vm7;
	vm7 =	vmor vm9, vm8  }
0x1ad: {  	vm6 =	vmand vm6, vm7  }
0x1ae: {  	v31 =	vsel vm6, $0xBF800000, v28  }
0x1af: {  	p0 =	por $0x0, $0x0;
	s5 =	simm.s32 $0x2830;
	s1 =	simm.s32 $0x3C20;
	[tilespmem:v24+s29+$0x0 ss:$0x1] =	vst.idx.msk $0xffff, v31;
	(xrf0) =	vmax.scan.msk.f32 $0xffff, v31  }
0x1b0: {  	_ =	sdelay $0x3  }
0x1b1: {  	v27 =	vld.idx.msk [tilespmem:v24+s5+$0x0 ss:$0x1], $0xffff;
	s12 =	simm.s32 $0x3830  }
0x1b2: {  	s13 =	simm.s32 $0x3030;
	v28 =	vld.idx.msk [tilespmem:v24+s12+$0x0 ss:$0x1], $0xffff  }
0x1b3: {  	s14 =	simm.s32 $0x2C30;
	v29 =	vld.idx.msk [tilespmem:v24+s13+$0x0 ss:$0x1], $0xffff  }
0x1b4: {  	s28 =	simm.s32 $0x3430;
	v30 =	vld.idx.msk [tilespmem:v24+s14+$0x0 ss:$0x1], $0xffff  }
0x1b5: {  	v32 =	vld.idx.msk [tilespmem:v24+s28+$0x0 ss:$0x1], $0xffff  }
0x1b6: {  	v33 =	vld.idx.msk [tilespmem:v24+s1+$0x0 ss:$0x1], $0xffff  }
0x1b7: {  	v28 =	vmul.f32 $1.000000000e+01, v28  }
0x1b8: {  	v34, _, _ =	vpop (xrf0)  }
0x1b9: {  	v34 =	vbroadcast v34, $0xF;
	v27 =	vadd.f32 v28, v27;
	v30 =	vadd.f32 v30, v28  }
0x1ba: {  	v29 =	vadd.f32 v29, v28;
	v28 =	vadd.f32 v32, v28  }
0x1bb: {  	vm6 =	veq.f32 v31, v34;
	v31 =	vxor.u32 $0x80000000, v33  }
0x1bc: {  	v62 =	vsub.f32 v29, v27;
	v63 =	vsub.f32 v28, v30;
	v27 =	vmax.f32 v27, v19  }
0x1bd: {  	v30 =	vmax.f32 v30, v20;
	v29 =	vmin.f32 v29, v21;
	v28 =	vmin.f32 v28, v22  }
0x1be: {  	v27 =	vsub.f32 v29, v27;
	v28 =	vsub.f32 v28, v30;
	v29 =	vnsel vm6, $0xC0000000, v31  }
0x1bf: {  	v30 =	vmul.f32 v63, v62;
	(xrf0) =	vmin.scan.msk.u32 $0xffff, v29  }
0x1c0: {  	v27 =	vmax.f32 v27, $0.0e+00;
	v28 =	vmax.f32 v28, $0.0e+00  }
0x1c1: {  	v27 =	vmul.f32 v28, v27;
	v28 =	vadd.f32 v30, v23;
	_ =	sdelay $0x1  }
0x1c2: {  	v28 =	vsub.f32 v28, v27;
	_ =	sdelay $0x1  }
0x1c3: {  	v28 =	vmax.f32 v28, $9.999999930e-09;
	v29, _, _ =	vpop (xrf0)  }
0x1c4: {  	(erf) = vrcp.f32 v28;
	(v2sf) =	vpush v29, $0xF;
	_ =	sdelay $0x6  }
0x1c5: {  	s10 =	sadd.s32 $0x10, s4  }
0x1c6: {  	v31 =	vor.u32 s10, v0  }
0x1c7: {  	s29 =	simm.s32 $0x2430;
	vm8 =	vge.s32 v31, v25;
	v28 =	vpop (erf)  }
0x1c8: {  	vm9 =	vlt.s32 v31, v26;
	v30 =	vld.idx.msk [tilespmem:v24+s29+$0x0 ss:$0x1], $0xffff;
	v29 =	vmov s3;
	s3 =	sadd.s32 $0x1, s11;
	v27 =	vmul.f32 v28, v27  }
0x1c9: {  	vm11 =	veq.s32 v31, v18;
	vm12 =	vmand vm8, vm9;
	p1 =	sne.s32 s0, s3  }
.Ltmp11:
0x1ca: {  	vm6 =	veq.s32 v29, v0;
	vm7 =	veq.s32 v29, v6;
	vm10 =	vgt.f32 v27, $3.000000120e-01;
	(pc) =	sbr.rel @!p1 .LBB2_20-.Ltmp11, $4  }
0x1cb: {  	vm9 =	veq.s32 v29, v7;
	vm8 =	veq.s32 v29, v8;
	vm10 =	vmor vm11, vm10  }
0x1cc: {  	v10 =	vsel vm6, v34, v10;
	v11 =	vsel vm7, v34, v11;
	vm10 =	vmand vm12, vm10  }
0x1cd: {  	s4 =	simm.s32 $0x2840;
	v12 =	vsel vm9, v34, v12;
	v13 =	vsel vm8, v34, v13;
	v29 =	vmovc v15;
	v31 =	vsel vm10, $0xBF800000, v30;
	s7 =	spop (v2sf)  }
0x1ce: {  	p0 =	por $0x1, $0x1;
	s5 =	simm.s32 $0x3C20;
	v28 =	vmovc v16;
	v27 =	vmov v17;
	v30 =	vmov v14;
	[tilespmem:v24+s29+$0x0 ss:$0x1] =	vst.idx.msk $0xffff, v31;
	(xrf0) =	vmax.scan.msk.f32 $0xffff, v31;
	s6 =	sxor.u32 $0x80000000, s7  }
.LBB2_21:
0x1cf: {  	v32 =	vld.idx.msk [tilespmem:v24+s4+$0x0 ss:$0x1], $0xffff;
	s12 =	sadd.s32 $0x10, s12;
	v27 =	vsel vm6, s6, v27;
	v28 =	vsel vm7, s6, v28;
	v29 =	vsel vm9, s6, v29;
	s7 =	smov.u32 s3  }
0x1d0: {  	s3 =	sadd.s32 $0x1, s3;
	s13 =	sadd.s32 $0x10, s13;
	v30 =	vsel vm8, s6, v30;
	v33 =	vld.idx.msk [tilespmem:v24+s12+$0x0 ss:$0x1], $0xffff  }
0x1d1: {  	s14 =	sadd.s32 $0x10, s14;
	p1 =	sne.s32 s0, s3;
	v34 =	vld.idx.msk [tilespmem:v24+s13+$0x0 ss:$0x1], $0xffff  }
0x1d2: {  	s28 =	sadd.s32 $0x10, s28;
	v35 =	vld.idx.msk [tilespmem:v24+s14+$0x0 ss:$0x1], $0xffff  }
0x1d3: {  	s5 =	sadd.s32 $0x10, s5;
	v36 =	vld.idx.msk [tilespmem:v24+s28+$0x0 ss:$0x1], $0xffff  }
0x1d4: {  	v38 =	vmov s11;
	s11 =	smov.u32 s7;
	v37 =	vld.idx.msk [tilespmem:v24+s5+$0x0 ss:$0x1], $0xffff;
	v39, _, _ =	vpop (xrf0)  }
0x1d5: {  	vm6 =	veq.s32 v38, v0;
	vm7 =	veq.s32 v38, v6;
	v39 =	vbroadcast v39, $0xF  }
0x1d6: {  	vm9 =	veq.s32 v38, v7;
	vm8 =	veq.s32 v38, v8;
	v33 =	vmul.f32 $1.000000000e+01, v33  }
0x1d7: {  	vm10 =	veq.f32 v31, v39;
	v10 =	vsel vm6, v39, v10;
	v11 =	vsel vm7, v39, v11  }
0x1d8: {  	v31 =	vadd.f32 v33, v32;
	v32 =	vadd.f32 v35, v33;
	v12 =	vsel vm9, v39, v12  }
0x1d9: {  	v34 =	vadd.f32 v34, v33;
	v13 =	vsel vm8, v39, v13;
	v33 =	vadd.f32 v36, v33  }
0x1da: {  	v35 =	vxor.u32 $0x80000000, v37  }
0x1db: {  	v36 =	vsub.f32 v34, v31;
	v31 =	vmax.f32 v31, v19;
	v37 =	vsub.f32 v33, v32  }
0x1dc: {  	v34 =	vmin.f32 v34, v21;
	v32 =	vmax.f32 v32, v20;
	v33 =	vmin.f32 v33, v22  }
0x1dd: {  	v31 =	vsub.f32 v34, v31;
	v32 =	vsub.f32 v33, v32;
	v33 =	vnsel vm10, $0xC0000000, v35  }
0x1de: {  	v34 =	vmul.f32 v37, v36;
	(xrf0) =	vmin.scan.msk.u32 $0xffff, v33  }
0x1df: {  	v31 =	vmax.f32 v31, $0.0e+00;
	v32 =	vmax.f32 v32, $0.0e+00  }
0x1e0: {  	v31 =	vmul.f32 v32, v31;
	v32 =	vadd.f32 v34, v23;
	_ =	sdelay $0x1  }
0x1e1: {  	v32 =	vsub.f32 v32, v31;
	_ =	sdelay $0x1  }
0x1e2: {  	v32 =	vmax.f32 v32, $9.999999930e-09;
	v33, _, _ =	vpop (xrf0)  }
0x1e3: {  	(erf) = vrcp.f32 v32;
	(v2sf) =	vpush v33, $0xF;
	_ =	sdelay $0x7  }
0x1e4: {  	s29 =	sadd.s32 $0x10, s29  }
0x1e5: {  	s10 =	sadd.s32 $0x10, s10;
	v32 =	vld.idx.msk [tilespmem:v24+s29+$0x0 ss:$0x1], $0xffff;
	v33 =	vpop (erf)  }
0x1e6: {  	v34 =	vor.u32 s10, v0;
	v31 =	vmul.f32 v33, v31  }
0x1e7: {  	vm10 =	vge.s32 v34, v25  }
.Ltmp12:
0x1e8: {  	vm11 =	vlt.s32 v34, v26;
	vm13 =	veq.s32 v34, v18;
	vm12 =	vgt.f32 v31, $3.000000120e-01;
	(pc) =	sbr.rel @p1 .LBB2_21-.Ltmp12, $4  }
0x1e9: {  	vm10 =	vmand vm10, vm11;
	vm11 =	vmor vm13, vm12  }
0x1ea: {  	vm10 =	vmand vm10, vm11  }
0x1eb: {  	v31 =	vsel vm10, $0xBF800000, v32;
	s6 =	spop (v2sf)  }
0x1ec: {  	s4 =	sadd.s32 $0x10, s4;
	[tilespmem:v24+s29+$0x0 ss:$0x1] =	vst.idx.msk $0xffff, v31;
	(xrf0) =	vmax.scan.msk.f32 $0xffff, v31;
	s6 =	sxor.u32 $0x80000000, s6  }
.Ltmp13:
0x1ed: {  	(pc) =	sbr.rel .LBB2_23-.Ltmp13, $2  }
0x1ee: {  	_ =	sdelay $0x2  }
0x1ef: {  	s3 =	smov.u32 s11  }
.LBB2_20:
.Ltmp14:
0x1f0: {  	(pc) =	sbr.rel .LBB2_23-.Ltmp14, $2  }
0x1f1: {  	_ =	sdelay $0x2  }
0x1f2: {  	v27 =	vmovc v17;
	v28 =	vmov v16;
	v29 =	vmov v15;
	v30 =	vmov v14;
	s5 =	simm.s32 $0x3C20;
	s3 =	smov.u32 s11  }
.LBB2_13:
.Ltmp15:
0x1f3: {  	s6 =	rddreg [dreg:$0x2];
	(pc) =	sbr.rel @p0 .LBB2_17-.Ltmp15, $4  }
0x1f4: {  	s7 =	rddreg [dreg:$0x3]  }
0x1f5: {  	s11 =	smov.u32 s8;
	s8 =	rddreg [dreg:$0x4];
	s10 =	simm.s32 $0x400  }
0x1f6: {  	s12 =	simm.s32 $0x800;
	s13 =	simm.s32 $0xC00;
	s14 =	simm.s32 $0x1000  }
0x1f7: {  	s28 =	simm.s32 $0x1400;
	s29 =	rddreg [dreg:$0x5];
	s31 =	simm.s32 $0x80  }
.LBB2_14:
0x1f8: {  	s1 =	sshll.u32 s0, $0x6  }
0x1f9: {  	p0 =	sne.s32 s1, $0x18C0  }
.Ltmp16:
0x1fa: {  	_ = 	snop;
	(pc) =	sbr.rel @!p0 .LBB2_16-.Ltmp16, $2  }
0x1fb: {  	_ =	sdelay $0x2  }
0x1fc: {  	s0 =	sadd.s32 $0x40, s1;
	s1 =	sshra.s32 s1, $0x2  }
.LBB2_15:
0x1fd: {  	p0 =	sne.s32 s0, $0x18C0;
	[tilespmem:s1+$0x4280] =	vst v9;
	s1 =	smov.u32 s0;
	s0 =	sadd.s32 $0x40, s0  }
.Ltmp17:
0x1fe: {  	(pc) =	sbr.rel @p0 .LBB2_15-.Ltmp17, $2  }
0x1ff: {  	_ =	sdelay $0x2  }
0x200: {  	s1 =	sshra.s32 s1, $0x2  }
.Ltmp18:
0x201: {  	_ = 	snop;
	(pc) =	sbr.rel .LBB2_16-.Ltmp18, $1  }
0x202: {  	_ =	sdelay $0x3  }
.LBB2_18:
0x203: {  	_ =	sfence.sel $0x180000  }
0x204: {  	[bflag:$0x0] =	sbarrier.arrive $0xFFFF  }
0x205: {  	_ =	strace $0x90000047  }
0x206: {  	s0 =	stileid.u32;
	[bflag:$0x2] =	sbarrier.arrive $0xFFFF  }
0x207: {  	p0 =	sne.s32 s0, $0x0;
	s0 =	rddreg [dreg:$0x1]  }
0x208: {  	s0 =	sadd.s32 @!p0 $0x100000, s0  }
0x209: {  	[sflag:s0] =	ssyncadd.tile.s32 @!p0 $0x1;
	_ =	shalt  }
.Lfunc_end2:
_tile_overlayer_lowered:
.L_overlay_start_2:
0x20a: {  	(tag) =	ssettag $0x2  }
0x20b: {  	s0 =	rddreg [dreg:$0x0];
	s2 =	stileid.u32  }
0x20c: {  	s1 =	rddreg [dreg:$0x1];
	p0 =	sne.s32 s2, $0x0  }
0x20d: {  	s3 =	rddreg [dreg:$0x2];
	[bflag:$0x3] =	sbarrier.arrive $0xFFFF;
	s2 =	simm.s32 @!p0 $0x1C02  }
0x20e: {  	[timem:s3], [sflag:s2] =	dma.local @!p0 [hbm:s0], s1  }
0x20f: {  	s0 =	simm.s32 @!p0 $0x2  }
0x210: {  	_ =	swait.ge @!p0 [sflag:s0], s1  }
0x211: {  	s1 =	ssub.s32 @!p0 $0x0, s1;
	[sflag:s0] =	ssyncset.done @!p0 $0x0  }
0x212: {  	[sflag:s0] =	ssyncadd.s32 @!p0 s1  }
0x213: {  	[bflag:$0x3] =	sbarrier.arrive $0xFFFF  }
0x214: {  	_ =	shalt  }

</sc_bundles>
